<compile_context>
chip_gen: v7x
topology: tpu7x:2x2x1
jax: 0.10.2.dev20260603
libtpu: 0.0.44.dev20260713+nightly
codegen_flags: <defaults>
</compile_context>

<pallas_src>
import functools

import jax
import jax.numpy as jnp
from jax import lax
from jax.experimental import pallas as pl
from jax.experimental.pallas import tpu as pltpu
from jax.experimental.pallas import tpu_sc as plsc

N = 10000
E = 320000
D = 128

NC = 2
NS = 16
NW = NC * NS
CH = 128
STEPS = 80
HSTEPS = 40
EPW = STEPS * CH
EPAD = NW * EPW
NPAD = 10240
RPT = NPAD // NS
CCHUNKS = [(o, min(CH, RPT - o)) for o in range(0, RPT, CH)]

BR = 400


def _p1_body(x_ref, w_ref, wb_ref, g_ref, b_ref, m_ref):
    h = lax.dot_general(x_ref[...], w_ref[...], (((1,), (1,)), ((), ())),
                        preferred_element_type=jnp.float32,
                        precision=lax.Precision.HIGHEST)
    h = h + wb_ref[...]
    mu = jnp.mean(h, axis=-1, keepdims=True)
    var = jnp.mean((h - mu) * (h - mu), axis=-1, keepdims=True)
    m_ref[...] = (h - mu) * lax.rsqrt(var + 1e-5) * g_ref[...] + b_ref[...]


def _p3_body(x_ref, a0_ref, a1_ref, lf_ref, ow_ref, ob_ref, xi_ref, o_ref):
    u = x_ref[...] + a0_ref[...] + a1_ref[...] + xi_ref[0, 0] * lf_ref[...]
    u = jnp.maximum(u, 0.0)
    o_ref[...] = lax.dot_general(u, ow_ref[...], (((1,), (1,)), ((), ())),
                                 preferred_element_type=jnp.float32,
                                 precision=lax.Precision.HIGHEST) + ob_ref[...] + u


def _sc_body(m_hbm, src_hbm, dst_hbm, acc0_hbm, acc1_hbm,
             src_v, dst_v, rows0, rows1, acc_sh, semg0, semg1):
    c = lax.axis_index("c")
    s = lax.axis_index("s")
    wid = s * NC + c
    base = s * RPT

    def _z(i, carry):
        r = i // (D // 16)
        q = (i % (D // 16)) * 16
        rows0[r, pl.ds(q, 16)] = jnp.zeros((16,), jnp.float32)
        return carry
    lax.fori_loop(0, CH * (D // 16), _z, 0)
    dinit = [pltpu.async_copy(rows0.at[pl.ds(0, sz)],
                              acc_sh.at[pl.ds(base + o, sz)], semg0)
             for o, sz in CCHUNKS]
    for d in dinit:
        d.wait()
    plsc.subcore_barrier()

    UNR = 8
    rows = (rows0, rows1)
    sems = (semg0, semg1)

    def _oct(i, carry):
        j = UNR * i
        d = [pltpu.async_copy(m_hbm.at[src_v.at[j]], rows0, semg0),
             pltpu.async_copy(m_hbm.at[src_v.at[j + 1]], rows1, semg1)]
        for k in range(UNR):
            b = k % 2
            d[b].wait()
            pltpu.sync_copy(rows[b], acc_sh.at[dst_v.at[j + k]], add=True)
            if k + 2 < UNR:
                d[b] = pltpu.async_copy(m_hbm.at[src_v.at[j + k + 2]],
                                        rows[b], sems[b])
        return carry

    for ph in range(STEPS // HSTEPS):
        pltpu.sync_copy(src_hbm.at[wid, pl.ds(ph * HSTEPS, HSTEPS + 8)],
                        src_v)
        pltpu.sync_copy(dst_hbm.at[wid, pl.ds(ph * HSTEPS, HSTEPS)], dst_v)
        lax.fori_loop(0, HSTEPS // UNR, _oct, 0)

    plsc.subcore_barrier()

    crows = (rows0, rows1)
    csems = (semg0, semg1)
    nck = len(CCHUNKS)
    d_in = {}
    d_out = {}
    for k in range(min(2, nck)):
        o, sz = CCHUNKS[k]
        d_in[k] = pltpu.async_copy(acc_sh.at[pl.ds(base + o, sz)],
                                   crows[k % 2].at[pl.ds(0, sz)],
                                   csems[k % 2])
    for k in range(nck):
        b = k % 2
        o, sz = CCHUNKS[k]
        lo = base + o
        d_in[k].wait()
        @pl.when(c == 0)
        def _():
            pltpu.sync_copy(crows[b].at[pl.ds(0, sz)],
                            acc0_hbm.at[pl.ds(lo, sz)])
        @pl.when(c == 1)
        def _():
            pltpu.sync_copy(crows[b].at[pl.ds(0, sz)],
                            acc1_hbm.at[pl.ds(lo, sz)])
        if k + 2 < nck:
            o2, sz2 = CCHUNKS[k + 2]
            d_in[k + 2] = pltpu.async_copy(
                acc_sh.at[pl.ds(base + o2, sz2)],
                crows[b].at[pl.ds(0, sz2)], csems[b])


_sc_scatter = functools.partial(
    pl.kernel,
    out_type=(jax.ShapeDtypeStruct((NPAD, D), jnp.float32),
              jax.ShapeDtypeStruct((NPAD, D), jnp.float32)),
    mesh=plsc.VectorSubcoreMesh(core_axis_name="c", subcore_axis_name="s",
                                num_cores=NC, num_subcores=NS),
    scratch_types=[
        pltpu.VMEM((HSTEPS + 8, CH), jnp.int32),
        pltpu.VMEM((HSTEPS, CH), jnp.int32),
        pltpu.VMEM((CH, D), jnp.float32),
        pltpu.VMEM((CH, D), jnp.float32),
        pltpu.VMEM_SHARED((NPAD, D), jnp.float32),
        pltpu.SemaphoreType.DMA,
        pltpu.SemaphoreType.DMA,
    ],
)(_sc_body)


_p1_call = pl.pallas_call(
    _p1_body,
    grid=(N // BR,),
    in_specs=[
        pl.BlockSpec((BR, D), lambda i: (i, 0)),
        pl.BlockSpec((D, D), lambda i: (0, 0)),
        pl.BlockSpec((1, D), lambda i: (0, 0)),
        pl.BlockSpec((1, D), lambda i: (0, 0)),
        pl.BlockSpec((1, D), lambda i: (0, 0)),
    ],
    out_specs=pl.BlockSpec((BR, D), lambda i: (i, 0)),
    out_shape=jax.ShapeDtypeStruct((N, D), jnp.float32),
)

_p3_call = pl.pallas_call(
    _p3_body,
    grid=(N // BR,),
    in_specs=[
        pl.BlockSpec((BR, D), lambda i: (i, 0)),
        pl.BlockSpec((BR, D), lambda i: (i, 0)),
        pl.BlockSpec((BR, D), lambda i: (i, 0)),
        pl.BlockSpec((BR, D), lambda i: (i, 0)),
        pl.BlockSpec((D, D), lambda i: (0, 0)),
        pl.BlockSpec((1, D), lambda i: (0, 0)),
        pl.BlockSpec(memory_space=pltpu.SMEM),
    ],
    out_specs=pl.BlockSpec((BR, D), lambda i: (i, 0)),
    out_shape=jax.ShapeDtypeStruct((N, D), jnp.float32),
)


def kernel(x, edge_index, edge_attr, local_features, timestep,
           gamma, eta, xi, W_w, W_b, ln_g, ln_b, out_w, out_b):
    gamma_t = jax.nn.sigmoid(gamma[timestep])
    eta_t = jax.nn.sigmoid(eta[timestep])
    c0 = gamma_t * (1.0 - eta_t)
    g2 = (c0 * ln_g).reshape(1, D)
    b2 = (c0 * ln_b).reshape(1, D)
    m = _p1_call(x, W_w, W_b.reshape(1, D), g2, b2)

    src = edge_index[0]
    dst = edge_index[1]
    pad = EPAD - E
    pad_src = (jnp.arange(pad, dtype=jnp.int32) * 7) % N
    pad_dst = N + (jnp.arange(pad, dtype=jnp.int32) % (NPAD - N))
    src_p = jnp.concatenate([src, pad_src]).reshape(NW, STEPS, CH)
    src_p = jnp.concatenate(
        [src_p, jnp.zeros((NW, 8, CH), jnp.int32)], axis=1)
    dst_p = jnp.concatenate([dst, pad_dst]).reshape(NW, STEPS, CH)

    acc0, acc1 = _sc_scatter(m, src_p, dst_p)

    return _p3_call(x, acc0, acc1, local_features, out_w,
                    out_b.reshape(1, D), xi.reshape(1, 1))

# --- scband reference (transcript-rebuilt; emitter-appended) ---
"""Pipeline reference for scband-srt-gt-31533649887821 (READ-ONLY COPY).

The authoritative reference and input builder live on the scoring server;
editing this copy changes nothing except your own understanding.
"""

import jax, jax.numpy as jnp
import numpy as np

N = 10000
E = 320000
D = 128
T = 4
D_EDGE = 16


def _layer_norm(h, g, b, eps=1e-5):
    mean = jnp.mean(h, axis=-1, keepdims=True)
    var = jnp.var(h, axis=-1, keepdims=True)
    return (h - mean) / jnp.sqrt(var + eps) * g + b


def setup_inputs(seed: int = 0):
    key = jax.random.key(seed)
    ks = jax.random.split(key, 10)
    x = jax.random.normal(ks[0], (N, D), dtype=jnp.float32)
    edge_index = jax.random.randint(ks[1], (2, E), 0, N, dtype=jnp.int32)
    edge_attr = jax.random.normal(ks[2], (E, D_EDGE), dtype=jnp.float32)
    local_features = jax.random.normal(ks[3], (N, D), dtype=jnp.float32)
    timestep = 0
    # parameters (matching SRT_GT init)
    gamma = jnp.full((T,), 0.15, dtype=jnp.float32)
    eta = jnp.full((T,), 0.6, dtype=jnp.float32)
    xi = jnp.full((1,), 0.2, dtype=jnp.float32)
    # W_t[timestep]: Linear(D,D) + LayerNorm(D)
    W_w = jax.random.normal(ks[4], (D, D), dtype=jnp.float32) * (1.0 / np.sqrt(D))
    W_b = jnp.zeros((D,), dtype=jnp.float32)
    ln_g = jnp.ones((D,), dtype=jnp.float32)
    ln_b = jnp.zeros((D,), dtype=jnp.float32)
    out_w = jax.random.normal(ks[5], (D, D), dtype=jnp.float32) * (1.0 / np.sqrt(D))
    out_b = jnp.zeros((D,), dtype=jnp.float32)
    return {"x": x, "edge_index": edge_index, "edge_attr": edge_attr,
            "local_features": local_features, "timestep": timestep,
            "gamma": gamma, "eta": eta, "xi": xi,
            "W_w": W_w, "W_b": W_b, "ln_g": ln_g, "ln_b": ln_b,
            "out_w": out_w, "out_b": out_b}


def reference(x, edge_index, edge_attr, local_features, timestep,
              gamma, eta, xi, W_w, W_b, ln_g, ln_b, out_w, out_b):
    # Single node-type / single edge-type instantiation of SRT_GT.forward
    src = edge_index[0]
    dst = edge_index[1]
    # messages = LayerNorm(Linear(x[src]))
    msg = x[src] @ W_w.T + W_b
    msg = _layer_norm(msg, ln_g, ln_b)
    gamma_t = jax.nn.sigmoid(gamma[timestep])
    # updated = x.clone(); updated.index_add_(0, dst, gamma_t * msg)
    upd = x.at[dst].add(gamma_t * msg)
    eta_t = jax.nn.sigmoid(eta[timestep])
    upd = (1.0 - eta_t) * upd + eta_t * x
    # local feature injection
    upd = upd + xi[0] * local_features
    upd = jax.nn.relu(upd)
    # output_proj residual
    out = upd @ out_w.T + out_b + upd
    # dropout is identity in eval mode
    return out

if __name__ == "__main__":
    import jax
    _d = setup_inputs()
    print(jax.jit(kernel)(*tuple(_d.values())))

</pallas_src>

<mosaic_0001>
#map = affine_map<(d0, d1) -> (0, 0)>
#map1 = affine_map<(d0, d1) -> (0, 0, 0)>
module attributes {stable_mosaic.version = 14 : i64} {
  func.func @_sc_body(%arg0: i32, %arg1: i32, %arg2: memref<10000x128xf32, #tpu.memory_space<hbm>>, %arg3: memref<32x88x128xi32, #tpu.memory_space<hbm>>, %arg4: memref<32x80x128xi32, #tpu.memory_space<hbm>>, %arg5: memref<10240x128xf32, #tpu.memory_space<hbm>>, %arg6: memref<10240x128xf32, #tpu.memory_space<hbm>>, %arg7: memref<48x128xi32, #tpu.memory_space<vmem>>, %arg8: memref<40x128xi32, #tpu.memory_space<vmem>>, %arg9: memref<128x128xf32, #tpu.memory_space<vmem>>, %arg10: memref<128x128xf32, #tpu.memory_space<vmem>>, %arg11: memref<10240x128xf32, #tpu.memory_space<vmem_shared>>, %arg12: memref<!tpu.dma_semaphore, #tpu.memory_space<semaphore_mem>>, %arg13: memref<!tpu.dma_semaphore, #tpu.memory_space<semaphore_mem>>) attributes {dimension_semantics = [#tpu.dimension_semantics<core_parallel>, #tpu.dimension_semantics<subcore_parallel>], iteration_bounds = array<i64: 2, 16>, scalar_prefetch = 0 : i64, scratch_operands = 7 : i64, tpu.core_type = #tpu.core_type<sc_vector_subcore>, window_params = [{transform_indices = #map}, {transform_indices = #map1}, {transform_indices = #map1}, {transform_indices = #map}, {transform_indices = #map}]} {
    %mul3A = arith.constant 2 : i32
    %mul3A_0 = arith.muli %arg1, %mul3A : i32
    %add3A = arith.addi %mul3A_0, %arg0 : i32
    %mul3A_1 = arith.constant 640 : i32
    %mul3A_2 = arith.muli %arg1, %mul3A_1 : i32
    %scan3A = arith.constant 0 : i32
    %scan3A_3 = arith.constant 0 : i32
    %scan3A_4 = arith.constant 1024 : i32
    %scan3A_5 = arith.addi %scan3A_3, %scan3A_4 : i32
    %scan3A_6 = arith.constant 1 : i32
    scf.for %scan3A_296 = %scan3A_3 to %scan3A_5 step %scan3A_6  : i32 {
      %jit3A = arith.constant 8 : i32
      %div3A = arith.divsi %scan3A_296, %jit3A : i32
      %sign3A = arith.constant 0 : i32
      %sign3A_297 = arith.cmpi sgt, %scan3A_296, %sign3A : i32
      %sign3A_298 = arith.extui %sign3A_297 : i1 to i32
      %sign3A_299 = arith.constant 0 : i32
      %sign3A_300 = arith.cmpi slt, %scan3A_296, %sign3A_299 : i32
      %sign3A_301 = arith.extui %sign3A_300 : i1 to i32
      %sign3A_302 = arith.subi %sign3A_298, %sign3A_301 : i32
      %sign3A_303 = arith.constant 0 : i32
      %sign3A_304 = arith.cmpi sgt, %jit3A, %sign3A_303 : i32
      %sign3A_305 = arith.extui %sign3A_304 : i1 to i32
      %sign3A_306 = arith.constant 0 : i32
      %sign3A_307 = arith.cmpi slt, %jit3A, %sign3A_306 : i32
      %sign3A_308 = arith.extui %sign3A_307 : i1 to i32
      %sign3A_309 = arith.subi %sign3A_305, %sign3A_308 : i32
      %ne3A = arith.cmpi ne, %sign3A_302, %sign3A_309 : i32
      %rem3A = arith.remsi %scan3A_296, %jit3A : i32
      %ne3A_310 = arith.constant 0 : i32
      %ne3A_311 = arith.cmpi ne, %rem3A, %ne3A_310 : i32
      %and3A = arith.andi %ne3A, %ne3A_311 : i1
      %sub3A = arith.constant 1 : i32
      %sub3A_312 = arith.subi %div3A, %sub3A : i32
      %select_n3A = arith.select %and3A, %sub3A_312, %div3A : i32
      %jit3A_313 = arith.constant 8 : i32
      %eq3A_314 = arith.constant 0 : i32
      %eq3A_315 = arith.cmpi eq, %jit3A_313, %eq3A_314 : i32
      %jit3A_316 = arith.constant 1 : i32
      %select_n3A_317 = arith.select %eq3A_315, %jit3A_316, %jit3A_313 : i32
      %rem3A_318 = arith.remsi %scan3A_296, %select_n3A_317 : i32
      %ne3A_319 = arith.constant 0 : i32
      %ne3A_320 = arith.cmpi ne, %rem3A_318, %ne3A_319 : i32
      %lt3A = arith.constant 0 : i32
      %lt3A_321 = arith.cmpi slt, %rem3A_318, %lt3A : i32
      %lt3A_322 = arith.constant 0 : i32
      %lt3A_323 = arith.cmpi slt, %select_n3A_317, %lt3A_322 : i32
      %ne3A_324 = arith.xori %lt3A_321, %lt3A_323 : i1
      %and3A_325 = arith.andi %ne3A_324, %ne3A_320 : i1
      %add3A_326 = arith.addi %rem3A_318, %select_n3A_317 : i32
      %select_n3A_327 = arith.select %and3A_325, %add3A_326, %rem3A_318 : i32
      %mul3A_328 = arith.constant 16 : i32
      %mul3A_329 = arith.muli %select_n3A_327, %mul3A_328 : i32
      %broadcast_in_dim3A = arith.constant 0.000000e+00 : f32
      %broadcast_in_dim3A_330 = vector.broadcast %broadcast_in_dim3A : f32 to vector<16xf32>
      %swap3A = arith.index_cast %select_n3A : i32 to index
      %swap3A_331 = arith.index_cast %mul3A_329 : i32 to index
      %swap3A_332 = tpu.vector_load %arg9[%swap3A, %swap3A_331] {strides = array<i32>} : memref<128x128xf32, #tpu.memory_space<vmem>>, vector<1x16xf32>,
      %swap3A_333 = vector.shape_cast %swap3A_332 : vector<1x16xf32> to vector<16xf32>
      %swap3A_334 = vector.shape_cast %broadcast_in_dim3A_330 : vector<16xf32> to vector<1x16xf32>
      tpu.vector_store %arg9[%swap3A, %swap3A_331], %swap3A_334 {strides = array<i32>} : memref<128x128xf32, #tpu.memory_space<vmem>>, vector<1x16xf32>,
    }
    %scan3A_7 = arith.constant 1024 : i32
    %add3A_8 = arith.constant 0 : i32
    %add3A_9 = arith.addi %mul3A_2, %add3A_8 : i32
    %dma_start3A = arith.constant 0 : i32
    %dma_start3A_10 = arith.constant 0 : i32
    %dma_start3A_11 = tpu.memref_slice %arg9[%dma_start3A, %dma_start3A_10] : memref<128x128xf32, #tpu.memory_space<vmem>> -> memref<128x128xf32, #tpu.memory_space<vmem>>
    %dma_start3A_12 = arith.constant 0 : i32
    %dma_start3A_13 = tpu.memref_slice %arg11[%add3A_9, %dma_start3A_12] : memref<10240x128xf32, #tpu.memory_space<vmem_shared>> -> memref<128x128xf32, #tpu.memory_space<vmem_shared>>
    %dma_start3A_14 = arith.constant 0 : i32
    %dma_start3A_15 = tpu.memref_slice %arg11[%add3A_9, %dma_start3A_14] : memref<10240x128xf32, #tpu.memory_space<vmem_shared>> -> memref<128x128xf32, #tpu.memory_space<vmem_shared>>
    %dma_start3A_16 = arith.constant 0 : i32
    %dma_start3A_17 = arith.constant 0 : i32
    %dma_start3A_18 = tpu.memref_slice %arg9[%dma_start3A_16, %dma_start3A_17] : memref<128x128xf32, #tpu.memory_space<vmem>> -> memref<128x128xf32, #tpu.memory_space<vmem>>
    tpu.enqueue_dma source(%dma_start3A_18 : memref<128x128xf32, #tpu.memory_space<vmem>>) target(%dma_start3A_15 : memref<128x128xf32, #tpu.memory_space<vmem_shared>>) target_semaphore(%arg12 : memref<!tpu.dma_semaphore, #tpu.memory_space<semaphore_mem>>)
    %add3A_19 = arith.constant 128 : i32
    %add3A_20 = arith.addi %mul3A_2, %add3A_19 : i32
    %dma_start3A_21 = arith.constant 0 : i32
    %dma_start3A_22 = arith.constant 0 : i32
    %dma_start3A_23 = tpu.memref_slice %arg9[%dma_start3A_21, %dma_start3A_22] : memref<128x128xf32, #tpu.memory_space<vmem>> -> memref<128x128xf32, #tpu.memory_space<vmem>>
    %dma_start3A_24 = arith.constant 0 : i32
    %dma_start3A_25 = tpu.memref_slice %arg11[%add3A_20, %dma_start3A_24] : memref<10240x128xf32, #tpu.memory_space<vmem_shared>> -> memref<128x128xf32, #tpu.memory_space<vmem_shared>>
    %dma_start3A_26 = arith.constant 0 : i32
    %dma_start3A_27 = tpu.memref_slice %arg11[%add3A_20, %dma_start3A_26] : memref<10240x128xf32, #tpu.memory_space<vmem_shared>> -> memref<128x128xf32, #tpu.memory_space<vmem_shared>>
    %dma_start3A_28 = arith.constant 0 : i32
    %dma_start3A_29 = arith.constant 0 : i32
    %dma_start3A_30 = tpu.memref_slice %arg9[%dma_start3A_28, %dma_start3A_29] : memref<128x128xf32, #tpu.memory_space<vmem>> -> memref<128x128xf32, #tpu.memory_space<vmem>>
    tpu.enqueue_dma source(%dma_start3A_30 : memref<128x128xf32, #tpu.memory_space<vmem>>) target(%dma_start3A_27 : memref<128x128xf32, #tpu.memory_space<vmem_shared>>) target_semaphore(%arg12 : memref<!tpu.dma_semaphore, #tpu.memory_space<semaphore_mem>>)
    %add3A_31 = arith.constant 256 : i32
    %add3A_32 = arith.addi %mul3A_2, %add3A_31 : i32
    %dma_start3A_33 = arith.constant 0 : i32
    %dma_start3A_34 = arith.constant 0 : i32
    %dma_start3A_35 = tpu.memref_slice %arg9[%dma_start3A_33, %dma_start3A_34] : memref<128x128xf32, #tpu.memory_space<vmem>> -> memref<128x128xf32, #tpu.memory_space<vmem>>
    %dma_start3A_36 = arith.constant 0 : i32
    %dma_start3A_37 = tpu.memref_slice %arg11[%add3A_32, %dma_start3A_36] : memref<10240x128xf32, #tpu.memory_space<vmem_shared>> -> memref<128x128xf32, #tpu.memory_space<vmem_shared>>
    %dma_start3A_38 = arith.constant 0 : i32
    %dma_start3A_39 = tpu.memref_slice %arg11[%add3A_32, %dma_start3A_38] : memref<10240x128xf32, #tpu.memory_space<vmem_shared>> -> memref<128x128xf32, #tpu.memory_space<vmem_shared>>
    %dma_start3A_40 = arith.constant 0 : i32
    %dma_start3A_41 = arith.constant 0 : i32
    %dma_start3A_42 = tpu.memref_slice %arg9[%dma_start3A_40, %dma_start3A_41] : memref<128x128xf32, #tpu.memory_space<vmem>> -> memref<128x128xf32, #tpu.memory_space<vmem>>
    tpu.enqueue_dma source(%dma_start3A_42 : memref<128x128xf32, #tpu.memory_space<vmem>>) target(%dma_start3A_39 : memref<128x128xf32, #tpu.memory_space<vmem_shared>>) target_semaphore(%arg12 : memref<!tpu.dma_semaphore, #tpu.memory_space<semaphore_mem>>)
    %add3A_43 = arith.constant 384 : i32
    %add3A_44 = arith.addi %mul3A_2, %add3A_43 : i32
    %dma_start3A_45 = arith.constant 0 : i32
    %dma_start3A_46 = arith.constant 0 : i32
    %dma_start3A_47 = tpu.memref_slice %arg9[%dma_start3A_45, %dma_start3A_46] : memref<128x128xf32, #tpu.memory_space<vmem>> -> memref<128x128xf32, #tpu.memory_space<vmem>>
    %dma_start3A_48 = arith.constant 0 : i32
    %dma_start3A_49 = tpu.memref_slice %arg11[%add3A_44, %dma_start3A_48] : memref<10240x128xf32, #tpu.memory_space<vmem_shared>> -> memref<128x128xf32, #tpu.memory_space<vmem_shared>>
    %dma_start3A_50 = arith.constant 0 : i32
    %dma_start3A_51 = tpu.memref_slice %arg11[%add3A_44, %dma_start3A_50] : memref<10240x128xf32, #tpu.memory_space<vmem_shared>> -> memref<128x128xf32, #tpu.memory_space<vmem_shared>>
    %dma_start3A_52 = arith.constant 0 : i32
    %dma_start3A_53 = arith.constant 0 : i32
    %dma_start3A_54 = tpu.memref_slice %arg9[%dma_start3A_52, %dma_start3A_53] : memref<128x128xf32, #tpu.memory_space<vmem>> -> memref<128x128xf32, #tpu.memory_space<vmem>>
    tpu.enqueue_dma source(%dma_start3A_54 : memref<128x128xf32, #tpu.memory_space<vmem>>) target(%dma_start3A_51 : memref<128x128xf32, #tpu.memory_space<vmem_shared>>) target_semaphore(%arg12 : memref<!tpu.dma_semaphore, #tpu.memory_space<semaphore_mem>>)
    %add3A_55 = arith.constant 512 : i32
    %add3A_56 = arith.addi %mul3A_2, %add3A_55 : i32
    %dma_start3A_57 = arith.constant 0 : i32
    %dma_start3A_58 = arith.constant 0 : i32
    %dma_start3A_59 = tpu.memref_slice %arg9[%dma_start3A_57, %dma_start3A_58] : memref<128x128xf32, #tpu.memory_space<vmem>> -> memref<128x128xf32, #tpu.memory_space<vmem>>
    %dma_start3A_60 = arith.constant 0 : i32
    %dma_start3A_61 = tpu.memref_slice %arg11[%add3A_56, %dma_start3A_60] : memref<10240x128xf32, #tpu.memory_space<vmem_shared>> -> memref<128x128xf32, #tpu.memory_space<vmem_shared>>
    %dma_start3A_62 = arith.constant 0 : i32
    %dma_start3A_63 = tpu.memref_slice %arg11[%add3A_56, %dma_start3A_62] : memref<10240x128xf32, #tpu.memory_space<vmem_shared>> -> memref<128x128xf32, #tpu.memory_space<vmem_shared>>
    %dma_start3A_64 = arith.constant 0 : i32
    %dma_start3A_65 = arith.constant 0 : i32
    %dma_start3A_66 = tpu.memref_slice %arg9[%dma_start3A_64, %dma_start3A_65] : memref<128x128xf32, #tpu.memory_space<vmem>> -> memref<128x128xf32, #tpu.memory_space<vmem>>
    tpu.enqueue_dma source(%dma_start3A_66 : memref<128x128xf32, #tpu.memory_space<vmem>>) target(%dma_start3A_63 : memref<128x128xf32, #tpu.memory_space<vmem_shared>>) target_semaphore(%arg12 : memref<!tpu.dma_semaphore, #tpu.memory_space<semaphore_mem>>)
    %dma_wait3A = arith.constant 0 : i32
    %dma_wait3A_67 = arith.constant 0 : i32
    %dma_wait3A_68 = tpu.memref_slice %arg9[%dma_wait3A, %dma_wait3A_67] : memref<128x128xf32, #tpu.memory_space<vmem>> -> memref<128x128xf32, #tpu.memory_space<vmem>>
    %dma_wait3A_69 = arith.constant 0 : i32
    %dma_wait3A_70 = tpu.memref_slice %arg11[%add3A_9, %dma_wait3A_69] : memref<10240x128xf32, #tpu.memory_space<vmem_shared>> -> memref<128x128xf32, #tpu.memory_space<vmem_shared>>
    %dma_wait3A_71 = arith.constant 0 : i32
    %dma_wait3A_72 = tpu.memref_slice %arg11[%add3A_9, %dma_wait3A_71] : memref<10240x128xf32, #tpu.memory_space<vmem_shared>> -> memref<128x128xf32, #tpu.memory_space<vmem_shared>>
    %dma_wait3A_73 = arith.constant 0 : i32
    %dma_wait3A_74 = arith.constant 0 : i32
    %dma_wait3A_75 = tpu.memref_slice %arg9[%dma_wait3A_73, %dma_wait3A_74] : memref<128x128xf32, #tpu.memory_space<vmem>> -> memref<128x128xf32, #tpu.memory_space<vmem>>
    tpu.wait_dma2 semaphore(%arg12 : memref<!tpu.dma_semaphore, #tpu.memory_space<semaphore_mem>>) src(%dma_wait3A_75 : memref<128x128xf32, #tpu.memory_space<vmem>>) dst(%dma_wait3A_72 : memref<128x128xf32, #tpu.memory_space<vmem_shared>>)
    %dma_wait3A_76 = arith.constant 0 : i32
    %dma_wait3A_77 = arith.constant 0 : i32
    %dma_wait3A_78 = tpu.memref_slice %arg9[%dma_wait3A_76, %dma_wait3A_77] : memref<128x128xf32, #tpu.memory_space<vmem>> -> memref<128x128xf32, #tpu.memory_space<vmem>>
    %dma_wait3A_79 = arith.constant 0 : i32
    %dma_wait3A_80 = tpu.memref_slice %arg11[%add3A_20, %dma_wait3A_79] : memref<10240x128xf32, #tpu.memory_space<vmem_shared>> -> memref<128x128xf32, #tpu.memory_space<vmem_shared>>
    %dma_wait3A_81 = arith.constant 0 : i32
    %dma_wait3A_82 = tpu.memref_slice %arg11[%add3A_20, %dma_wait3A_81] : memref<10240x128xf32, #tpu.memory_space<vmem_shared>> -> memref<128x128xf32, #tpu.memory_space<vmem_shared>>
    %dma_wait3A_83 = arith.constant 0 : i32
    %dma_wait3A_84 = arith.constant 0 : i32
    %dma_wait3A_85 = tpu.memref_slice %arg9[%dma_wait3A_83, %dma_wait3A_84] : memref<128x128xf32, #tpu.memory_space<vmem>> -> memref<128x128xf32, #tpu.memory_space<vmem>>
    tpu.wait_dma2 semaphore(%arg12 : memref<!tpu.dma_semaphore, #tpu.memory_space<semaphore_mem>>) src(%dma_wait3A_85 : memref<128x128xf32, #tpu.memory_space<vmem>>) dst(%dma_wait3A_82 : memref<128x128xf32, #tpu.memory_space<vmem_shared>>)
    %dma_wait3A_86 = arith.constant 0 : i32
    %dma_wait3A_87 = arith.constant 0 : i32
    %dma_wait3A_88 = tpu.memref_slice %arg9[%dma_wait3A_86, %dma_wait3A_87] : memref<128x128xf32, #tpu.memory_space<vmem>> -> memref<128x128xf32, #tpu.memory_space<vmem>>
    %dma_wait3A_89 = arith.constant 0 : i32
    %dma_wait3A_90 = tpu.memref_slice %arg11[%add3A_32, %dma_wait3A_89] : memref<10240x128xf32, #tpu.memory_space<vmem_shared>> -> memref<128x128xf32, #tpu.memory_space<vmem_shared>>
    %dma_wait3A_91 = arith.constant 0 : i32
    %dma_wait3A_92 = tpu.memref_slice %arg11[%add3A_32, %dma_wait3A_91] : memref<10240x128xf32, #tpu.memory_space<vmem_shared>> -> memref<128x128xf32, #tpu.memory_space<vmem_shared>>
    %dma_wait3A_93 = arith.constant 0 : i32
    %dma_wait3A_94 = arith.constant 0 : i32
    %dma_wait3A_95 = tpu.memref_slice %arg9[%dma_wait3A_93, %dma_wait3A_94] : memref<128x128xf32, #tpu.memory_space<vmem>> -> memref<128x128xf32, #tpu.memory_space<vmem>>
    tpu.wait_dma2 semaphore(%arg12 : memref<!tpu.dma_semaphore, #tpu.memory_space<semaphore_mem>>) src(%dma_wait3A_95 : memref<128x128xf32, #tpu.memory_space<vmem>>) dst(%dma_wait3A_92 : memref<128x128xf32, #tpu.memory_space<vmem_shared>>)
    %dma_wait3A_96 = arith.constant 0 : i32
    %dma_wait3A_97 = arith.constant 0 : i32
    %dma_wait3A_98 = tpu.memref_slice %arg9[%dma_wait3A_96, %dma_wait3A_97] : memref<128x128xf32, #tpu.memory_space<vmem>> -> memref<128x128xf32, #tpu.memory_space<vmem>>
    %dma_wait3A_99 = arith.constant 0 : i32
    %dma_wait3A_100 = tpu.memref_slice %arg11[%add3A_44, %dma_wait3A_99] : memref<10240x128xf32, #tpu.memory_space<vmem_shared>> -> memref<128x128xf32, #tpu.memory_space<vmem_shared>>
    %dma_wait3A_101 = arith.constant 0 : i32
    %dma_wait3A_102 = tpu.memref_slice %arg11[%add3A_44, %dma_wait3A_101] : memref<10240x128xf32, #tpu.memory_space<vmem_shared>> -> memref<128x128xf32, #tpu.memory_space<vmem_shared>>
    %dma_wait3A_103 = arith.constant 0 : i32
    %dma_wait3A_104 = arith.constant 0 : i32
    %dma_wait3A_105 = tpu.memref_slice %arg9[%dma_wait3A_103, %dma_wait3A_104] : memref<128x128xf32, #tpu.memory_space<vmem>> -> memref<128x128xf32, #tpu.memory_space<vmem>>
    tpu.wait_dma2 semaphore(%arg12 : memref<!tpu.dma_semaphore, #tpu.memory_space<semaphore_mem>>) src(%dma_wait3A_105 : memref<128x128xf32, #tpu.memory_space<vmem>>) dst(%dma_wait3A_102 : memref<128x128xf32, #tpu.memory_space<vmem_shared>>)
    %dma_wait3A_106 = arith.constant 0 : i32
    %dma_wait3A_107 = arith.constant 0 : i32
    %dma_wait3A_108 = tpu.memref_slice %arg9[%dma_wait3A_106, %dma_wait3A_107] : memref<128x128xf32, #tpu.memory_space<vmem>> -> memref<128x128xf32, #tpu.memory_space<vmem>>
    %dma_wait3A_109 = arith.constant 0 : i32
    %dma_wait3A_110 = tpu.memref_slice %arg11[%add3A_56, %dma_wait3A_109] : memref<10240x128xf32, #tpu.memory_space<vmem_shared>> -> memref<128x128xf32, #tpu.memory_space<vmem_shared>>
    %dma_wait3A_111 = arith.constant 0 : i32
    %dma_wait3A_112 = tpu.memref_slice %arg11[%add3A_56, %dma_wait3A_111] : memref<10240x128xf32, #tpu.memory_space<vmem_shared>> -> memref<128x128xf32, #tpu.memory_space<vmem_shared>>
    %dma_wait3A_113 = arith.constant 0 : i32
    %dma_wait3A_114 = arith.constant 0 : i32
    %dma_wait3A_115 = tpu.memref_slice %arg9[%dma_wait3A_113, %dma_wait3A_114] : memref<128x128xf32, #tpu.memory_space<vmem>> -> memref<128x128xf32, #tpu.memory_space<vmem>>
    tpu.wait_dma2 semaphore(%arg12 : memref<!tpu.dma_semaphore, #tpu.memory_space<semaphore_mem>>) src(%dma_wait3A_115 : memref<128x128xf32, #tpu.memory_space<vmem>>) dst(%dma_wait3A_112 : memref<128x128xf32, #tpu.memory_space<vmem_shared>>)
    %barrier3A = arith.constant 0 : index
    tpu.barrier barrier_id(%barrier3A)
    "tpu.region"() ({
      %run_scoped3A = tpu.sem_alloc : memref<!tpu.dma_semaphore, #tpu.memory_space<semaphore_mem>>
      %dma_start3A_296 = arith.constant 0 : i32
      %dma_start3A_297 = arith.constant 0 : i32
      %dma_start3A_298 = tpu.memref_slice %arg3[%add3A, %dma_start3A_296, %dma_start3A_297] : memref<32x88x128xi32, #tpu.memory_space<hbm>> -> memref<1x48x128xi32, #tpu.memory_space<hbm>>
      %dma_start3A_299 = tpu.memref_squeeze %dma_start3A_298 : memref<1x48x128xi32, #tpu.memory_space<hbm>> -> memref<48x128xi32, #tpu.memory_space<hbm>>
      %dma_start3A_300 = arith.constant 0 : i32
      %dma_start3A_301 = arith.constant 0 : i32
      %dma_start3A_302 = tpu.memref_slice %arg3[%add3A, %dma_start3A_300, %dma_start3A_301] : memref<32x88x128xi32, #tpu.memory_space<hbm>> -> memref<1x48x128xi32, #tpu.memory_space<hbm>>
      %dma_start3A_303 = tpu.memref_squeeze %dma_start3A_302 : memref<1x48x128xi32, #tpu.memory_space<hbm>> -> memref<48x128xi32, #tpu.memory_space<hbm>>
      tpu.enqueue_dma source(%dma_start3A_303 : memref<48x128xi32, #tpu.memory_space<hbm>>) target(%arg7 : memref<48x128xi32, #tpu.memory_space<vmem>>) target_semaphore(%run_scoped3A : memref<!tpu.dma_semaphore, #tpu.memory_space<semaphore_mem>>)
      %dma_wait3A_304 = arith.constant 0 : i32
      %dma_wait3A_305 = arith.constant 0 : i32
      %dma_wait3A_306 = tpu.memref_slice %arg3[%add3A, %dma_wait3A_304, %dma_wait3A_305] : memref<32x88x128xi32, #tpu.memory_space<hbm>> -> memref<1x48x128xi32, #tpu.memory_space<hbm>>
      %dma_wait3A_307 = tpu.memref_squeeze %dma_wait3A_306 : memref<1x48x128xi32, #tpu.memory_space<hbm>> -> memref<48x128xi32, #tpu.memory_space<hbm>>
      %dma_wait3A_308 = arith.constant 0 : i32
      %dma_wait3A_309 = arith.constant 0 : i32
      %dma_wait3A_310 = tpu.memref_slice %arg3[%add3A, %dma_wait3A_308, %dma_wait3A_309] : memref<32x88x128xi32, #tpu.memory_space<hbm>> -> memref<1x48x128xi32, #tpu.memory_space<hbm>>
      %dma_wait3A_311 = tpu.memref_squeeze %dma_wait3A_310 : memref<1x48x128xi32, #tpu.memory_space<hbm>> -> memref<48x128xi32, #tpu.memory_space<hbm>>
      tpu.wait_dma2 semaphore(%run_scoped3A : memref<!tpu.dma_semaphore, #tpu.memory_space<semaphore_mem>>) src(%dma_wait3A_311 : memref<48x128xi32, #tpu.memory_space<hbm>>) dst(%arg7 : memref<48x128xi32, #tpu.memory_space<vmem>>)
      tpu.yield
    }) : () -> ()
    "tpu.region"() ({
      %run_scoped3A = tpu.sem_alloc : memref<!tpu.dma_semaphore, #tpu.memory_space<semaphore_mem>>
      %dma_start3A_296 = arith.constant 0 : i32
      %dma_start3A_297 = arith.constant 0 : i32
      %dma_start3A_298 = tpu.memref_slice %arg4[%add3A, %dma_start3A_296, %dma_start3A_297] : memref<32x80x128xi32, #tpu.memory_space<hbm>> -> memref<1x40x128xi32, #tpu.memory_space<hbm>>
      %dma_start3A_299 = tpu.memref_squeeze %dma_start3A_298 : memref<1x40x128xi32, #tpu.memory_space<hbm>> -> memref<40x128xi32, #tpu.memory_space<hbm>>
      %dma_start3A_300 = arith.constant 0 : i32
      %dma_start3A_301 = arith.constant 0 : i32
      %dma_start3A_302 = tpu.memref_slice %arg4[%add3A, %dma_start3A_300, %dma_start3A_301] : memref<32x80x128xi32, #tpu.memory_space<hbm>> -> memref<1x40x128xi32, #tpu.memory_space<hbm>>
      %dma_start3A_303 = tpu.memref_squeeze %dma_start3A_302 : memref<1x40x128xi32, #tpu.memory_space<hbm>> -> memref<40x128xi32, #tpu.memory_space<hbm>>
      tpu.enqueue_dma source(%dma_start3A_303 : memref<40x128xi32, #tpu.memory_space<hbm>>) target(%arg8 : memref<40x128xi32, #tpu.memory_space<vmem>>) target_semaphore(%run_scoped3A : memref<!tpu.dma_semaphore, #tpu.memory_space<semaphore_mem>>)
      %dma_wait3A_304 = arith.constant 0 : i32
      %dma_wait3A_305 = arith.constant 0 : i32
      %dma_wait3A_306 = tpu.memref_slice %arg4[%add3A, %dma_wait3A_304, %dma_wait3A_305] : memref<32x80x128xi32, #tpu.memory_space<hbm>> -> memref<1x40x128xi32, #tpu.memory_space<hbm>>
      %dma_wait3A_307 = tpu.memref_squeeze %dma_wait3A_306 : memref<1x40x128xi32, #tpu.memory_space<hbm>> -> memref<40x128xi32, #tpu.memory_space<hbm>>
      %dma_wait3A_308 = arith.constant 0 : i32
      %dma_wait3A_309 = arith.constant 0 : i32
      %dma_wait3A_310 = tpu.memref_slice %arg4[%add3A, %dma_wait3A_308, %dma_wait3A_309] : memref<32x80x128xi32, #tpu.memory_space<hbm>> -> memref<1x40x128xi32, #tpu.memory_space<hbm>>
      %dma_wait3A_311 = tpu.memref_squeeze %dma_wait3A_310 : memref<1x40x128xi32, #tpu.memory_space<hbm>> -> memref<40x128xi32, #tpu.memory_space<hbm>>
      tpu.wait_dma2 semaphore(%run_scoped3A : memref<!tpu.dma_semaphore, #tpu.memory_space<semaphore_mem>>) src(%dma_wait3A_311 : memref<40x128xi32, #tpu.memory_space<hbm>>) dst(%arg8 : memref<40x128xi32, #tpu.memory_space<vmem>>)
      tpu.yield
    }) : () -> ()
    %scan3A_116 = arith.constant 0 : i32
    %scan3A_117 = arith.constant 0 : i32
    %scan3A_118 = arith.constant 5 : i32
    %scan3A_119 = arith.addi %scan3A_117, %scan3A_118 : i32
    %scan3A_120 = arith.constant 1 : i32
    scf.for %scan3A_296 = %scan3A_117 to %scan3A_119 step %scan3A_120  : i32 {
      %mul3A_297 = arith.constant 8 : i32
      %mul3A_298 = arith.muli %mul3A_297, %scan3A_296 : i32
      %dma_start3A_299 = arith.constant 0 : i32
      %dma_start3A_300 = tpu.memref_slice %arg7[%mul3A_298, %dma_start3A_299] : memref<48x128xi32, #tpu.memory_space<vmem>> -> memref<1x128xi32, #tpu.memory_space<vmem>>
      %dma_start3A_301 = tpu.memref_squeeze %dma_start3A_300 : memref<1x128xi32, #tpu.memory_space<vmem>> -> memref<128xi32, #tpu.memory_space<vmem>>
      %dma_start3A_302 = arith.constant 0 : i32
      %dma_start3A_303 = arith.constant 0 : i32
      %dma_start3A_304 = tpu.memref_slice %arg2[%dma_start3A_302, %dma_start3A_303] : memref<10000x128xf32, #tpu.memory_space<hbm>> -> memref<10000x128xf32, #tpu.memory_space<hbm>>
      tpu.enqueue_indirect_dma source(%dma_start3A_304 : memref<10000x128xf32, #tpu.memory_space<hbm>>) target(%arg9 : memref<128x128xf32, #tpu.memory_space<vmem>>) offsets(%dma_start3A_301 : memref<128xi32, #tpu.memory_space<vmem>>) semaphore(%arg12 : memref<!tpu.dma_semaphore, #tpu.memory_space<semaphore_mem>>)
      %add3A_305 = arith.constant 1 : i32
      %add3A_306 = arith.addi %mul3A_298, %add3A_305 : i32
      %dma_start3A_307 = arith.constant 0 : i32
      %dma_start3A_308 = tpu.memref_slice %arg7[%add3A_306, %dma_start3A_307] : memref<48x128xi32, #tpu.memory_space<vmem>> -> memref<1x128xi32, #tpu.memory_space<vmem>>
      %dma_start3A_309 = tpu.memref_squeeze %dma_start3A_308 : memref<1x128xi32, #tpu.memory_space<vmem>> -> memref<128xi32, #tpu.memory_space<vmem>>
      %dma_start3A_310 = arith.constant 0 : i32
      %dma_start3A_311 = arith.constant 0 : i32
      %dma_start3A_312 = tpu.memref_slice %arg2[%dma_start3A_310, %dma_start3A_311] : memref<10000x128xf32, #tpu.memory_space<hbm>> -> memref<10000x128xf32, #tpu.memory_space<hbm>>
      tpu.enqueue_indirect_dma source(%dma_start3A_312 : memref<10000x128xf32, #tpu.memory_space<hbm>>) target(%arg10 : memref<128x128xf32, #tpu.memory_space<vmem>>) offsets(%dma_start3A_309 : memref<128xi32, #tpu.memory_space<vmem>>) semaphore(%arg13 : memref<!tpu.dma_semaphore, #tpu.memory_space<semaphore_mem>>)
      %dma_wait3A_313 = arith.constant 0 : i32
      %dma_wait3A_314 = tpu.memref_slice %arg7[%mul3A_298, %dma_wait3A_313] : memref<48x128xi32, #tpu.memory_space<vmem>> -> memref<1x128xi32, #tpu.memory_space<vmem>>
      %dma_wait3A_315 = tpu.memref_squeeze %dma_wait3A_314 : memref<1x128xi32, #tpu.memory_space<vmem>> -> memref<128xi32, #tpu.memory_space<vmem>>
      %dma_wait3A_316 = arith.constant 0 : i32
      %dma_wait3A_317 = arith.constant 0 : i32
      %dma_wait3A_318 = tpu.memref_slice %arg2[%dma_wait3A_316, %dma_wait3A_317] : memref<10000x128xf32, #tpu.memory_space<hbm>> -> memref<10000x128xf32, #tpu.memory_space<hbm>>
      tpu.wait_indirect_dma semaphore(%arg12 : memref<!tpu.dma_semaphore, #tpu.memory_space<semaphore_mem>>) src(%dma_wait3A_318 : memref<10000x128xf32, #tpu.memory_space<hbm>>) dst(%arg9 : memref<128x128xf32, #tpu.memory_space<vmem>>)
      %add3A_319 = arith.constant 0 : i32
      %add3A_320 = arith.addi %mul3A_298, %add3A_319 : i32
      "tpu.region"() ({
        %run_scoped3A = tpu.sem_alloc : memref<!tpu.dma_semaphore, #tpu.memory_space<semaphore_mem>>
        %dma_start3A_437 = arith.constant 0 : i32
        %dma_start3A_438 = tpu.memref_slice %arg8[%add3A_320, %dma_start3A_437] : memref<40x128xi32, #tpu.memory_space<vmem>> -> memref<1x128xi32, #tpu.memory_space<vmem>>
        %dma_start3A_439 = tpu.memref_squeeze %dma_start3A_438 : memref<1x128xi32, #tpu.memory_space<vmem>> -> memref<128xi32, #tpu.memory_space<vmem>>
        %dma_start3A_440 = arith.constant 0 : i32
        %dma_start3A_441 = arith.constant 0 : i32
        %dma_start3A_442 = tpu.memref_slice %arg11[%dma_start3A_440, %dma_start3A_441] : memref<10240x128xf32, #tpu.memory_space<vmem_shared>> -> memref<10240x128xf32, #tpu.memory_space<vmem_shared>>
        tpu.enqueue_indirect_dma source(%arg9 : memref<128x128xf32, #tpu.memory_space<vmem>>) target(%dma_start3A_442 : memref<10240x128xf32, #tpu.memory_space<vmem_shared>>) offsets(%dma_start3A_439 : memref<128xi32, #tpu.memory_space<vmem>>) semaphore(%run_scoped3A : memref<!tpu.dma_semaphore, #tpu.memory_space<semaphore_mem>>) {add = true}
        %dma_wait3A_443 = arith.constant 0 : i32
        %dma_wait3A_444 = tpu.memref_slice %arg8[%add3A_320, %dma_wait3A_443] : memref<40x128xi32, #tpu.memory_space<vmem>> -> memref<1x128xi32, #tpu.memory_space<vmem>>
        %dma_wait3A_445 = tpu.memref_squeeze %dma_wait3A_444 : memref<1x128xi32, #tpu.memory_space<vmem>> -> memref<128xi32, #tpu.memory_space<vmem>>
        %dma_wait3A_446 = arith.constant 0 : i32
        %dma_wait3A_447 = arith.constant 0 : i32
        %dma_wait3A_448 = tpu.memref_slice %arg11[%dma_wait3A_446, %dma_wait3A_447] : memref<10240x128xf32, #tpu.memory_space<vmem_shared>> -> memref<10240x128xf32, #tpu.memory_space<vmem_shared>>
        tpu.wait_indirect_dma semaphore(%run_scoped3A : memref<!tpu.dma_semaphore, #tpu.memory_space<semaphore_mem>>) src(%arg9 : memref<128x128xf32, #tpu.memory_space<vmem>>) dst(%dma_wait3A_448 : memref<10240x128xf32, #tpu.memory_space<vmem_shared>>)
        tpu.yield
      }) : () -> ()
      %add3A_321 = arith.constant 0 : i32
      %add3A_322 = arith.addi %mul3A_298, %add3A_321 : i32
      %add3A_323 = arith.constant 2 : i32
      %add3A_324 = arith.addi %add3A_322, %add3A_323 : i32
      %dma_start3A_325 = arith.constant 0 : i32
      %dma_start3A_326 = tpu.memref_slice %arg7[%add3A_324, %dma_start3A_325] : memref<48x128xi32, #tpu.memory_space<vmem>> -> memref<1x128xi32, #tpu.memory_space<vmem>>
      %dma_start3A_327 = tpu.memref_squeeze %dma_start3A_326 : memref<1x128xi32, #tpu.memory_space<vmem>> -> memref<128xi32, #tpu.memory_space<vmem>>
      %dma_start3A_328 = arith.constant 0 : i32
      %dma_start3A_329 = arith.constant 0 : i32
      %dma_start3A_330 = tpu.memref_slice %arg2[%dma_start3A_328, %dma_start3A_329] : memref<10000x128xf32, #tpu.memory_space<hbm>> -> memref<10000x128xf32, #tpu.memory_space<hbm>>
      tpu.enqueue_indirect_dma source(%dma_start3A_330 : memref<10000x128xf32, #tpu.memory_space<hbm>>) target(%arg9 : memref<128x128xf32, #tpu.memory_space<vmem>>) offsets(%dma_start3A_327 : memref<128xi32, #tpu.memory_space<vmem>>) semaphore(%arg12 : memref<!tpu.dma_semaphore, #tpu.memory_space<semaphore_mem>>)
      %dma_wait3A_331 = arith.constant 0 : i32
      %dma_wait3A_332 = tpu.memref_slice %arg7[%add3A_306, %dma_wait3A_331] : memref<48x128xi32, #tpu.memory_space<vmem>> -> memref<1x128xi32, #tpu.memory_space<vmem>>
      %dma_wait3A_333 = tpu.memref_squeeze %dma_wait3A_332 : memref<1x128xi32, #tpu.memory_space<vmem>> -> memref<128xi32, #tpu.memory_space<vmem>>
      %dma_wait3A_334 = arith.constant 0 : i32
      %dma_wait3A_335 = arith.constant 0 : i32
      %dma_wait3A_336 = tpu.memref_slice %arg2[%dma_wait3A_334, %dma_wait3A_335] : memref<10000x128xf32, #tpu.memory_space<hbm>> -> memref<10000x128xf32, #tpu.memory_space<hbm>>
      tpu.wait_indirect_dma semaphore(%arg13 : memref<!tpu.dma_semaphore, #tpu.memory_space<semaphore_mem>>) src(%dma_wait3A_336 : memref<10000x128xf32, #tpu.memory_space<hbm>>) dst(%arg10 : memref<128x128xf32, #tpu.memory_space<vmem>>)
      %add3A_337 = arith.constant 1 : i32
      %add3A_338 = arith.addi %mul3A_298, %add3A_337 : i32
      "tpu.region"() ({
        %run_scoped3A = tpu.sem_alloc : memref<!tpu.dma_semaphore, #tpu.memory_space<semaphore_mem>>
        %dma_start3A_437 = arith.constant 0 : i32
        %dma_start3A_438 = tpu.memref_slice %arg8[%add3A_338, %dma_start3A_437] : memref<40x128xi32, #tpu.memory_space<vmem>> -> memref<1x128xi32, #tpu.memory_space<vmem>>
        %dma_start3A_439 = tpu.memref_squeeze %dma_start3A_438 : memref<1x128xi32, #tpu.memory_space<vmem>> -> memref<128xi32, #tpu.memory_space<vmem>>
        %dma_start3A_440 = arith.constant 0 : i32
        %dma_start3A_441 = arith.constant 0 : i32
        %dma_start3A_442 = tpu.memref_slice %arg11[%dma_start3A_440, %dma_start3A_441] : memref<10240x128xf32, #tpu.memory_space<vmem_shared>> -> memref<10240x128xf32, #tpu.memory_space<vmem_shared>>
        tpu.enqueue_indirect_dma source(%arg10 : memref<128x128xf32, #tpu.memory_space<vmem>>) target(%dma_start3A_442 : memref<10240x128xf32, #tpu.memory_space<vmem_shared>>) offsets(%dma_start3A_439 : memref<128xi32, #tpu.memory_space<vmem>>) semaphore(%run_scoped3A : memref<!tpu.dma_semaphore, #tpu.memory_space<semaphore_mem>>) {add = true}
        %dma_wait3A_443 = arith.constant 0 : i32
        %dma_wait3A_444 = tpu.memref_slice %arg8[%add3A_338, %dma_wait3A_443] : memref<40x128xi32, #tpu.memory_space<vmem>> -> memref<1x128xi32, #tpu.memory_space<vmem>>
        %dma_wait3A_445 = tpu.memref_squeeze %dma_wait3A_444 : memref<1x128xi32, #tpu.memory_space<vmem>> -> memref<128xi32, #tpu.memory_space<vmem>>
        %dma_wait3A_446 = arith.constant 0 : i32
        %dma_wait3A_447 = arith.constant 0 : i32
        %dma_wait3A_448 = tpu.memref_slice %arg11[%dma_wait3A_446, %dma_wait3A_447] : memref<10240x128xf32, #tpu.memory_space<vmem_shared>> -> memref<10240x128xf32, #tpu.memory_space<vmem_shared>>
        tpu.wait_indirect_dma semaphore(%run_scoped3A : memref<!tpu.dma_semaphore, #tpu.memory_space<semaphore_mem>>) src(%arg10 : memref<128x128xf32, #tpu.memory_space<vmem>>) dst(%dma_wait3A_448 : memref<10240x128xf32, #tpu.memory_space<vmem_shared>>)
        tpu.yield
      }) : () -> ()
      %add3A_339 = arith.constant 1 : i32
      %add3A_340 = arith.addi %mul3A_298, %add3A_339 : i32
      %add3A_341 = arith.constant 2 : i32
      %add3A_342 = arith.addi %add3A_340, %add3A_341 : i32
      %dma_start3A_343 = arith.constant 0 : i32
      %dma_start3A_344 = tpu.memref_slice %arg7[%add3A_342, %dma_start3A_343] : memref<48x128xi32, #tpu.memory_space<vmem>> -> memref<1x128xi32, #tpu.memory_space<vmem>>
      %dma_start3A_345 = tpu.memref_squeeze %dma_start3A_344 : memref<1x128xi32, #tpu.memory_space<vmem>> -> memref<128xi32, #tpu.memory_space<vmem>>
      %dma_start3A_346 = arith.constant 0 : i32
      %dma_start3A_347 = arith.constant 0 : i32
      %dma_start3A_348 = tpu.memref_slice %arg2[%dma_start3A_346, %dma_start3A_347] : memref<10000x128xf32, #tpu.memory_space<hbm>> -> memref<10000x128xf32, #tpu.memory_space<hbm>>
      tpu.enqueue_indirect_dma source(%dma_start3A_348 : memref<10000x128xf32, #tpu.memory_space<hbm>>) target(%arg10 : memref<128x128xf32, #tpu.memory_space<vmem>>) offsets(%dma_start3A_345 : memref<128xi32, #tpu.memory_space<vmem>>) semaphore(%arg13 : memref<!tpu.dma_semaphore, #tpu.memory_space<semaphore_mem>>)
      %dma_wait3A_349 = arith.constant 0 : i32
      %dma_wait3A_350 = tpu.memref_slice %arg7[%add3A_324, %dma_wait3A_349] : memref<48x128xi32, #tpu.memory_space<vmem>> -> memref<1x128xi32, #tpu.memory_space<vmem>>
      %dma_wait3A_351 = tpu.memref_squeeze %dma_wait3A_350 : memref<1x128xi32, #tpu.memory_space<vmem>> -> memref<128xi32, #tpu.memory_space<vmem>>
      %dma_wait3A_352 = arith.constant 0 : i32
      %dma_wait3A_353 = arith.constant 0 : i32
      %dma_wait3A_354 = tpu.memref_slice %arg2[%dma_wait3A_352, %dma_wait3A_353] : memref<10000x128xf32, #tpu.memory_space<hbm>> -> memref<10000x128xf32, #tpu.memory_space<hbm>>
      tpu.wait_indirect_dma semaphore(%arg12 : memref<!tpu.dma_semaphore, #tpu.memory_space<semaphore_mem>>) src(%dma_wait3A_354 : memref<10000x128xf32, #tpu.memory_space<hbm>>) dst(%arg9 : memref<128x128xf32, #tpu.memory_space<vmem>>)
      %add3A_355 = arith.constant 2 : i32
      %add3A_356 = arith.addi %mul3A_298, %add3A_355 : i32
      "tpu.region"() ({
        %run_scoped3A = tpu.sem_alloc : memref<!tpu.dma_semaphore, #tpu.memory_space<semaphore_mem>>
        %dma_start3A_437 = arith.constant 0 : i32
        %dma_start3A_438 = tpu.memref_slice %arg8[%add3A_356, %dma_start3A_437] : memref<40x128xi32, #tpu.memory_space<vmem>> -> memref<1x128xi32, #tpu.memory_space<vmem>>
        %dma_start3A_439 = tpu.memref_squeeze %dma_start3A_438 : memref<1x128xi32, #tpu.memory_space<vmem>> -> memref<128xi32, #tpu.memory_space<vmem>>
        %dma_start3A_440 = arith.constant 0 : i32
        %dma_start3A_441 = arith.constant 0 : i32
        %dma_start3A_442 = tpu.memref_slice %arg11[%dma_start3A_440, %dma_start3A_441] : memref<10240x128xf32, #tpu.memory_space<vmem_shared>> -> memref<10240x128xf32, #tpu.memory_space<vmem_shared>>
        tpu.enqueue_indirect_dma source(%arg9 : memref<128x128xf32, #tpu.memory_space<vmem>>) target(%dma_start3A_442 : memref<10240x128xf32, #tpu.memory_space<vmem_shared>>) offsets(%dma_start3A_439 : memref<128xi32, #tpu.memory_space<vmem>>) semaphore(%run_scoped3A : memref<!tpu.dma_semaphore, #tpu.memory_space<semaphore_mem>>) {add = true}
        %dma_wait3A_443 = arith.constant 0 : i32
        %dma_wait3A_444 = tpu.memref_slice %arg8[%add3A_356, %dma_wait3A_443] : memref<40x128xi32, #tpu.memory_space<vmem>> -> memref<1x128xi32, #tpu.memory_space<vmem>>
        %dma_wait3A_445 = tpu.memref_squeeze %dma_wait3A_444 : memref<1x128xi32, #tpu.memory_space<vmem>> -> memref<128xi32, #tpu.memory_space<vmem>>
        %dma_wait3A_446 = arith.constant 0 : i32
        %dma_wait3A_447 = arith.constant 0 : i32
        %dma_wait3A_448 = tpu.memref_slice %arg11[%dma_wait3A_446, %dma_wait3A_447] : memref<10240x128xf32, #tpu.memory_space<vmem_shared>> -> memref<10240x128xf32, #tpu.memory_space<vmem_shared>>
        tpu.wait_indirect_dma semaphore(%run_scoped3A : memref<!tpu.dma_semaphore, #tpu.memory_space<semaphore_mem>>) src(%arg9 : memref<128x128xf32, #tpu.memory_space<vmem>>) dst(%dma_wait3A_448 : memref<10240x128xf32, #tpu.memory_space<vmem_shared>>)
        tpu.yield
      }) : () -> ()
      %add3A_357 = arith.constant 2 : i32
      %add3A_358 = arith.addi %mul3A_298, %add3A_357 : i32
      %add3A_359 = arith.constant 2 : i32
      %add3A_360 = arith.addi %add3A_358, %add3A_359 : i32
      %dma_start3A_361 = arith.constant 0 : i32
      %dma_start3A_362 = tpu.memref_slice %arg7[%add3A_360, %dma_start3A_361] : memref<48x128xi32, #tpu.memory_space<vmem>> -> memref<1x128xi32, #tpu.memory_space<vmem>>
      %dma_start3A_363 = tpu.memref_squeeze %dma_start3A_362 : memref<1x128xi32, #tpu.memory_space<vmem>> -> memref<128xi32, #tpu.memory_space<vmem>>
      %dma_start3A_364 = arith.constant 0 : i32
      %dma_start3A_365 = arith.constant 0 : i32
      %dma_start3A_366 = tpu.memref_slice %arg2[%dma_start3A_364, %dma_start3A_365] : memref<10000x128xf32, #tpu.memory_space<hbm>> -> memref<10000x128xf32, #tpu.memory_space<hbm>>
      tpu.enqueue_indirect_dma source(%dma_start3A_366 : memref<10000x128xf32, #tpu.memory_space<hbm>>) target(%arg9 : memref<128x128xf32, #tpu.memory_space<vmem>>) offsets(%dma_start3A_363 : memref<128xi32, #tpu.memory_space<vmem>>) semaphore(%arg12 : memref<!tpu.dma_semaphore, #tpu.memory_space<semaphore_mem>>)
      %dma_wait3A_367 = arith.constant 0 : i32
      %dma_wait3A_368 = tpu.memref_slice %arg7[%add3A_342, %dma_wait3A_367] : memref<48x128xi32, #tpu.memory_space<vmem>> -> memref<1x128xi32, #tpu.memory_space<vmem>>
      %dma_wait3A_369 = tpu.memref_squeeze %dma_wait3A_368 : memref<1x128xi32, #tpu.memory_space<vmem>> -> memref<128xi32, #tpu.memory_space<vmem>>
      %dma_wait3A_370 = arith.constant 0 : i32
      %dma_wait3A_371 = arith.constant 0 : i32
      %dma_wait3A_372 = tpu.memref_slice %arg2[%dma_wait3A_370, %dma_wait3A_371] : memref<10000x128xf32, #tpu.memory_space<hbm>> -> memref<10000x128xf32, #tpu.memory_space<hbm>>
      tpu.wait_indirect_dma semaphore(%arg13 : memref<!tpu.dma_semaphore, #tpu.memory_space<semaphore_mem>>) src(%dma_wait3A_372 : memref<10000x128xf32, #tpu.memory_space<hbm>>) dst(%arg10 : memref<128x128xf32, #tpu.memory_space<vmem>>)
      %add3A_373 = arith.constant 3 : i32
      %add3A_374 = arith.addi %mul3A_298, %add3A_373 : i32
      "tpu.region"() ({
        %run_scoped3A = tpu.sem_alloc : memref<!tpu.dma_semaphore, #tpu.memory_space<semaphore_mem>>
        %dma_start3A_437 = arith.constant 0 : i32
        %dma_start3A_438 = tpu.memref_slice %arg8[%add3A_374, %dma_start3A_437] : memref<40x128xi32, #tpu.memory_space<vmem>> -> memref<1x128xi32, #tpu.memory_space<vmem>>
        %dma_start3A_439 = tpu.memref_squeeze %dma_start3A_438 : memref<1x128xi32, #tpu.memory_space<vmem>> -> memref<128xi32, #tpu.memory_space<vmem>>
        %dma_start3A_440 = arith.constant 0 : i32
        %dma_start3A_441 = arith.constant 0 : i32
        %dma_start3A_442 = tpu.memref_slice %arg11[%dma_start3A_440, %dma_start3A_441] : memref<10240x128xf32, #tpu.memory_space<vmem_shared>> -> memref<10240x128xf32, #tpu.memory_space<vmem_shared>>
        tpu.enqueue_indirect_dma source(%arg10 : memref<128x128xf32, #tpu.memory_space<vmem>>) target(%dma_start3A_442 : memref<10240x128xf32, #tpu.memory_space<vmem_shared>>) offsets(%dma_start3A_439 : memref<128xi32, #tpu.memory_space<vmem>>) semaphore(%run_scoped3A : memref<!tpu.dma_semaphore, #tpu.memory_space<semaphore_mem>>) {add = true}
        %dma_wait3A_443 = arith.constant 0 : i32
        %dma_wait3A_444 = tpu.memref_slice %arg8[%add3A_374, %dma_wait3A_443] : memref<40x128xi32, #tpu.memory_space<vmem>> -> memref<1x128xi32, #tpu.memory_space<vmem>>
        %dma_wait3A_445 = tpu.memref_squeeze %dma_wait3A_444 : memref<1x128xi32, #tpu.memory_space<vmem>> -> memref<128xi32, #tpu.memory_space<vmem>>
        %dma_wait3A_446 = arith.constant 0 : i32
        %dma_wait3A_447 = arith.constant 0 : i32
        %dma_wait3A_448 = tpu.memref_slice %arg11[%dma_wait3A_446, %dma_wait3A_447] : memref<10240x128xf32, #tpu.memory_space<vmem_shared>> -> memref<10240x128xf32, #tpu.memory_space<vmem_shared>>
        tpu.wait_indirect_dma semaphore(%run_scoped3A : memref<!tpu.dma_semaphore, #tpu.memory_space<semaphore_mem>>) src(%arg10 : memref<128x128xf32, #tpu.memory_space<vmem>>) dst(%dma_wait3A_448 : memref<10240x128xf32, #tpu.memory_space<vmem_shared>>)
        tpu.yield
      }) : () -> ()
      %add3A_375 = arith.constant 3 : i32
      %add3A_376 = arith.addi %mul3A_298, %add3A_375 : i32
      %add3A_377 = arith.constant 2 : i32
      %add3A_378 = arith.addi %add3A_376, %add3A_377 : i32
      %dma_start3A_379 = arith.constant 0 : i32
      %dma_start3A_380 = tpu.memref_slice %arg7[%add3A_378, %dma_start3A_379] : memref<48x128xi32, #tpu.memory_space<vmem>> -> memref<1x128xi32, #tpu.memory_space<vmem>>
      %dma_start3A_381 = tpu.memref_squeeze %dma_start3A_380 : memref<1x128xi32, #tpu.memory_space<vmem>> -> memref<128xi32, #tpu.memory_space<vmem>>
      %dma_start3A_382 = arith.constant 0 : i32
      %dma_start3A_383 = arith.constant 0 : i32
      %dma_start3A_384 = tpu.memref_slice %arg2[%dma_start3A_382, %dma_start3A_383] : memref<10000x128xf32, #tpu.memory_space<hbm>> -> memref<10000x128xf32, #tpu.memory_space<hbm>>
      tpu.enqueue_indirect_dma source(%dma_start3A_384 : memref<10000x128xf32, #tpu.memory_space<hbm>>) target(%arg10 : memref<128x128xf32, #tpu.memory_space<vmem>>) offsets(%dma_start3A_381 : memref<128xi32, #tpu.memory_space<vmem>>) semaphore(%arg13 : memref<!tpu.dma_semaphore, #tpu.memory_space<semaphore_mem>>)
      %dma_wait3A_385 = arith.constant 0 : i32
      %dma_wait3A_386 = tpu.memref_slice %arg7[%add3A_360, %dma_wait3A_385] : memref<48x128xi32, #tpu.memory_space<vmem>> -> memref<1x128xi32, #tpu.memory_space<vmem>>
      %dma_wait3A_387 = tpu.memref_squeeze %dma_wait3A_386 : memref<1x128xi32, #tpu.memory_space<vmem>> -> memref<128xi32, #tpu.memory_space<vmem>>
      %dma_wait3A_388 = arith.constant 0 : i32
      %dma_wait3A_389 = arith.constant 0 : i32
      %dma_wait3A_390 = tpu.memref_slice %arg2[%dma_wait3A_388, %dma_wait3A_389] : memref<10000x128xf32, #tpu.memory_space<hbm>> -> memref<10000x128xf32, #tpu.memory_space<hbm>>
      tpu.wait_indirect_dma semaphore(%arg12 : memref<!tpu.dma_semaphore, #tpu.memory_space<semaphore_mem>>) src(%dma_wait3A_390 : memref<10000x128xf32, #tpu.memory_space<hbm>>) dst(%arg9 : memref<128x128xf32, #tpu.memory_space<vmem>>)
      %add3A_391 = arith.constant 4 : i32
      %add3A_392 = arith.addi %mul3A_298, %add3A_391 : i32
      "tpu.region"() ({
        %run_scoped3A = tpu.sem_alloc : memref<!tpu.dma_semaphore, #tpu.memory_space<semaphore_mem>>
        %dma_start3A_437 = arith.constant 0 : i32
        %dma_start3A_438 = tpu.memref_slice %arg8[%add3A_392, %dma_start3A_437] : memref<40x128xi32, #tpu.memory_space<vmem>> -> memref<1x128xi32, #tpu.memory_space<vmem>>
        %dma_start3A_439 = tpu.memref_squeeze %dma_start3A_438 : memref<1x128xi32, #tpu.memory_space<vmem>> -> memref<128xi32, #tpu.memory_space<vmem>>
        %dma_start3A_440 = arith.constant 0 : i32
        %dma_start3A_441 = arith.constant 0 : i32
        %dma_start3A_442 = tpu.memref_slice %arg11[%dma_start3A_440, %dma_start3A_441] : memref<10240x128xf32, #tpu.memory_space<vmem_shared>> -> memref<10240x128xf32, #tpu.memory_space<vmem_shared>>
        tpu.enqueue_indirect_dma source(%arg9 : memref<128x128xf32, #tpu.memory_space<vmem>>) target(%dma_start3A_442 : memref<10240x128xf32, #tpu.memory_space<vmem_shared>>) offsets(%dma_start3A_439 : memref<128xi32, #tpu.memory_space<vmem>>) semaphore(%run_scoped3A : memref<!tpu.dma_semaphore, #tpu.memory_space<semaphore_mem>>) {add = true}
        %dma_wait3A_443 = arith.constant 0 : i32
        %dma_wait3A_444 = tpu.memref_slice %arg8[%add3A_392, %dma_wait3A_443] : memref<40x128xi32, #tpu.memory_space<vmem>> -> memref<1x128xi32, #tpu.memory_space<vmem>>
        %dma_wait3A_445 = tpu.memref_squeeze %dma_wait3A_444 : memref<1x128xi32, #tpu.memory_space<vmem>> -> memref<128xi32, #tpu.memory_space<vmem>>
        %dma_wait3A_446 = arith.constant 0 : i32
        %dma_wait3A_447 = arith.constant 0 : i32
        %dma_wait3A_448 = tpu.memref_slice %arg11[%dma_wait3A_446, %dma_wait3A_447] : memref<10240x128xf32, #tpu.memory_space<vmem_shared>> -> memref<10240x128xf32, #tpu.memory_space<vmem_shared>>
        tpu.wait_indirect_dma semaphore(%run_scoped3A : memref<!tpu.dma_semaphore, #tpu.memory_space<semaphore_mem>>) src(%arg9 : memref<128x128xf32, #tpu.memory_space<vmem>>) dst(%dma_wait3A_448 : memref<10240x128xf32, #tpu.memory_space<vmem_shared>>)
        tpu.yield
      }) : () -> ()
      %add3A_393 = arith.constant 4 : i32
      %add3A_394 = arith.addi %mul3A_298, %add3A_393 : i32
      %add3A_395 = arith.constant 2 : i32
      %add3A_396 = arith.addi %add3A_394, %add3A_395 : i32
      %dma_start3A_397 = arith.constant 0 : i32
      %dma_start3A_398 = tpu.memref_slice %arg7[%add3A_396, %dma_start3A_397] : memref<48x128xi32, #tpu.memory_space<vmem>> -> memref<1x128xi32, #tpu.memory_space<vmem>>
      %dma_start3A_399 = tpu.memref_squeeze %dma_start3A_398 : memref<1x128xi32, #tpu.memory_space<vmem>> -> memref<128xi32, #tpu.memory_space<vmem>>
      %dma_start3A_400 = arith.constant 0 : i32
      %dma_start3A_401 = arith.constant 0 : i32
      %dma_start3A_402 = tpu.memref_slice %arg2[%dma_start3A_400, %dma_start3A_401] : memref<10000x128xf32, #tpu.memory_space<hbm>> -> memref<10000x128xf32, #tpu.memory_space<hbm>>
      tpu.enqueue_indirect_dma source(%dma_start3A_402 : memref<10000x128xf32, #tpu.memory_space<hbm>>) target(%arg9 : memref<128x128xf32, #tpu.memory_space<vmem>>) offsets(%dma_start3A_399 : memref<128xi32, #tpu.memory_space<vmem>>) semaphore(%arg12 : memref<!tpu.dma_semaphore, #tpu.memory_space<semaphore_mem>>)
      %dma_wait3A_403 = arith.constant 0 : i32
      %dma_wait3A_404 = tpu.memref_slice %arg7[%add3A_378, %dma_wait3A_403] : memref<48x128xi32, #tpu.memory_space<vmem>> -> memref<1x128xi32, #tpu.memory_space<vmem>>
      %dma_wait3A_405 = tpu.memref_squeeze %dma_wait3A_404 : memref<1x128xi32, #tpu.memory_space<vmem>> -> memref<128xi32, #tpu.memory_space<vmem>>
      %dma_wait3A_406 = arith.constant 0 : i32
      %dma_wait3A_407 = arith.constant 0 : i32
      %dma_wait3A_408 = tpu.memref_slice %arg2[%dma_wait3A_406, %dma_wait3A_407] : memref<10000x128xf32, #tpu.memory_space<hbm>> -> memref<10000x128xf32, #tpu.memory_space<hbm>>
      tpu.wait_indirect_dma semaphore(%arg13 : memref<!tpu.dma_semaphore, #tpu.memory_space<semaphore_mem>>) src(%dma_wait3A_408 : memref<10000x128xf32, #tpu.memory_space<hbm>>) dst(%arg10 : memref<128x128xf32, #tpu.memory_space<vmem>>)
      %add3A_409 = arith.constant 5 : i32
      %add3A_410 = arith.addi %mul3A_298, %add3A_409 : i32
      "tpu.region"() ({
        %run_scoped3A = tpu.sem_alloc : memref<!tpu.dma_semaphore, #tpu.memory_space<semaphore_mem>>
        %dma_start3A_437 = arith.constant 0 : i32
        %dma_start3A_438 = tpu.memref_slice %arg8[%add3A_410, %dma_start3A_437] : memref<40x128xi32, #tpu.memory_space<vmem>> -> memref<1x128xi32, #tpu.memory_space<vmem>>
        %dma_start3A_439 = tpu.memref_squeeze %dma_start3A_438 : memref<1x128xi32, #tpu.memory_space<vmem>> -> memref<128xi32, #tpu.memory_space<vmem>>
        %dma_start3A_440 = arith.constant 0 : i32
        %dma_start3A_441 = arith.constant 0 : i32
        %dma_start3A_442 = tpu.memref_slice %arg11[%dma_start3A_440, %dma_start3A_441] : memref<10240x128xf32, #tpu.memory_space<vmem_shared>> -> memref<10240x128xf32, #tpu.memory_space<vmem_shared>>
        tpu.enqueue_indirect_dma source(%arg10 : memref<128x128xf32, #tpu.memory_space<vmem>>) target(%dma_start3A_442 : memref<10240x128xf32, #tpu.memory_space<vmem_shared>>) offsets(%dma_start3A_439 : memref<128xi32, #tpu.memory_space<vmem>>) semaphore(%run_scoped3A : memref<!tpu.dma_semaphore, #tpu.memory_space<semaphore_mem>>) {add = true}
        %dma_wait3A_443 = arith.constant 0 : i32
        %dma_wait3A_444 = tpu.memref_slice %arg8[%add3A_410, %dma_wait3A_443] : memref<40x128xi32, #tpu.memory_space<vmem>> -> memref<1x128xi32, #tpu.memory_space<vmem>>
        %dma_wait3A_445 = tpu.memref_squeeze %dma_wait3A_444 : memref<1x128xi32, #tpu.memory_space<vmem>> -> memref<128xi32, #tpu.memory_space<vmem>>
        %dma_wait3A_446 = arith.constant 0 : i32
        %dma_wait3A_447 = arith.constant 0 : i32
        %dma_wait3A_448 = tpu.memref_slice %arg11[%dma_wait3A_446, %dma_wait3A_447] : memref<10240x128xf32, #tpu.memory_space<vmem_shared>> -> memref<10240x128xf32, #tpu.memory_space<vmem_shared>>
        tpu.wait_indirect_dma semaphore(%run_scoped3A : memref<!tpu.dma_semaphore, #tpu.memory_space<semaphore_mem>>) src(%arg10 : memref<128x128xf32, #tpu.memory_space<vmem>>) dst(%dma_wait3A_448 : memref<10240x128xf32, #tpu.memory_space<vmem_shared>>)
        tpu.yield
      }) : () -> ()
      %add3A_411 = arith.constant 5 : i32
      %add3A_412 = arith.addi %mul3A_298, %add3A_411 : i32
      %add3A_413 = arith.constant 2 : i32
      %add3A_414 = arith.addi %add3A_412, %add3A_413 : i32
      %dma_start3A_415 = arith.constant 0 : i32
      %dma_start3A_416 = tpu.memref_slice %arg7[%add3A_414, %dma_start3A_415] : memref<48x128xi32, #tpu.memory_space<vmem>> -> memref<1x128xi32, #tpu.memory_space<vmem>>
      %dma_start3A_417 = tpu.memref_squeeze %dma_start3A_416 : memref<1x128xi32, #tpu.memory_space<vmem>> -> memref<128xi32, #tpu.memory_space<vmem>>
      %dma_start3A_418 = arith.constant 0 : i32
      %dma_start3A_419 = arith.constant 0 : i32
      %dma_start3A_420 = tpu.memref_slice %arg2[%dma_start3A_418, %dma_start3A_419] : memref<10000x128xf32, #tpu.memory_space<hbm>> -> memref<10000x128xf32, #tpu.memory_space<hbm>>
      tpu.enqueue_indirect_dma source(%dma_start3A_420 : memref<10000x128xf32, #tpu.memory_space<hbm>>) target(%arg10 : memref<128x128xf32, #tpu.memory_space<vmem>>) offsets(%dma_start3A_417 : memref<128xi32, #tpu.memory_space<vmem>>) semaphore(%arg13 : memref<!tpu.dma_semaphore, #tpu.memory_space<semaphore_mem>>)
      %dma_wait3A_421 = arith.constant 0 : i32
      %dma_wait3A_422 = tpu.memref_slice %arg7[%add3A_396, %dma_wait3A_421] : memref<48x128xi32, #tpu.memory_space<vmem>> -> memref<1x128xi32, #tpu.memory_space<vmem>>
      %dma_wait3A_423 = tpu.memref_squeeze %dma_wait3A_422 : memref<1x128xi32, #tpu.memory_space<vmem>> -> memref<128xi32, #tpu.memory_space<vmem>>
      %dma_wait3A_424 = arith.constant 0 : i32
      %dma_wait3A_425 = arith.constant 0 : i32
      %dma_wait3A_426 = tpu.memref_slice %arg2[%dma_wait3A_424, %dma_wait3A_425] : memref<10000x128xf32, #tpu.memory_space<hbm>> -> memref<10000x128xf32, #tpu.memory_space<hbm>>
      tpu.wait_indirect_dma semaphore(%arg12 : memref<!tpu.dma_semaphore, #tpu.memory_space<semaphore_mem>>) src(%dma_wait3A_426 : memref<10000x128xf32, #tpu.memory_space<hbm>>) dst(%arg9 : memref<128x128xf32, #tpu.memory_space<vmem>>)
      %add3A_427 = arith.constant 6 : i32
      %add3A_428 = arith.addi %mul3A_298, %add3A_427 : i32
      "tpu.region"() ({
        %run_scoped3A = tpu.sem_alloc : memref<!tpu.dma_semaphore, #tpu.memory_space<semaphore_mem>>
        %dma_start3A_437 = arith.constant 0 : i32
        %dma_start3A_438 = tpu.memref_slice %arg8[%add3A_428, %dma_start3A_437] : memref<40x128xi32, #tpu.memory_space<vmem>> -> memref<1x128xi32, #tpu.memory_space<vmem>>
        %dma_start3A_439 = tpu.memref_squeeze %dma_start3A_438 : memref<1x128xi32, #tpu.memory_space<vmem>> -> memref<128xi32, #tpu.memory_space<vmem>>
        %dma_start3A_440 = arith.constant 0 : i32
        %dma_start3A_441 = arith.constant 0 : i32
        %dma_start3A_442 = tpu.memref_slice %arg11[%dma_start3A_440, %dma_start3A_441] : memref<10240x128xf32, #tpu.memory_space<vmem_shared>> -> memref<10240x128xf32, #tpu.memory_space<vmem_shared>>
        tpu.enqueue_indirect_dma source(%arg9 : memref<128x128xf32, #tpu.memory_space<vmem>>) target(%dma_start3A_442 : memref<10240x128xf32, #tpu.memory_space<vmem_shared>>) offsets(%dma_start3A_439 : memref<128xi32, #tpu.memory_space<vmem>>) semaphore(%run_scoped3A : memref<!tpu.dma_semaphore, #tpu.memory_space<semaphore_mem>>) {add = true}
        %dma_wait3A_443 = arith.constant 0 : i32
        %dma_wait3A_444 = tpu.memref_slice %arg8[%add3A_428, %dma_wait3A_443] : memref<40x128xi32, #tpu.memory_space<vmem>> -> memref<1x128xi32, #tpu.memory_space<vmem>>
        %dma_wait3A_445 = tpu.memref_squeeze %dma_wait3A_444 : memref<1x128xi32, #tpu.memory_space<vmem>> -> memref<128xi32, #tpu.memory_space<vmem>>
        %dma_wait3A_446 = arith.constant 0 : i32
        %dma_wait3A_447 = arith.constant 0 : i32
        %dma_wait3A_448 = tpu.memref_slice %arg11[%dma_wait3A_446, %dma_wait3A_447] : memref<10240x128xf32, #tpu.memory_space<vmem_shared>> -> memref<10240x128xf32, #tpu.memory_space<vmem_shared>>
        tpu.wait_indirect_dma semaphore(%run_scoped3A : memref<!tpu.dma_semaphore, #tpu.memory_space<semaphore_mem>>) src(%arg9 : memref<128x128xf32, #tpu.memory_space<vmem>>) dst(%dma_wait3A_448 : memref<10240x128xf32, #tpu.memory_space<vmem_shared>>)
        tpu.yield
      }) : () -> ()
      %dma_wait3A_429 = arith.constant 0 : i32
      %dma_wait3A_430 = tpu.memref_slice %arg7[%add3A_414, %dma_wait3A_429] : memref<48x128xi32, #tpu.memory_space<vmem>> -> memref<1x128xi32, #tpu.memory_space<vmem>>
      %dma_wait3A_431 = tpu.memref_squeeze %dma_wait3A_430 : memref<1x128xi32, #tpu.memory_space<vmem>> -> memref<128xi32, #tpu.memory_space<vmem>>
      %dma_wait3A_432 = arith.constant 0 : i32
      %dma_wait3A_433 = arith.constant 0 : i32
      %dma_wait3A_434 = tpu.memref_slice %arg2[%dma_wait3A_432, %dma_wait3A_433] : memref<10000x128xf32, #tpu.memory_space<hbm>> -> memref<10000x128xf32, #tpu.memory_space<hbm>>
      tpu.wait_indirect_dma semaphore(%arg13 : memref<!tpu.dma_semaphore, #tpu.memory_space<semaphore_mem>>) src(%dma_wait3A_434 : memref<10000x128xf32, #tpu.memory_space<hbm>>) dst(%arg10 : memref<128x128xf32, #tpu.memory_space<vmem>>)
      %add3A_435 = arith.constant 7 : i32
      %add3A_436 = arith.addi %mul3A_298, %add3A_435 : i32
      "tpu.region"() ({
        %run_scoped3A = tpu.sem_alloc : memref<!tpu.dma_semaphore, #tpu.memory_space<semaphore_mem>>
        %dma_start3A_437 = arith.constant 0 : i32
        %dma_start3A_438 = tpu.memref_slice %arg8[%add3A_436, %dma_start3A_437] : memref<40x128xi32, #tpu.memory_space<vmem>> -> memref<1x128xi32, #tpu.memory_space<vmem>>
        %dma_start3A_439 = tpu.memref_squeeze %dma_start3A_438 : memref<1x128xi32, #tpu.memory_space<vmem>> -> memref<128xi32, #tpu.memory_space<vmem>>
        %dma_start3A_440 = arith.constant 0 : i32
        %dma_start3A_441 = arith.constant 0 : i32
        %dma_start3A_442 = tpu.memref_slice %arg11[%dma_start3A_440, %dma_start3A_441] : memref<10240x128xf32, #tpu.memory_space<vmem_shared>> -> memref<10240x128xf32, #tpu.memory_space<vmem_shared>>
        tpu.enqueue_indirect_dma source(%arg10 : memref<128x128xf32, #tpu.memory_space<vmem>>) target(%dma_start3A_442 : memref<10240x128xf32, #tpu.memory_space<vmem_shared>>) offsets(%dma_start3A_439 : memref<128xi32, #tpu.memory_space<vmem>>) semaphore(%run_scoped3A : memref<!tpu.dma_semaphore, #tpu.memory_space<semaphore_mem>>) {add = true}
        %dma_wait3A_443 = arith.constant 0 : i32
        %dma_wait3A_444 = tpu.memref_slice %arg8[%add3A_436, %dma_wait3A_443] : memref<40x128xi32, #tpu.memory_space<vmem>> -> memref<1x128xi32, #tpu.memory_space<vmem>>
        %dma_wait3A_445 = tpu.memref_squeeze %dma_wait3A_444 : memref<1x128xi32, #tpu.memory_space<vmem>> -> memref<128xi32, #tpu.memory_space<vmem>>
        %dma_wait3A_446 = arith.constant 0 : i32
        %dma_wait3A_447 = arith.constant 0 : i32
        %dma_wait3A_448 = tpu.memref_slice %arg11[%dma_wait3A_446, %dma_wait3A_447] : memref<10240x128xf32, #tpu.memory_space<vmem_shared>> -> memref<10240x128xf32, #tpu.memory_space<vmem_shared>>
        tpu.wait_indirect_dma semaphore(%run_scoped3A : memref<!tpu.dma_semaphore, #tpu.memory_space<semaphore_mem>>) src(%arg10 : memref<128x128xf32, #tpu.memory_space<vmem>>) dst(%dma_wait3A_448 : memref<10240x128xf32, #tpu.memory_space<vmem_shared>>)
        tpu.yield
      }) : () -> ()
    }
    %scan3A_121 = arith.constant 5 : i32
    "tpu.region"() ({
      %run_scoped3A = tpu.sem_alloc : memref<!tpu.dma_semaphore, #tpu.memory_space<semaphore_mem>>
      %dma_start3A_296 = arith.constant 40 : i32
      %dma_start3A_297 = arith.constant 0 : i32
      %dma_start3A_298 = tpu.memref_slice %arg3[%add3A, %dma_start3A_296, %dma_start3A_297] : memref<32x88x128xi32, #tpu.memory_space<hbm>> -> memref<1x48x128xi32, #tpu.memory_space<hbm>>
      %dma_start3A_299 = tpu.memref_squeeze %dma_start3A_298 : memref<1x48x128xi32, #tpu.memory_space<hbm>> -> memref<48x128xi32, #tpu.memory_space<hbm>>
      %dma_start3A_300 = arith.constant 40 : i32
      %dma_start3A_301 = arith.constant 0 : i32
      %dma_start3A_302 = tpu.memref_slice %arg3[%add3A, %dma_start3A_300, %dma_start3A_301] : memref<32x88x128xi32, #tpu.memory_space<hbm>> -> memref<1x48x128xi32, #tpu.memory_space<hbm>>
      %dma_start3A_303 = tpu.memref_squeeze %dma_start3A_302 : memref<1x48x128xi32, #tpu.memory_space<hbm>> -> memref<48x128xi32, #tpu.memory_space<hbm>>
      tpu.enqueue_dma source(%dma_start3A_303 : memref<48x128xi32, #tpu.memory_space<hbm>>) target(%arg7 : memref<48x128xi32, #tpu.memory_space<vmem>>) target_semaphore(%run_scoped3A : memref<!tpu.dma_semaphore, #tpu.memory_space<semaphore_mem>>)
      %dma_wait3A_304 = arith.constant 40 : i32
      %dma_wait3A_305 = arith.constant 0 : i32
      %dma_wait3A_306 = tpu.memref_slice %arg3[%add3A, %dma_wait3A_304, %dma_wait3A_305] : memref<32x88x128xi32, #tpu.memory_space<hbm>> -> memref<1x48x128xi32, #tpu.memory_space<hbm>>
      %dma_wait3A_307 = tpu.memref_squeeze %dma_wait3A_306 : memref<1x48x128xi32, #tpu.memory_space<hbm>> -> memref<48x128xi32, #tpu.memory_space<hbm>>
      %dma_wait3A_308 = arith.constant 40 : i32
      %dma_wait3A_309 = arith.constant 0 : i32
      %dma_wait3A_310 = tpu.memref_slice %arg3[%add3A, %dma_wait3A_308, %dma_wait3A_309] : memref<32x88x128xi32, #tpu.memory_space<hbm>> -> memref<1x48x128xi32, #tpu.memory_space<hbm>>
      %dma_wait3A_311 = tpu.memref_squeeze %dma_wait3A_310 : memref<1x48x128xi32, #tpu.memory_space<hbm>> -> memref<48x128xi32, #tpu.memory_space<hbm>>
      tpu.wait_dma2 semaphore(%run_scoped3A : memref<!tpu.dma_semaphore, #tpu.memory_space<semaphore_mem>>) src(%dma_wait3A_311 : memref<48x128xi32, #tpu.memory_space<hbm>>) dst(%arg7 : memref<48x128xi32, #tpu.memory_space<vmem>>)
      tpu.yield
    }) : () -> ()
    "tpu.region"() ({
      %run_scoped3A = tpu.sem_alloc : memref<!tpu.dma_semaphore, #tpu.memory_space<semaphore_mem>>
      %dma_start3A_296 = arith.constant 40 : i32
      %dma_start3A_297 = arith.constant 0 : i32
      %dma_start3A_298 = tpu.memref_slice %arg4[%add3A, %dma_start3A_296, %dma_start3A_297] : memref<32x80x128xi32, #tpu.memory_space<hbm>> -> memref<1x40x128xi32, #tpu.memory_space<hbm>>
      %dma_start3A_299 = tpu.memref_squeeze %dma_start3A_298 : memref<1x40x128xi32, #tpu.memory_space<hbm>> -> memref<40x128xi32, #tpu.memory_space<hbm>>
      %dma_start3A_300 = arith.constant 40 : i32
      %dma_start3A_301 = arith.constant 0 : i32
      %dma_start3A_302 = tpu.memref_slice %arg4[%add3A, %dma_start3A_300, %dma_start3A_301] : memref<32x80x128xi32, #tpu.memory_space<hbm>> -> memref<1x40x128xi32, #tpu.memory_space<hbm>>
      %dma_start3A_303 = tpu.memref_squeeze %dma_start3A_302 : memref<1x40x128xi32, #tpu.memory_space<hbm>> -> memref<40x128xi32, #tpu.memory_space<hbm>>
      tpu.enqueue_dma source(%dma_start3A_303 : memref<40x128xi32, #tpu.memory_space<hbm>>) target(%arg8 : memref<40x128xi32, #tpu.memory_space<vmem>>) target_semaphore(%run_scoped3A : memref<!tpu.dma_semaphore, #tpu.memory_space<semaphore_mem>>)
      %dma_wait3A_304 = arith.constant 40 : i32
      %dma_wait3A_305 = arith.constant 0 : i32
      %dma_wait3A_306 = tpu.memref_slice %arg4[%add3A, %dma_wait3A_304, %dma_wait3A_305] : memref<32x80x128xi32, #tpu.memory_space<hbm>> -> memref<1x40x128xi32, #tpu.memory_space<hbm>>
      %dma_wait3A_307 = tpu.memref_squeeze %dma_wait3A_306 : memref<1x40x128xi32, #tpu.memory_space<hbm>> -> memref<40x128xi32, #tpu.memory_space<hbm>>
      %dma_wait3A_308 = arith.constant 40 : i32
      %dma_wait3A_309 = arith.constant 0 : i32
      %dma_wait3A_310 = tpu.memref_slice %arg4[%add3A, %dma_wait3A_308, %dma_wait3A_309] : memref<32x80x128xi32, #tpu.memory_space<hbm>> -> memref<1x40x128xi32, #tpu.memory_space<hbm>>
      %dma_wait3A_311 = tpu.memref_squeeze %dma_wait3A_310 : memref<1x40x128xi32, #tpu.memory_space<hbm>> -> memref<40x128xi32, #tpu.memory_space<hbm>>
      tpu.wait_dma2 semaphore(%run_scoped3A : memref<!tpu.dma_semaphore, #tpu.memory_space<semaphore_mem>>) src(%dma_wait3A_311 : memref<40x128xi32, #tpu.memory_space<hbm>>) dst(%arg8 : memref<40x128xi32, #tpu.memory_space<vmem>>)
      tpu.yield
    }) : () -> ()
    %scan3A_122 = arith.constant 0 : i32
    %scan3A_123 = arith.constant 0 : i32
    %scan3A_124 = arith.constant 5 : i32
    %scan3A_125 = arith.addi %scan3A_123, %scan3A_124 : i32
    %scan3A_126 = arith.constant 1 : i32
    scf.for %scan3A_296 = %scan3A_123 to %scan3A_125 step %scan3A_126  : i32 {
      %mul3A_297 = arith.constant 8 : i32
      %mul3A_298 = arith.muli %mul3A_297, %scan3A_296 : i32
      %dma_start3A_299 = arith.constant 0 : i32
      %dma_start3A_300 = tpu.memref_slice %arg7[%mul3A_298, %dma_start3A_299] : memref<48x128xi32, #tpu.memory_space<vmem>> -> memref<1x128xi32, #tpu.memory_space<vmem>>
      %dma_start3A_301 = tpu.memref_squeeze %dma_start3A_300 : memref<1x128xi32, #tpu.memory_space<vmem>> -> memref<128xi32, #tpu.memory_space<vmem>>
      %dma_start3A_302 = arith.constant 0 : i32
      %dma_start3A_303 = arith.constant 0 : i32
      %dma_start3A_304 = tpu.memref_slice %arg2[%dma_start3A_302, %dma_start3A_303] : memref<10000x128xf32, #tpu.memory_space<hbm>> -> memref<10000x128xf32, #tpu.memory_space<hbm>>
      tpu.enqueue_indirect_dma source(%dma_start3A_304 : memref<10000x128xf32, #tpu.memory_space<hbm>>) target(%arg9 : memref<128x128xf32, #tpu.memory_space<vmem>>) offsets(%dma_start3A_301 : memref<128xi32, #tpu.memory_space<vmem>>) semaphore(%arg12 : memref<!tpu.dma_semaphore, #tpu.memory_space<semaphore_mem>>)
      %add3A_305 = arith.constant 1 : i32
      %add3A_306 = arith.addi %mul3A_298, %add3A_305 : i32
      %dma_start3A_307 = arith.constant 0 : i32
      %dma_start3A_308 = tpu.memref_slice %arg7[%add3A_306, %dma_start3A_307] : memref<48x128xi32, #tpu.memory_space<vmem>> -> memref<1x128xi32, #tpu.memory_space<vmem>>
      %dma_start3A_309 = tpu.memref_squeeze %dma_start3A_308 : memref<1x128xi32, #tpu.memory_space<vmem>> -> memref<128xi32, #tpu.memory_space<vmem>>
      %dma_start3A_310 = arith.constant 0 : i32
      %dma_start3A_311 = arith.constant 0 : i32
      %dma_start3A_312 = tpu.memref_slice %arg2[%dma_start3A_310, %dma_start3A_311] : memref<10000x128xf32, #tpu.memory_space<hbm>> -> memref<10000x128xf32, #tpu.memory_space<hbm>>
      tpu.enqueue_indirect_dma source(%dma_start3A_312 : memref<10000x128xf32, #tpu.memory_space<hbm>>) target(%arg10 : memref<128x128xf32, #tpu.memory_space<vmem>>) offsets(%dma_start3A_309 : memref<128xi32, #tpu.memory_space<vmem>>) semaphore(%arg13 : memref<!tpu.dma_semaphore, #tpu.memory_space<semaphore_mem>>)
      %dma_wait3A_313 = arith.constant 0 : i32
      %dma_wait3A_314 = tpu.memref_slice %arg7[%mul3A_298, %dma_wait3A_313] : memref<48x128xi32, #tpu.memory_space<vmem>> -> memref<1x128xi32, #tpu.memory_space<vmem>>
      %dma_wait3A_315 = tpu.memref_squeeze %dma_wait3A_314 : memref<1x128xi32, #tpu.memory_space<vmem>> -> memref<128xi32, #tpu.memory_space<vmem>>
      %dma_wait3A_316 = arith.constant 0 : i32
      %dma_wait3A_317 = arith.constant 0 : i32
      %dma_wait3A_318 = tpu.memref_slice %arg2[%dma_wait3A_316, %dma_wait3A_317] : memref<10000x128xf32, #tpu.memory_space<hbm>> -> memref<10000x128xf32, #tpu.memory_space<hbm>>
      tpu.wait_indirect_dma semaphore(%arg12 : memref<!tpu.dma_semaphore, #tpu.memory_space<semaphore_mem>>) src(%dma_wait3A_318 : memref<10000x128xf32, #tpu.memory_space<hbm>>) dst(%arg9 : memref<128x128xf32, #tpu.memory_space<vmem>>)
      %add3A_319 = arith.constant 0 : i32
      %add3A_320 = arith.addi %mul3A_298, %add3A_319 : i32
      "tpu.region"() ({
        %run_scoped3A = tpu.sem_alloc : memref<!tpu.dma_semaphore, #tpu.memory_space<semaphore_mem>>
        %dma_start3A_437 = arith.constant 0 : i32
        %dma_start3A_438 = tpu.memref_slice %arg8[%add3A_320, %dma_start3A_437] : memref<40x128xi32, #tpu.memory_space<vmem>> -> memref<1x128xi32, #tpu.memory_space<vmem>>
        %dma_start3A_439 = tpu.memref_squeeze %dma_start3A_438 : memref<1x128xi32, #tpu.memory_space<vmem>> -> memref<128xi32, #tpu.memory_space<vmem>>
        %dma_start3A_440 = arith.constant 0 : i32
        %dma_start3A_441 = arith.constant 0 : i32
        %dma_start3A_442 = tpu.memref_slice %arg11[%dma_start3A_440, %dma_start3A_441] : memref<10240x128xf32, #tpu.memory_space<vmem_shared>> -> memref<10240x128xf32, #tpu.memory_space<vmem_shared>>
        tpu.enqueue_indirect_dma source(%arg9 : memref<128x128xf32, #tpu.memory_space<vmem>>) target(%dma_start3A_442 : memref<10240x128xf32, #tpu.memory_space<vmem_shared>>) offsets(%dma_start3A_439 : memref<128xi32, #tpu.memory_space<vmem>>) semaphore(%run_scoped3A : memref<!tpu.dma_semaphore, #tpu.memory_space<semaphore_mem>>) {add = true}
        %dma_wait3A_443 = arith.constant 0 : i32
        %dma_wait3A_444 = tpu.memref_slice %arg8[%add3A_320, %dma_wait3A_443] : memref<40x128xi32, #tpu.memory_space<vmem>> -> memref<1x128xi32, #tpu.memory_space<vmem>>
        %dma_wait3A_445 = tpu.memref_squeeze %dma_wait3A_444 : memref<1x128xi32, #tpu.memory_space<vmem>> -> memref<128xi32, #tpu.memory_space<vmem>>
        %dma_wait3A_446 = arith.constant 0 : i32
        %dma_wait3A_447 = arith.constant 0 : i32
        %dma_wait3A_448 = tpu.memref_slice %arg11[%dma_wait3A_446, %dma_wait3A_447] : memref<10240x128xf32, #tpu.memory_space<vmem_shared>> -> memref<10240x128xf32, #tpu.memory_space<vmem_shared>>
        tpu.wait_indirect_dma semaphore(%run_scoped3A : memref<!tpu.dma_semaphore, #tpu.memory_space<semaphore_mem>>) src(%arg9 : memref<128x128xf32, #tpu.memory_space<vmem>>) dst(%dma_wait3A_448 : memref<10240x128xf32, #tpu.memory_space<vmem_shared>>)
        tpu.yield
      }) : () -> ()
      %add3A_321 = arith.constant 0 : i32
      %add3A_322 = arith.addi %mul3A_298, %add3A_321 : i32
      %add3A_323 = arith.constant 2 : i32
      %add3A_324 = arith.addi %add3A_322, %add3A_323 : i32
      %dma_start3A_325 = arith.constant 0 : i32
      %dma_start3A_326 = tpu.memref_slice %arg7[%add3A_324, %dma_start3A_325] : memref<48x128xi32, #tpu.memory_space<vmem>> -> memref<1x128xi32, #tpu.memory_space<vmem>>
      %dma_start3A_327 = tpu.memref_squeeze %dma_start3A_326 : memref<1x128xi32, #tpu.memory_space<vmem>> -> memref<128xi32, #tpu.memory_space<vmem>>
      %dma_start3A_328 = arith.constant 0 : i32
      %dma_start3A_329 = arith.constant 0 : i32
      %dma_start3A_330 = tpu.memref_slice %arg2[%dma_start3A_328, %dma_start3A_329] : memref<10000x128xf32, #tpu.memory_space<hbm>> -> memref<10000x128xf32, #tpu.memory_space<hbm>>
      tpu.enqueue_indirect_dma source(%dma_start3A_330 : memref<10000x128xf32, #tpu.memory_space<hbm>>) target(%arg9 : memref<128x128xf32, #tpu.memory_space<vmem>>) offsets(%dma_start3A_327 : memref<128xi32, #tpu.memory_space<vmem>>) semaphore(%arg12 : memref<!tpu.dma_semaphore, #tpu.memory_space<semaphore_mem>>)
      %dma_wait3A_331 = arith.constant 0 : i32
      %dma_wait3A_332 = tpu.memref_slice %arg7[%add3A_306, %dma_wait3A_331] : memref<48x128xi32, #tpu.memory_space<vmem>> -> memref<1x128xi32, #tpu.memory_space<vmem>>
      %dma_wait3A_333 = tpu.memref_squeeze %dma_wait3A_332 : memref<1x128xi32, #tpu.memory_space<vmem>> -> memref<128xi32, #tpu.memory_space<vmem>>
      %dma_wait3A_334 = arith.constant 0 : i32
      %dma_wait3A_335 = arith.constant 0 : i32
      %dma_wait3A_336 = tpu.memref_slice %arg2[%dma_wait3A_334, %dma_wait3A_335] : memref<10000x128xf32, #tpu.memory_space<hbm>> -> memref<10000x128xf32, #tpu.memory_space<hbm>>
      tpu.wait_indirect_dma semaphore(%arg13 : memref<!tpu.dma_semaphore, #tpu.memory_space<semaphore_mem>>) src(%dma_wait3A_336 : memref<10000x128xf32, #tpu.memory_space<hbm>>) dst(%arg10 : memref<128x128xf32, #tpu.memory_space<vmem>>)
      %add3A_337 = arith.constant 1 : i32
      %add3A_338 = arith.addi %mul3A_298, %add3A_337 : i32
      "tpu.region"() ({
        %run_scoped3A = tpu.sem_alloc : memref<!tpu.dma_semaphore, #tpu.memory_space<semaphore_mem>>
        %dma_start3A_437 = arith.constant 0 : i32
        %dma_start3A_438 = tpu.memref_slice %arg8[%add3A_338, %dma_start3A_437] : memref<40x128xi32, #tpu.memory_space<vmem>> -> memref<1x128xi32, #tpu.memory_space<vmem>>
        %dma_start3A_439 = tpu.memref_squeeze %dma_start3A_438 : memref<1x128xi32, #tpu.memory_space<vmem>> -> memref<128xi32, #tpu.memory_space<vmem>>
        %dma_start3A_440 = arith.constant 0 : i32
        %dma_start3A_441 = arith.constant 0 : i32
        %dma_start3A_442 = tpu.memref_slice %arg11[%dma_start3A_440, %dma_start3A_441] : memref<10240x128xf32, #tpu.memory_space<vmem_shared>> -> memref<10240x128xf32, #tpu.memory_space<vmem_shared>>
        tpu.enqueue_indirect_dma source(%arg10 : memref<128x128xf32, #tpu.memory_space<vmem>>) target(%dma_start3A_442 : memref<10240x128xf32, #tpu.memory_space<vmem_shared>>) offsets(%dma_start3A_439 : memref<128xi32, #tpu.memory_space<vmem>>) semaphore(%run_scoped3A : memref<!tpu.dma_semaphore, #tpu.memory_space<semaphore_mem>>) {add = true}
        %dma_wait3A_443 = arith.constant 0 : i32
        %dma_wait3A_444 = tpu.memref_slice %arg8[%add3A_338, %dma_wait3A_443] : memref<40x128xi32, #tpu.memory_space<vmem>> -> memref<1x128xi32, #tpu.memory_space<vmem>>
        %dma_wait3A_445 = tpu.memref_squeeze %dma_wait3A_444 : memref<1x128xi32, #tpu.memory_space<vmem>> -> memref<128xi32, #tpu.memory_space<vmem>>
        %dma_wait3A_446 = arith.constant 0 : i32
        %dma_wait3A_447 = arith.constant 0 : i32
        %dma_wait3A_448 = tpu.memref_slice %arg11[%dma_wait3A_446, %dma_wait3A_447] : memref<10240x128xf32, #tpu.memory_space<vmem_shared>> -> memref<10240x128xf32, #tpu.memory_space<vmem_shared>>
        tpu.wait_indirect_dma semaphore(%run_scoped3A : memref<!tpu.dma_semaphore, #tpu.memory_space<semaphore_mem>>) src(%arg10 : memref<128x128xf32, #tpu.memory_space<vmem>>) dst(%dma_wait3A_448 : memref<10240x128xf32, #tpu.memory_space<vmem_shared>>)
        tpu.yield
      }) : () -> ()
      %add3A_339 = arith.constant 1 : i32
      %add3A_340 = arith.addi %mul3A_298, %add3A_339 : i32
      %add3A_341 = arith.constant 2 : i32
      %add3A_342 = arith.addi %add3A_340, %add3A_341 : i32
      %dma_start3A_343 = arith.constant 0 : i32
      %dma_start3A_344 = tpu.memref_slice %arg7[%add3A_342, %dma_start3A_343] : memref<48x128xi32, #tpu.memory_space<vmem>> -> memref<1x128xi32, #tpu.memory_space<vmem>>
      %dma_start3A_345 = tpu.memref_squeeze %dma_start3A_344 : memref<1x128xi32, #tpu.memory_space<vmem>> -> memref<128xi32, #tpu.memory_space<vmem>>
      %dma_start3A_346 = arith.constant 0 : i32
      %dma_start3A_347 = arith.constant 0 : i32
      %dma_start3A_348 = tpu.memref_slice %arg2[%dma_start3A_346, %dma_start3A_347] : memref<10000x128xf32, #tpu.memory_space<hbm>> -> memref<10000x128xf32, #tpu.memory_space<hbm>>
      tpu.enqueue_indirect_dma source(%dma_start3A_348 : memref<10000x128xf32, #tpu.memory_space<hbm>>) target(%arg10 : memref<128x128xf32, #tpu.memory_space<vmem>>) offsets(%dma_start3A_345 : memref<128xi32, #tpu.memory_space<vmem>>) semaphore(%arg13 : memref<!tpu.dma_semaphore, #tpu.memory_space<semaphore_mem>>)
      %dma_wait3A_349 = arith.constant 0 : i32
      %dma_wait3A_350 = tpu.memref_slice %arg7[%add3A_324, %dma_wait3A_349] : memref<48x128xi32, #tpu.memory_space<vmem>> -> memref<1x128xi32, #tpu.memory_space<vmem>>
      %dma_wait3A_351 = tpu.memref_squeeze %dma_wait3A_350 : memref<1x128xi32, #tpu.memory_space<vmem>> -> memref<128xi32, #tpu.memory_space<vmem>>
      %dma_wait3A_352 = arith.constant 0 : i32
      %dma_wait3A_353 = arith.constant 0 : i32
      %dma_wait3A_354 = tpu.memref_slice %arg2[%dma_wait3A_352, %dma_wait3A_353] : memref<10000x128xf32, #tpu.memory_space<hbm>> -> memref<10000x128xf32, #tpu.memory_space<hbm>>
      tpu.wait_indirect_dma semaphore(%arg12 : memref<!tpu.dma_semaphore, #tpu.memory_space<semaphore_mem>>) src(%dma_wait3A_354 : memref<10000x128xf32, #tpu.memory_space<hbm>>) dst(%arg9 : memref<128x128xf32, #tpu.memory_space<vmem>>)
      %add3A_355 = arith.constant 2 : i32
      %add3A_356 = arith.addi %mul3A_298, %add3A_355 : i32
      "tpu.region"() ({
        %run_scoped3A = tpu.sem_alloc : memref<!tpu.dma_semaphore, #tpu.memory_space<semaphore_mem>>
        %dma_start3A_437 = arith.constant 0 : i32
        %dma_start3A_438 = tpu.memref_slice %arg8[%add3A_356, %dma_start3A_437] : memref<40x128xi32, #tpu.memory_space<vmem>> -> memref<1x128xi32, #tpu.memory_space<vmem>>
        %dma_start3A_439 = tpu.memref_squeeze %dma_start3A_438 : memref<1x128xi32, #tpu.memory_space<vmem>> -> memref<128xi32, #tpu.memory_space<vmem>>
        %dma_start3A_440 = arith.constant 0 : i32
        %dma_start3A_441 = arith.constant 0 : i32
        %dma_start3A_442 = tpu.memref_slice %arg11[%dma_start3A_440, %dma_start3A_441] : memref<10240x128xf32, #tpu.memory_space<vmem_shared>> -> memref<10240x128xf32, #tpu.memory_space<vmem_shared>>
        tpu.enqueue_indirect_dma source(%arg9 : memref<128x128xf32, #tpu.memory_space<vmem>>) target(%dma_start3A_442 : memref<10240x128xf32, #tpu.memory_space<vmem_shared>>) offsets(%dma_start3A_439 : memref<128xi32, #tpu.memory_space<vmem>>) semaphore(%run_scoped3A : memref<!tpu.dma_semaphore, #tpu.memory_space<semaphore_mem>>) {add = true}
        %dma_wait3A_443 = arith.constant 0 : i32
        %dma_wait3A_444 = tpu.memref_slice %arg8[%add3A_356, %dma_wait3A_443] : memref<40x128xi32, #tpu.memory_space<vmem>> -> memref<1x128xi32, #tpu.memory_space<vmem>>
        %dma_wait3A_445 = tpu.memref_squeeze %dma_wait3A_444 : memref<1x128xi32, #tpu.memory_space<vmem>> -> memref<128xi32, #tpu.memory_space<vmem>>
        %dma_wait3A_446 = arith.constant 0 : i32
        %dma_wait3A_447 = arith.constant 0 : i32
        %dma_wait3A_448 = tpu.memref_slice %arg11[%dma_wait3A_446, %dma_wait3A_447] : memref<10240x128xf32, #tpu.memory_space<vmem_shared>> -> memref<10240x128xf32, #tpu.memory_space<vmem_shared>>
        tpu.wait_indirect_dma semaphore(%run_scoped3A : memref<!tpu.dma_semaphore, #tpu.memory_space<semaphore_mem>>) src(%arg9 : memref<128x128xf32, #tpu.memory_space<vmem>>) dst(%dma_wait3A_448 : memref<10240x128xf32, #tpu.memory_space<vmem_shared>>)
        tpu.yield
      }) : () -> ()
      %add3A_357 = arith.constant 2 : i32
      %add3A_358 = arith.addi %mul3A_298, %add3A_357 : i32
      %add3A_359 = arith.constant 2 : i32
      %add3A_360 = arith.addi %add3A_358, %add3A_359 : i32
      %dma_start3A_361 = arith.constant 0 : i32
      %dma_start3A_362 = tpu.memref_slice %arg7[%add3A_360, %dma_start3A_361] : memref<48x128xi32, #tpu.memory_space<vmem>> -> memref<1x128xi32, #tpu.memory_space<vmem>>
      %dma_start3A_363 = tpu.memref_squeeze %dma_start3A_362 : memref<1x128xi32, #tpu.memory_space<vmem>> -> memref<128xi32, #tpu.memory_space<vmem>>
      %dma_start3A_364 = arith.constant 0 : i32
      %dma_start3A_365 = arith.constant 0 : i32
      %dma_start3A_366 = tpu.memref_slice %arg2[%dma_start3A_364, %dma_start3A_365] : memref<10000x128xf32, #tpu.memory_space<hbm>> -> memref<10000x128xf32, #tpu.memory_space<hbm>>
      tpu.enqueue_indirect_dma source(%dma_start3A_366 : memref<10000x128xf32, #tpu.memory_space<hbm>>) target(%arg9 : memref<128x128xf32, #tpu.memory_space<vmem>>) offsets(%dma_start3A_363 : memref<128xi32, #tpu.memory_space<vmem>>) semaphore(%arg12 : memref<!tpu.dma_semaphore, #tpu.memory_space<semaphore_mem>>)
      %dma_wait3A_367 = arith.constant 0 : i32
      %dma_wait3A_368 = tpu.memref_slice %arg7[%add3A_342, %dma_wait3A_367] : memref<48x128xi32, #tpu.memory_space<vmem>> -> memref<1x128xi32, #tpu.memory_space<vmem>>
      %dma_wait3A_369 = tpu.memref_squeeze %dma_wait3A_368 : memref<1x128xi32, #tpu.memory_space<vmem>> -> memref<128xi32, #tpu.memory_space<vmem>>
      %dma_wait3A_370 = arith.constant 0 : i32
      %dma_wait3A_371 = arith.constant 0 : i32
      %dma_wait3A_372 = tpu.memref_slice %arg2[%dma_wait3A_370, %dma_wait3A_371] : memref<10000x128xf32, #tpu.memory_space<hbm>> -> memref<10000x128xf32, #tpu.memory_space<hbm>>
      tpu.wait_indirect_dma semaphore(%arg13 : memref<!tpu.dma_semaphore, #tpu.memory_space<semaphore_mem>>) src(%dma_wait3A_372 : memref<10000x128xf32, #tpu.memory_space<hbm>>) dst(%arg10 : memref<128x128xf32, #tpu.memory_space<vmem>>)
      %add3A_373 = arith.constant 3 : i32
      %add3A_374 = arith.addi %mul3A_298, %add3A_373 : i32
      "tpu.region"() ({
        %run_scoped3A = tpu.sem_alloc : memref<!tpu.dma_semaphore, #tpu.memory_space<semaphore_mem>>
        %dma_start3A_437 = arith.constant 0 : i32
        %dma_start3A_438 = tpu.memref_slice %arg8[%add3A_374, %dma_start3A_437] : memref<40x128xi32, #tpu.memory_space<vmem>> -> memref<1x128xi32, #tpu.memory_space<vmem>>
        %dma_start3A_439 = tpu.memref_squeeze %dma_start3A_438 : memref<1x128xi32, #tpu.memory_space<vmem>> -> memref<128xi32, #tpu.memory_space<vmem>>
        %dma_start3A_440 = arith.constant 0 : i32
        %dma_start3A_441 = arith.constant 0 : i32
        %dma_start3A_442 = tpu.memref_slice %arg11[%dma_start3A_440, %dma_start3A_441] : memref<10240x128xf32, #tpu.memory_space<vmem_shared>> -> memref<10240x128xf32, #tpu.memory_space<vmem_shared>>
        tpu.enqueue_indirect_dma source(%arg10 : memref<128x128xf32, #tpu.memory_space<vmem>>) target(%dma_start3A_442 : memref<10240x128xf32, #tpu.memory_space<vmem_shared>>) offsets(%dma_start3A_439 : memref<128xi32, #tpu.memory_space<vmem>>) semaphore(%run_scoped3A : memref<!tpu.dma_semaphore, #tpu.memory_space<semaphore_mem>>) {add = true}
        %dma_wait3A_443 = arith.constant 0 : i32
        %dma_wait3A_444 = tpu.memref_slice %arg8[%add3A_374, %dma_wait3A_443] : memref<40x128xi32, #tpu.memory_space<vmem>> -> memref<1x128xi32, #tpu.memory_space<vmem>>
        %dma_wait3A_445 = tpu.memref_squeeze %dma_wait3A_444 : memref<1x128xi32, #tpu.memory_space<vmem>> -> memref<128xi32, #tpu.memory_space<vmem>>
        %dma_wait3A_446 = arith.constant 0 : i32
        %dma_wait3A_447 = arith.constant 0 : i32
        %dma_wait3A_448 = tpu.memref_slice %arg11[%dma_wait3A_446, %dma_wait3A_447] : memref<10240x128xf32, #tpu.memory_space<vmem_shared>> -> memref<10240x128xf32, #tpu.memory_space<vmem_shared>>
        tpu.wait_indirect_dma semaphore(%run_scoped3A : memref<!tpu.dma_semaphore, #tpu.memory_space<semaphore_mem>>) src(%arg10 : memref<128x128xf32, #tpu.memory_space<vmem>>) dst(%dma_wait3A_448 : memref<10240x128xf32, #tpu.memory_space<vmem_shared>>)
        tpu.yield
      }) : () -> ()
      %add3A_375 = arith.constant 3 : i32
      %add3A_376 = arith.addi %mul3A_298, %add3A_375 : i32
      %add3A_377 = arith.constant 2 : i32
      %add3A_378 = arith.addi %add3A_376, %add3A_377 : i32
      %dma_start3A_379 = arith.constant 0 : i32
      %dma_start3A_380 = tpu.memref_slice %arg7[%add3A_378, %dma_start3A_379] : memref<48x128xi32, #tpu.memory_space<vmem>> -> memref<1x128xi32, #tpu.memory_space<vmem>>
      %dma_start3A_381 = tpu.memref_squeeze %dma_start3A_380 : memref<1x128xi32, #tpu.memory_space<vmem>> -> memref<128xi32, #tpu.memory_space<vmem>>
      %dma_start3A_382 = arith.constant 0 : i32
      %dma_start3A_383 = arith.constant 0 : i32
      %dma_start3A_384 = tpu.memref_slice %arg2[%dma_start3A_382, %dma_start3A_383] : memref<10000x128xf32, #tpu.memory_space<hbm>> -> memref<10000x128xf32, #tpu.memory_space<hbm>>
      tpu.enqueue_indirect_dma source(%dma_start3A_384 : memref<10000x128xf32, #tpu.memory_space<hbm>>) target(%arg10 : memref<128x128xf32, #tpu.memory_space<vmem>>) offsets(%dma_start3A_381 : memref<128xi32, #tpu.memory_space<vmem>>) semaphore(%arg13 : memref<!tpu.dma_semaphore, #tpu.memory_space<semaphore_mem>>)
      %dma_wait3A_385 = arith.constant 0 : i32
      %dma_wait3A_386 = tpu.memref_slice %arg7[%add3A_360, %dma_wait3A_385] : memref<48x128xi32, #tpu.memory_space<vmem>> -> memref<1x128xi32, #tpu.memory_space<vmem>>
      %dma_wait3A_387 = tpu.memref_squeeze %dma_wait3A_386 : memref<1x128xi32, #tpu.memory_space<vmem>> -> memref<128xi32, #tpu.memory_space<vmem>>
      %dma_wait3A_388 = arith.constant 0 : i32
      %dma_wait3A_389 = arith.constant 0 : i32
      %dma_wait3A_390 = tpu.memref_slice %arg2[%dma_wait3A_388, %dma_wait3A_389] : memref<10000x128xf32, #tpu.memory_space<hbm>> -> memref<10000x128xf32, #tpu.memory_space<hbm>>
      tpu.wait_indirect_dma semaphore(%arg12 : memref<!tpu.dma_semaphore, #tpu.memory_space<semaphore_mem>>) src(%dma_wait3A_390 : memref<10000x128xf32, #tpu.memory_space<hbm>>) dst(%arg9 : memref<128x128xf32, #tpu.memory_space<vmem>>)
      %add3A_391 = arith.constant 4 : i32
      %add3A_392 = arith.addi %mul3A_298, %add3A_391 : i32
      "tpu.region"() ({
        %run_scoped3A = tpu.sem_alloc : memref<!tpu.dma_semaphore, #tpu.memory_space<semaphore_mem>>
        %dma_start3A_437 = arith.constant 0 : i32
        %dma_start3A_438 = tpu.memref_slice %arg8[%add3A_392, %dma_start3A_437] : memref<40x128xi32, #tpu.memory_space<vmem>> -> memref<1x128xi32, #tpu.memory_space<vmem>>
        %dma_start3A_439 = tpu.memref_squeeze %dma_start3A_438 : memref<1x128xi32, #tpu.memory_space<vmem>> -> memref<128xi32, #tpu.memory_space<vmem>>
        %dma_start3A_440 = arith.constant 0 : i32
        %dma_start3A_441 = arith.constant 0 : i32
        %dma_start3A_442 = tpu.memref_slice %arg11[%dma_start3A_440, %dma_start3A_441] : memref<10240x128xf32, #tpu.memory_space<vmem_shared>> -> memref<10240x128xf32, #tpu.memory_space<vmem_shared>>
        tpu.enqueue_indirect_dma source(%arg9 : memref<128x128xf32, #tpu.memory_space<vmem>>) target(%dma_start3A_442 : memref<10240x128xf32, #tpu.memory_space<vmem_shared>>) offsets(%dma_start3A_439 : memref<128xi32, #tpu.memory_space<vmem>>) semaphore(%run_scoped3A : memref<!tpu.dma_semaphore, #tpu.memory_space<semaphore_mem>>) {add = true}
        %dma_wait3A_443 = arith.constant 0 : i32
        %dma_wait3A_444 = tpu.memref_slice %arg8[%add3A_392, %dma_wait3A_443] : memref<40x128xi32, #tpu.memory_space<vmem>> -> memref<1x128xi32, #tpu.memory_space<vmem>>
        %dma_wait3A_445 = tpu.memref_squeeze %dma_wait3A_444 : memref<1x128xi32, #tpu.memory_space<vmem>> -> memref<128xi32, #tpu.memory_space<vmem>>
        %dma_wait3A_446 = arith.constant 0 : i32
        %dma_wait3A_447 = arith.constant 0 : i32
        %dma_wait3A_448 = tpu.memref_slice %arg11[%dma_wait3A_446, %dma_wait3A_447] : memref<10240x128xf32, #tpu.memory_space<vmem_shared>> -> memref<10240x128xf32, #tpu.memory_space<vmem_shared>>
        tpu.wait_indirect_dma semaphore(%run_scoped3A : memref<!tpu.dma_semaphore, #tpu.memory_space<semaphore_mem>>) src(%arg9 : memref<128x128xf32, #tpu.memory_space<vmem>>) dst(%dma_wait3A_448 : memref<10240x128xf32, #tpu.memory_space<vmem_shared>>)
        tpu.yield
      }) : () -> ()
      %add3A_393 = arith.constant 4 : i32
      %add3A_394 = arith.addi %mul3A_298, %add3A_393 : i32
      %add3A_395 = arith.constant 2 : i32
      %add3A_396 = arith.addi %add3A_394, %add3A_395 : i32
      %dma_start3A_397 = arith.constant 0 : i32
      %dma_start3A_398 = tpu.memref_slice %arg7[%add3A_396, %dma_start3A_397] : memref<48x128xi32, #tpu.memory_space<vmem>> -> memref<1x128xi32, #tpu.memory_space<vmem>>
      %dma_start3A_399 = tpu.memref_squeeze %dma_start3A_398 : memref<1x128xi32, #tpu.memory_space<vmem>> -> memref<128xi32, #tpu.memory_space<vmem>>
      %dma_start3A_400 = arith.constant 0 : i32
      %dma_start3A_401 = arith.constant 0 : i32
      %dma_start3A_402 = tpu.memref_slice %arg2[%dma_start3A_400, %dma_start3A_401] : memref<10000x128xf32, #tpu.memory_space<hbm>> -> memref<10000x128xf32, #tpu.memory_space<hbm>>
      tpu.enqueue_indirect_dma source(%dma_start3A_402 : memref<10000x128xf32, #tpu.memory_space<hbm>>) target(%arg9 : memref<128x128xf32, #tpu.memory_space<vmem>>) offsets(%dma_start3A_399 : memref<128xi32, #tpu.memory_space<vmem>>) semaphore(%arg12 : memref<!tpu.dma_semaphore, #tpu.memory_space<semaphore_mem>>)
      %dma_wait3A_403 = arith.constant 0 : i32
      %dma_wait3A_404 = tpu.memref_slice %arg7[%add3A_378, %dma_wait3A_403] : memref<48x128xi32, #tpu.memory_space<vmem>> -> memref<1x128xi32, #tpu.memory_space<vmem>>
      %dma_wait3A_405 = tpu.memref_squeeze %dma_wait3A_404 : memref<1x128xi32, #tpu.memory_space<vmem>> -> memref<128xi32, #tpu.memory_space<vmem>>
      %dma_wait3A_406 = arith.constant 0 : i32
      %dma_wait3A_407 = arith.constant 0 : i32
      %dma_wait3A_408 = tpu.memref_slice %arg2[%dma_wait3A_406, %dma_wait3A_407] : memref<10000x128xf32, #tpu.memory_space<hbm>> -> memref<10000x128xf32, #tpu.memory_space<hbm>>
      tpu.wait_indirect_dma semaphore(%arg13 : memref<!tpu.dma_semaphore, #tpu.memory_space<semaphore_mem>>) src(%dma_wait3A_408 : memref<10000x128xf32, #tpu.memory_space<hbm>>) dst(%arg10 : memref<128x128xf32, #tpu.memory_space<vmem>>)
      %add3A_409 = arith.constant 5 : i32
      %add3A_410 = arith.addi %mul3A_298, %add3A_409 : i32
      "tpu.region"() ({
        %run_scoped3A = tpu.sem_alloc : memref<!tpu.dma_semaphore, #tpu.memory_space<semaphore_mem>>
        %dma_start3A_437 = arith.constant 0 : i32
        %dma_start3A_438 = tpu.memref_slice %arg8[%add3A_410, %dma_start3A_437] : memref<40x128xi32, #tpu.memory_space<vmem>> -> memref<1x128xi32, #tpu.memory_space<vmem>>
        %dma_start3A_439 = tpu.memref_squeeze %dma_start3A_438 : memref<1x128xi32, #tpu.memory_space<vmem>> -> memref<128xi32, #tpu.memory_space<vmem>>
        %dma_start3A_440 = arith.constant 0 : i32
        %dma_start3A_441 = arith.constant 0 : i32
        %dma_start3A_442 = tpu.memref_slice %arg11[%dma_start3A_440, %dma_start3A_441] : memref<10240x128xf32, #tpu.memory_space<vmem_shared>> -> memref<10240x128xf32, #tpu.memory_space<vmem_shared>>
        tpu.enqueue_indirect_dma source(%arg10 : memref<128x128xf32, #tpu.memory_space<vmem>>) target(%dma_start3A_442 : memref<10240x128xf32, #tpu.memory_space<vmem_shared>>) offsets(%dma_start3A_439 : memref<128xi32, #tpu.memory_space<vmem>>) semaphore(%run_scoped3A : memref<!tpu.dma_semaphore, #tpu.memory_space<semaphore_mem>>) {add = true}
        %dma_wait3A_443 = arith.constant 0 : i32
        %dma_wait3A_444 = tpu.memref_slice %arg8[%add3A_410, %dma_wait3A_443] : memref<40x128xi32, #tpu.memory_space<vmem>> -> memref<1x128xi32, #tpu.memory_space<vmem>>
        %dma_wait3A_445 = tpu.memref_squeeze %dma_wait3A_444 : memref<1x128xi32, #tpu.memory_space<vmem>> -> memref<128xi32, #tpu.memory_space<vmem>>
        %dma_wait3A_446 = arith.constant 0 : i32
        %dma_wait3A_447 = arith.constant 0 : i32
        %dma_wait3A_448 = tpu.memref_slice %arg11[%dma_wait3A_446, %dma_wait3A_447] : memref<10240x128xf32, #tpu.memory_space<vmem_shared>> -> memref<10240x128xf32, #tpu.memory_space<vmem_shared>>
        tpu.wait_indirect_dma semaphore(%run_scoped3A : memref<!tpu.dma_semaphore, #tpu.memory_space<semaphore_mem>>) src(%arg10 : memref<128x128xf32, #tpu.memory_space<vmem>>) dst(%dma_wait3A_448 : memref<10240x128xf32, #tpu.memory_space<vmem_shared>>)
        tpu.yield
      }) : () -> ()
      %add3A_411 = arith.constant 5 : i32
      %add3A_412 = arith.addi %mul3A_298, %add3A_411 : i32
      %add3A_413 = arith.constant 2 : i32
      %add3A_414 = arith.addi %add3A_412, %add3A_413 : i32
      %dma_start3A_415 = arith.constant 0 : i32
      %dma_start3A_416 = tpu.memref_slice %arg7[%add3A_414, %dma_start3A_415] : memref<48x128xi32, #tpu.memory_space<vmem>> -> memref<1x128xi32, #tpu.memory_space<vmem>>
      %dma_start3A_417 = tpu.memref_squeeze %dma_start3A_416 : memref<1x128xi32, #tpu.memory_space<vmem>> -> memref<128xi32, #tpu.memory_space<vmem>>
      %dma_start3A_418 = arith.constant 0 : i32
      %dma_start3A_419 = arith.constant 0 : i32
      %dma_start3A_420 = tpu.memref_slice %arg2[%dma_start3A_418, %dma_start3A_419] : memref<10000x128xf32, #tpu.memory_space<hbm>> -> memref<10000x128xf32, #tpu.memory_space<hbm>>
      tpu.enqueue_indirect_dma source(%dma_start3A_420 : memref<10000x128xf32, #tpu.memory_space<hbm>>) target(%arg10 : memref<128x128xf32, #tpu.memory_space<vmem>>) offsets(%dma_start3A_417 : memref<128xi32, #tpu.memory_space<vmem>>) semaphore(%arg13 : memref<!tpu.dma_semaphore, #tpu.memory_space<semaphore_mem>>)
      %dma_wait3A_421 = arith.constant 0 : i32
      %dma_wait3A_422 = tpu.memref_slice %arg7[%add3A_396, %dma_wait3A_421] : memref<48x128xi32, #tpu.memory_space<vmem>> -> memref<1x128xi32, #tpu.memory_space<vmem>>
      %dma_wait3A_423 = tpu.memref_squeeze %dma_wait3A_422 : memref<1x128xi32, #tpu.memory_space<vmem>> -> memref<128xi32, #tpu.memory_space<vmem>>
      %dma_wait3A_424 = arith.constant 0 : i32
      %dma_wait3A_425 = arith.constant 0 : i32
      %dma_wait3A_426 = tpu.memref_slice %arg2[%dma_wait3A_424, %dma_wait3A_425] : memref<10000x128xf32, #tpu.memory_space<hbm>> -> memref<10000x128xf32, #tpu.memory_space<hbm>>
      tpu.wait_indirect_dma semaphore(%arg12 : memref<!tpu.dma_semaphore, #tpu.memory_space<semaphore_mem>>) src(%dma_wait3A_426 : memref<10000x128xf32, #tpu.memory_space<hbm>>) dst(%arg9 : memref<128x128xf32, #tpu.memory_space<vmem>>)
      %add3A_427 = arith.constant 6 : i32
      %add3A_428 = arith.addi %mul3A_298, %add3A_427 : i32
      "tpu.region"() ({
        %run_scoped3A = tpu.sem_alloc : memref<!tpu.dma_semaphore, #tpu.memory_space<semaphore_mem>>
        %dma_start3A_437 = arith.constant 0 : i32
        %dma_start3A_438 = tpu.memref_slice %arg8[%add3A_428, %dma_start3A_437] : memref<40x128xi32, #tpu.memory_space<vmem>> -> memref<1x128xi32, #tpu.memory_space<vmem>>
        %dma_start3A_439 = tpu.memref_squeeze %dma_start3A_438 : memref<1x128xi32, #tpu.memory_space<vmem>> -> memref<128xi32, #tpu.memory_space<vmem>>
        %dma_start3A_440 = arith.constant 0 : i32
        %dma_start3A_441 = arith.constant 0 : i32
        %dma_start3A_442 = tpu.memref_slice %arg11[%dma_start3A_440, %dma_start3A_441] : memref<10240x128xf32, #tpu.memory_space<vmem_shared>> -> memref<10240x128xf32, #tpu.memory_space<vmem_shared>>
        tpu.enqueue_indirect_dma source(%arg9 : memref<128x128xf32, #tpu.memory_space<vmem>>) target(%dma_start3A_442 : memref<10240x128xf32, #tpu.memory_space<vmem_shared>>) offsets(%dma_start3A_439 : memref<128xi32, #tpu.memory_space<vmem>>) semaphore(%run_scoped3A : memref<!tpu.dma_semaphore, #tpu.memory_space<semaphore_mem>>) {add = true}
        %dma_wait3A_443 = arith.constant 0 : i32
        %dma_wait3A_444 = tpu.memref_slice %arg8[%add3A_428, %dma_wait3A_443] : memref<40x128xi32, #tpu.memory_space<vmem>> -> memref<1x128xi32, #tpu.memory_space<vmem>>
        %dma_wait3A_445 = tpu.memref_squeeze %dma_wait3A_444 : memref<1x128xi32, #tpu.memory_space<vmem>> -> memref<128xi32, #tpu.memory_space<vmem>>
        %dma_wait3A_446 = arith.constant 0 : i32
        %dma_wait3A_447 = arith.constant 0 : i32
        %dma_wait3A_448 = tpu.memref_slice %arg11[%dma_wait3A_446, %dma_wait3A_447] : memref<10240x128xf32, #tpu.memory_space<vmem_shared>> -> memref<10240x128xf32, #tpu.memory_space<vmem_shared>>
        tpu.wait_indirect_dma semaphore(%run_scoped3A : memref<!tpu.dma_semaphore, #tpu.memory_space<semaphore_mem>>) src(%arg9 : memref<128x128xf32, #tpu.memory_space<vmem>>) dst(%dma_wait3A_448 : memref<10240x128xf32, #tpu.memory_space<vmem_shared>>)
        tpu.yield
      }) : () -> ()
      %dma_wait3A_429 = arith.constant 0 : i32
      %dma_wait3A_430 = tpu.memref_slice %arg7[%add3A_414, %dma_wait3A_429] : memref<48x128xi32, #tpu.memory_space<vmem>> -> memref<1x128xi32, #tpu.memory_space<vmem>>
      %dma_wait3A_431 = tpu.memref_squeeze %dma_wait3A_430 : memref<1x128xi32, #tpu.memory_space<vmem>> -> memref<128xi32, #tpu.memory_space<vmem>>
      %dma_wait3A_432 = arith.constant 0 : i32
      %dma_wait3A_433 = arith.constant 0 : i32
      %dma_wait3A_434 = tpu.memref_slice %arg2[%dma_wait3A_432, %dma_wait3A_433] : memref<10000x128xf32, #tpu.memory_space<hbm>> -> memref<10000x128xf32, #tpu.memory_space<hbm>>
      tpu.wait_indirect_dma semaphore(%arg13 : memref<!tpu.dma_semaphore, #tpu.memory_space<semaphore_mem>>) src(%dma_wait3A_434 : memref<10000x128xf32, #tpu.memory_space<hbm>>) dst(%arg10 : memref<128x128xf32, #tpu.memory_space<vmem>>)
      %add3A_435 = arith.constant 7 : i32
      %add3A_436 = arith.addi %mul3A_298, %add3A_435 : i32
      "tpu.region"() ({
        %run_scoped3A = tpu.sem_alloc : memref<!tpu.dma_semaphore, #tpu.memory_space<semaphore_mem>>
        %dma_start3A_437 = arith.constant 0 : i32
        %dma_start3A_438 = tpu.memref_slice %arg8[%add3A_436, %dma_start3A_437] : memref<40x128xi32, #tpu.memory_space<vmem>> -> memref<1x128xi32, #tpu.memory_space<vmem>>
        %dma_start3A_439 = tpu.memref_squeeze %dma_start3A_438 : memref<1x128xi32, #tpu.memory_space<vmem>> -> memref<128xi32, #tpu.memory_space<vmem>>
        %dma_start3A_440 = arith.constant 0 : i32
        %dma_start3A_441 = arith.constant 0 : i32
        %dma_start3A_442 = tpu.memref_slice %arg11[%dma_start3A_440, %dma_start3A_441] : memref<10240x128xf32, #tpu.memory_space<vmem_shared>> -> memref<10240x128xf32, #tpu.memory_space<vmem_shared>>
        tpu.enqueue_indirect_dma source(%arg10 : memref<128x128xf32, #tpu.memory_space<vmem>>) target(%dma_start3A_442 : memref<10240x128xf32, #tpu.memory_space<vmem_shared>>) offsets(%dma_start3A_439 : memref<128xi32, #tpu.memory_space<vmem>>) semaphore(%run_scoped3A : memref<!tpu.dma_semaphore, #tpu.memory_space<semaphore_mem>>) {add = true}
        %dma_wait3A_443 = arith.constant 0 : i32
        %dma_wait3A_444 = tpu.memref_slice %arg8[%add3A_436, %dma_wait3A_443] : memref<40x128xi32, #tpu.memory_space<vmem>> -> memref<1x128xi32, #tpu.memory_space<vmem>>
        %dma_wait3A_445 = tpu.memref_squeeze %dma_wait3A_444 : memref<1x128xi32, #tpu.memory_space<vmem>> -> memref<128xi32, #tpu.memory_space<vmem>>
        %dma_wait3A_446 = arith.constant 0 : i32
        %dma_wait3A_447 = arith.constant 0 : i32
        %dma_wait3A_448 = tpu.memref_slice %arg11[%dma_wait3A_446, %dma_wait3A_447] : memref<10240x128xf32, #tpu.memory_space<vmem_shared>> -> memref<10240x128xf32, #tpu.memory_space<vmem_shared>>
        tpu.wait_indirect_dma semaphore(%run_scoped3A : memref<!tpu.dma_semaphore, #tpu.memory_space<semaphore_mem>>) src(%arg10 : memref<128x128xf32, #tpu.memory_space<vmem>>) dst(%dma_wait3A_448 : memref<10240x128xf32, #tpu.memory_space<vmem_shared>>)
        tpu.yield
      }) : () -> ()
    }
    %scan3A_127 = arith.constant 5 : i32
    %barrier3A_128 = arith.constant 0 : index
    tpu.barrier barrier_id(%barrier3A_128)
    %add3A_129 = arith.constant 0 : i32
    %add3A_130 = arith.addi %mul3A_2, %add3A_129 : i32
    %dma_start3A_131 = arith.constant 0 : i32
    %dma_start3A_132 = arith.constant 0 : i32
    %dma_start3A_133 = tpu.memref_slice %arg9[%dma_start3A_131, %dma_start3A_132] : memref<128x128xf32, #tpu.memory_space<vmem>> -> memref<128x128xf32, #tpu.memory_space<vmem>>
    %dma_start3A_134 = arith.constant 0 : i32
    %dma_start3A_135 = tpu.memref_slice %arg11[%add3A_130, %dma_start3A_134] : memref<10240x128xf32, #tpu.memory_space<vmem_shared>> -> memref<128x128xf32, #tpu.memory_space<vmem_shared>>
    %dma_start3A_136 = arith.constant 0 : i32
    %dma_start3A_137 = arith.constant 0 : i32
    %dma_start3A_138 = tpu.memref_slice %arg9[%dma_start3A_136, %dma_start3A_137] : memref<128x128xf32, #tpu.memory_space<vmem>> -> memref<128x128xf32, #tpu.memory_space<vmem>>
    %dma_start3A_139 = arith.constant 0 : i32
    %dma_start3A_140 = tpu.memref_slice %arg11[%add3A_130, %dma_start3A_139] : memref<10240x128xf32, #tpu.memory_space<vmem_shared>> -> memref<128x128xf32, #tpu.memory_space<vmem_shared>>
    tpu.enqueue_dma source(%dma_start3A_140 : memref<128x128xf32, #tpu.memory_space<vmem_shared>>) target(%dma_start3A_138 : memref<128x128xf32, #tpu.memory_space<vmem>>) target_semaphore(%arg12 : memref<!tpu.dma_semaphore, #tpu.memory_space<semaphore_mem>>)
    %add3A_141 = arith.constant 128 : i32
    %add3A_142 = arith.addi %mul3A_2, %add3A_141 : i32
    %dma_start3A_143 = arith.constant 0 : i32
    %dma_start3A_144 = arith.constant 0 : i32
    %dma_start3A_145 = tpu.memref_slice %arg10[%dma_start3A_143, %dma_start3A_144] : memref<128x128xf32, #tpu.memory_space<vmem>> -> memref<128x128xf32, #tpu.memory_space<vmem>>
    %dma_start3A_146 = arith.constant 0 : i32
    %dma_start3A_147 = tpu.memref_slice %arg11[%add3A_142, %dma_start3A_146] : memref<10240x128xf32, #tpu.memory_space<vmem_shared>> -> memref<128x128xf32, #tpu.memory_space<vmem_shared>>
    %dma_start3A_148 = arith.constant 0 : i32
    %dma_start3A_149 = arith.constant 0 : i32
    %dma_start3A_150 = tpu.memref_slice %arg10[%dma_start3A_148, %dma_start3A_149] : memref<128x128xf32, #tpu.memory_space<vmem>> -> memref<128x128xf32, #tpu.memory_space<vmem>>
    %dma_start3A_151 = arith.constant 0 : i32
    %dma_start3A_152 = tpu.memref_slice %arg11[%add3A_142, %dma_start3A_151] : memref<10240x128xf32, #tpu.memory_space<vmem_shared>> -> memref<128x128xf32, #tpu.memory_space<vmem_shared>>
    tpu.enqueue_dma source(%dma_start3A_152 : memref<128x128xf32, #tpu.memory_space<vmem_shared>>) target(%dma_start3A_150 : memref<128x128xf32, #tpu.memory_space<vmem>>) target_semaphore(%arg13 : memref<!tpu.dma_semaphore, #tpu.memory_space<semaphore_mem>>)
    %add3A_153 = arith.constant 0 : i32
    %add3A_154 = arith.addi %mul3A_2, %add3A_153 : i32
    %dma_wait3A_155 = arith.constant 0 : i32
    %dma_wait3A_156 = arith.constant 0 : i32
    %dma_wait3A_157 = tpu.memref_slice %arg9[%dma_wait3A_155, %dma_wait3A_156] : memref<128x128xf32, #tpu.memory_space<vmem>> -> memref<128x128xf32, #tpu.memory_space<vmem>>
    %dma_wait3A_158 = arith.constant 0 : i32
    %dma_wait3A_159 = tpu.memref_slice %arg11[%add3A_130, %dma_wait3A_158] : memref<10240x128xf32, #tpu.memory_space<vmem_shared>> -> memref<128x128xf32, #tpu.memory_space<vmem_shared>>
    %dma_wait3A_160 = arith.constant 0 : i32
    %dma_wait3A_161 = arith.constant 0 : i32
    %dma_wait3A_162 = tpu.memref_slice %arg9[%dma_wait3A_160, %dma_wait3A_161] : memref<128x128xf32, #tpu.memory_space<vmem>> -> memref<128x128xf32, #tpu.memory_space<vmem>>
    %dma_wait3A_163 = arith.constant 0 : i32
    %dma_wait3A_164 = tpu.memref_slice %arg11[%add3A_130, %dma_wait3A_163] : memref<10240x128xf32, #tpu.memory_space<vmem_shared>> -> memref<128x128xf32, #tpu.memory_space<vmem_shared>>
    tpu.wait_dma2 semaphore(%arg12 : memref<!tpu.dma_semaphore, #tpu.memory_space<semaphore_mem>>) src(%dma_wait3A_164 : memref<128x128xf32, #tpu.memory_space<vmem_shared>>) dst(%dma_wait3A_162 : memref<128x128xf32, #tpu.memory_space<vmem>>)
    %eq3A = arith.constant 0 : i32
    %eq3A_165 = arith.cmpi eq, %arg0, %eq3A : i32
    %convert_element_type3A = arith.extui %eq3A_165 : i1 to i32
    %cond3A = arith.constant 0 : i32
    %cond3A_166 = arith.cmpi ne, %convert_element_type3A, %cond3A : i32
    scf.if %cond3A_166 {
      "tpu.region"() ({
        %run_scoped3A = tpu.sem_alloc : memref<!tpu.dma_semaphore, #tpu.memory_space<semaphore_mem>>
        %dma_start3A_296 = arith.constant 0 : i32
        %dma_start3A_297 = arith.constant 0 : i32
        %dma_start3A_298 = tpu.memref_slice %arg9[%dma_start3A_296, %dma_start3A_297] : memref<128x128xf32, #tpu.memory_space<vmem>> -> memref<128x128xf32, #tpu.memory_space<vmem>>
        %dma_start3A_299 = arith.constant 0 : i32
        %dma_start3A_300 = tpu.memref_slice %arg5[%add3A_154, %dma_start3A_299] : memref<10240x128xf32, #tpu.memory_space<hbm>> -> memref<128x128xf32, #tpu.memory_space<hbm>>
        %dma_start3A_301 = arith.constant 0 : i32
        %dma_start3A_302 = tpu.memref_slice %arg5[%add3A_154, %dma_start3A_301] : memref<10240x128xf32, #tpu.memory_space<hbm>> -> memref<128x128xf32, #tpu.memory_space<hbm>>
        %dma_start3A_303 = arith.constant 0 : i32
        %dma_start3A_304 = arith.constant 0 : i32
        %dma_start3A_305 = tpu.memref_slice %arg9[%dma_start3A_303, %dma_start3A_304] : memref<128x128xf32, #tpu.memory_space<vmem>> -> memref<128x128xf32, #tpu.memory_space<vmem>>
        tpu.enqueue_dma source(%dma_start3A_305 : memref<128x128xf32, #tpu.memory_space<vmem>>) target(%dma_start3A_302 : memref<128x128xf32, #tpu.memory_space<hbm>>) target_semaphore(%run_scoped3A : memref<!tpu.dma_semaphore, #tpu.memory_space<semaphore_mem>>)
        %dma_wait3A_306 = arith.constant 0 : i32
        %dma_wait3A_307 = arith.constant 0 : i32
        %dma_wait3A_308 = tpu.memref_slice %arg9[%dma_wait3A_306, %dma_wait3A_307] : memref<128x128xf32, #tpu.memory_space<vmem>> -> memref<128x128xf32, #tpu.memory_space<vmem>>
        %dma_wait3A_309 = arith.constant 0 : i32
        %dma_wait3A_310 = tpu.memref_slice %arg5[%add3A_154, %dma_wait3A_309] : memref<10240x128xf32, #tpu.memory_space<hbm>> -> memref<128x128xf32, #tpu.memory_space<hbm>>
        %dma_wait3A_311 = arith.constant 0 : i32
        %dma_wait3A_312 = tpu.memref_slice %arg5[%add3A_154, %dma_wait3A_311] : memref<10240x128xf32, #tpu.memory_space<hbm>> -> memref<128x128xf32, #tpu.memory_space<hbm>>
        %dma_wait3A_313 = arith.constant 0 : i32
        %dma_wait3A_314 = arith.constant 0 : i32
        %dma_wait3A_315 = tpu.memref_slice %arg9[%dma_wait3A_313, %dma_wait3A_314] : memref<128x128xf32, #tpu.memory_space<vmem>> -> memref<128x128xf32, #tpu.memory_space<vmem>>
        tpu.wait_dma2 semaphore(%run_scoped3A : memref<!tpu.dma_semaphore, #tpu.memory_space<semaphore_mem>>) src(%dma_wait3A_315 : memref<128x128xf32, #tpu.memory_space<vmem>>) dst(%dma_wait3A_312 : memref<128x128xf32, #tpu.memory_space<hbm>>)
        tpu.yield
      }) : () -> ()
    } else {
    }
    %eq3A_167 = arith.constant 1 : i32
    %eq3A_168 = arith.cmpi eq, %arg0, %eq3A_167 : i32
    %convert_element_type3A_169 = arith.extui %eq3A_168 : i1 to i32
    %cond3A_170 = arith.constant 0 : i32
    %cond3A_171 = arith.cmpi ne, %convert_element_type3A_169, %cond3A_170 : i32
    scf.if %cond3A_171 {
      "tpu.region"() ({
        %run_scoped3A = tpu.sem_alloc : memref<!tpu.dma_semaphore, #tpu.memory_space<semaphore_mem>>
        %dma_start3A_296 = arith.constant 0 : i32
        %dma_start3A_297 = arith.constant 0 : i32
        %dma_start3A_298 = tpu.memref_slice %arg9[%dma_start3A_296, %dma_start3A_297] : memref<128x128xf32, #tpu.memory_space<vmem>> -> memref<128x128xf32, #tpu.memory_space<vmem>>
        %dma_start3A_299 = arith.constant 0 : i32
        %dma_start3A_300 = tpu.memref_slice %arg6[%add3A_154, %dma_start3A_299] : memref<10240x128xf32, #tpu.memory_space<hbm>> -> memref<128x128xf32, #tpu.memory_space<hbm>>
        %dma_start3A_301 = arith.constant 0 : i32
        %dma_start3A_302 = tpu.memref_slice %arg6[%add3A_154, %dma_start3A_301] : memref<10240x128xf32, #tpu.memory_space<hbm>> -> memref<128x128xf32, #tpu.memory_space<hbm>>
        %dma_start3A_303 = arith.constant 0 : i32
        %dma_start3A_304 = arith.constant 0 : i32
        %dma_start3A_305 = tpu.memref_slice %arg9[%dma_start3A_303, %dma_start3A_304] : memref<128x128xf32, #tpu.memory_space<vmem>> -> memref<128x128xf32, #tpu.memory_space<vmem>>
        tpu.enqueue_dma source(%dma_start3A_305 : memref<128x128xf32, #tpu.memory_space<vmem>>) target(%dma_start3A_302 : memref<128x128xf32, #tpu.memory_space<hbm>>) target_semaphore(%run_scoped3A : memref<!tpu.dma_semaphore, #tpu.memory_space<semaphore_mem>>)
        %dma_wait3A_306 = arith.constant 0 : i32
        %dma_wait3A_307 = arith.constant 0 : i32
        %dma_wait3A_308 = tpu.memref_slice %arg9[%dma_wait3A_306, %dma_wait3A_307] : memref<128x128xf32, #tpu.memory_space<vmem>> -> memref<128x128xf32, #tpu.memory_space<vmem>>
        %dma_wait3A_309 = arith.constant 0 : i32
        %dma_wait3A_310 = tpu.memref_slice %arg6[%add3A_154, %dma_wait3A_309] : memref<10240x128xf32, #tpu.memory_space<hbm>> -> memref<128x128xf32, #tpu.memory_space<hbm>>
        %dma_wait3A_311 = arith.constant 0 : i32
        %dma_wait3A_312 = tpu.memref_slice %arg6[%add3A_154, %dma_wait3A_311] : memref<10240x128xf32, #tpu.memory_space<hbm>> -> memref<128x128xf32, #tpu.memory_space<hbm>>
        %dma_wait3A_313 = arith.constant 0 : i32
        %dma_wait3A_314 = arith.constant 0 : i32
        %dma_wait3A_315 = tpu.memref_slice %arg9[%dma_wait3A_313, %dma_wait3A_314] : memref<128x128xf32, #tpu.memory_space<vmem>> -> memref<128x128xf32, #tpu.memory_space<vmem>>
        tpu.wait_dma2 semaphore(%run_scoped3A : memref<!tpu.dma_semaphore, #tpu.memory_space<semaphore_mem>>) src(%dma_wait3A_315 : memref<128x128xf32, #tpu.memory_space<vmem>>) dst(%dma_wait3A_312 : memref<128x128xf32, #tpu.memory_space<hbm>>)
        tpu.yield
      }) : () -> ()
    } else {
    }
    %add3A_172 = arith.constant 256 : i32
    %add3A_173 = arith.addi %mul3A_2, %add3A_172 : i32
    %dma_start3A_174 = arith.constant 0 : i32
    %dma_start3A_175 = arith.constant 0 : i32
    %dma_start3A_176 = tpu.memref_slice %arg9[%dma_start3A_174, %dma_start3A_175] : memref<128x128xf32, #tpu.memory_space<vmem>> -> memref<128x128xf32, #tpu.memory_space<vmem>>
    %dma_start3A_177 = arith.constant 0 : i32
    %dma_start3A_178 = tpu.memref_slice %arg11[%add3A_173, %dma_start3A_177] : memref<10240x128xf32, #tpu.memory_space<vmem_shared>> -> memref<128x128xf32, #tpu.memory_space<vmem_shared>>
    %dma_start3A_179 = arith.constant 0 : i32
    %dma_start3A_180 = arith.constant 0 : i32
    %dma_start3A_181 = tpu.memref_slice %arg9[%dma_start3A_179, %dma_start3A_180] : memref<128x128xf32, #tpu.memory_space<vmem>> -> memref<128x128xf32, #tpu.memory_space<vmem>>
    %dma_start3A_182 = arith.constant 0 : i32
    %dma_start3A_183 = tpu.memref_slice %arg11[%add3A_173, %dma_start3A_182] : memref<10240x128xf32, #tpu.memory_space<vmem_shared>> -> memref<128x128xf32, #tpu.memory_space<vmem_shared>>
    tpu.enqueue_dma source(%dma_start3A_183 : memref<128x128xf32, #tpu.memory_space<vmem_shared>>) target(%dma_start3A_181 : memref<128x128xf32, #tpu.memory_space<vmem>>) target_semaphore(%arg12 : memref<!tpu.dma_semaphore, #tpu.memory_space<semaphore_mem>>)
    %add3A_184 = arith.constant 128 : i32
    %add3A_185 = arith.addi %mul3A_2, %add3A_184 : i32
    %dma_wait3A_186 = arith.constant 0 : i32
    %dma_wait3A_187 = arith.constant 0 : i32
    %dma_wait3A_188 = tpu.memref_slice %arg10[%dma_wait3A_186, %dma_wait3A_187] : memref<128x128xf32, #tpu.memory_space<vmem>> -> memref<128x128xf32, #tpu.memory_space<vmem>>
    %dma_wait3A_189 = arith.constant 0 : i32
    %dma_wait3A_190 = tpu.memref_slice %arg11[%add3A_142, %dma_wait3A_189] : memref<10240x128xf32, #tpu.memory_space<vmem_shared>> -> memref<128x128xf32, #tpu.memory_space<vmem_shared>>
    %dma_wait3A_191 = arith.constant 0 : i32
    %dma_wait3A_192 = arith.constant 0 : i32
    %dma_wait3A_193 = tpu.memref_slice %arg10[%dma_wait3A_191, %dma_wait3A_192] : memref<128x128xf32, #tpu.memory_space<vmem>> -> memref<128x128xf32, #tpu.memory_space<vmem>>
    %dma_wait3A_194 = arith.constant 0 : i32
    %dma_wait3A_195 = tpu.memref_slice %arg11[%add3A_142, %dma_wait3A_194] : memref<10240x128xf32, #tpu.memory_space<vmem_shared>> -> memref<128x128xf32, #tpu.memory_space<vmem_shared>>
    tpu.wait_dma2 semaphore(%arg13 : memref<!tpu.dma_semaphore, #tpu.memory_space<semaphore_mem>>) src(%dma_wait3A_195 : memref<128x128xf32, #tpu.memory_space<vmem_shared>>) dst(%dma_wait3A_193 : memref<128x128xf32, #tpu.memory_space<vmem>>)
    %eq3A_196 = arith.constant 0 : i32
    %eq3A_197 = arith.cmpi eq, %arg0, %eq3A_196 : i32
    %convert_element_type3A_198 = arith.extui %eq3A_197 : i1 to i32
    %cond3A_199 = arith.constant 0 : i32
    %cond3A_200 = arith.cmpi ne, %convert_element_type3A_198, %cond3A_199 : i32
    scf.if %cond3A_200 {
      "tpu.region"() ({
        %run_scoped3A = tpu.sem_alloc : memref<!tpu.dma_semaphore, #tpu.memory_space<semaphore_mem>>
        %dma_start3A_296 = arith.constant 0 : i32
        %dma_start3A_297 = arith.constant 0 : i32
        %dma_start3A_298 = tpu.memref_slice %arg10[%dma_start3A_296, %dma_start3A_297] : memref<128x128xf32, #tpu.memory_space<vmem>> -> memref<128x128xf32, #tpu.memory_space<vmem>>
        %dma_start3A_299 = arith.constant 0 : i32
        %dma_start3A_300 = tpu.memref_slice %arg5[%add3A_185, %dma_start3A_299] : memref<10240x128xf32, #tpu.memory_space<hbm>> -> memref<128x128xf32, #tpu.memory_space<hbm>>
        %dma_start3A_301 = arith.constant 0 : i32
        %dma_start3A_302 = tpu.memref_slice %arg5[%add3A_185, %dma_start3A_301] : memref<10240x128xf32, #tpu.memory_space<hbm>> -> memref<128x128xf32, #tpu.memory_space<hbm>>
        %dma_start3A_303 = arith.constant 0 : i32
        %dma_start3A_304 = arith.constant 0 : i32
        %dma_start3A_305 = tpu.memref_slice %arg10[%dma_start3A_303, %dma_start3A_304] : memref<128x128xf32, #tpu.memory_space<vmem>> -> memref<128x128xf32, #tpu.memory_space<vmem>>
        tpu.enqueue_dma source(%dma_start3A_305 : memref<128x128xf32, #tpu.memory_space<vmem>>) target(%dma_start3A_302 : memref<128x128xf32, #tpu.memory_space<hbm>>) target_semaphore(%run_scoped3A : memref<!tpu.dma_semaphore, #tpu.memory_space<semaphore_mem>>)
        %dma_wait3A_306 = arith.constant 0 : i32
        %dma_wait3A_307 = arith.constant 0 : i32
        %dma_wait3A_308 = tpu.memref_slice %arg10[%dma_wait3A_306, %dma_wait3A_307] : memref<128x128xf32, #tpu.memory_space<vmem>> -> memref<128x128xf32, #tpu.memory_space<vmem>>
        %dma_wait3A_309 = arith.constant 0 : i32
        %dma_wait3A_310 = tpu.memref_slice %arg5[%add3A_185, %dma_wait3A_309] : memref<10240x128xf32, #tpu.memory_space<hbm>> -> memref<128x128xf32, #tpu.memory_space<hbm>>
        %dma_wait3A_311 = arith.constant 0 : i32
        %dma_wait3A_312 = tpu.memref_slice %arg5[%add3A_185, %dma_wait3A_311] : memref<10240x128xf32, #tpu.memory_space<hbm>> -> memref<128x128xf32, #tpu.memory_space<hbm>>
        %dma_wait3A_313 = arith.constant 0 : i32
        %dma_wait3A_314 = arith.constant 0 : i32
        %dma_wait3A_315 = tpu.memref_slice %arg10[%dma_wait3A_313, %dma_wait3A_314] : memref<128x128xf32, #tpu.memory_space<vmem>> -> memref<128x128xf32, #tpu.memory_space<vmem>>
        tpu.wait_dma2 semaphore(%run_scoped3A : memref<!tpu.dma_semaphore, #tpu.memory_space<semaphore_mem>>) src(%dma_wait3A_315 : memref<128x128xf32, #tpu.memory_space<vmem>>) dst(%dma_wait3A_312 : memref<128x128xf32, #tpu.memory_space<hbm>>)
        tpu.yield
      }) : () -> ()
    } else {
    }
    %eq3A_201 = arith.constant 1 : i32
    %eq3A_202 = arith.cmpi eq, %arg0, %eq3A_201 : i32
    %convert_element_type3A_203 = arith.extui %eq3A_202 : i1 to i32
    %cond3A_204 = arith.constant 0 : i32
    %cond3A_205 = arith.cmpi ne, %convert_element_type3A_203, %cond3A_204 : i32
    scf.if %cond3A_205 {
      "tpu.region"() ({
        %run_scoped3A = tpu.sem_alloc : memref<!tpu.dma_semaphore, #tpu.memory_space<semaphore_mem>>
        %dma_start3A_296 = arith.constant 0 : i32
        %dma_start3A_297 = arith.constant 0 : i32
        %dma_start3A_298 = tpu.memref_slice %arg10[%dma_start3A_296, %dma_start3A_297] : memref<128x128xf32, #tpu.memory_space<vmem>> -> memref<128x128xf32, #tpu.memory_space<vmem>>
        %dma_start3A_299 = arith.constant 0 : i32
        %dma_start3A_300 = tpu.memref_slice %arg6[%add3A_185, %dma_start3A_299] : memref<10240x128xf32, #tpu.memory_space<hbm>> -> memref<128x128xf32, #tpu.memory_space<hbm>>
        %dma_start3A_301 = arith.constant 0 : i32
        %dma_start3A_302 = tpu.memref_slice %arg6[%add3A_185, %dma_start3A_301] : memref<10240x128xf32, #tpu.memory_space<hbm>> -> memref<128x128xf32, #tpu.memory_space<hbm>>
        %dma_start3A_303 = arith.constant 0 : i32
        %dma_start3A_304 = arith.constant 0 : i32
        %dma_start3A_305 = tpu.memref_slice %arg10[%dma_start3A_303, %dma_start3A_304] : memref<128x128xf32, #tpu.memory_space<vmem>> -> memref<128x128xf32, #tpu.memory_space<vmem>>
        tpu.enqueue_dma source(%dma_start3A_305 : memref<128x128xf32, #tpu.memory_space<vmem>>) target(%dma_start3A_302 : memref<128x128xf32, #tpu.memory_space<hbm>>) target_semaphore(%run_scoped3A : memref<!tpu.dma_semaphore, #tpu.memory_space<semaphore_mem>>)
        %dma_wait3A_306 = arith.constant 0 : i32
        %dma_wait3A_307 = arith.constant 0 : i32
        %dma_wait3A_308 = tpu.memref_slice %arg10[%dma_wait3A_306, %dma_wait3A_307] : memref<128x128xf32, #tpu.memory_space<vmem>> -> memref<128x128xf32, #tpu.memory_space<vmem>>
        %dma_wait3A_309 = arith.constant 0 : i32
        %dma_wait3A_310 = tpu.memref_slice %arg6[%add3A_185, %dma_wait3A_309] : memref<10240x128xf32, #tpu.memory_space<hbm>> -> memref<128x128xf32, #tpu.memory_space<hbm>>
        %dma_wait3A_311 = arith.constant 0 : i32
        %dma_wait3A_312 = tpu.memref_slice %arg6[%add3A_185, %dma_wait3A_311] : memref<10240x128xf32, #tpu.memory_space<hbm>> -> memref<128x128xf32, #tpu.memory_space<hbm>>
        %dma_wait3A_313 = arith.constant 0 : i32
        %dma_wait3A_314 = arith.constant 0 : i32
        %dma_wait3A_315 = tpu.memref_slice %arg10[%dma_wait3A_313, %dma_wait3A_314] : memref<128x128xf32, #tpu.memory_space<vmem>> -> memref<128x128xf32, #tpu.memory_space<vmem>>
        tpu.wait_dma2 semaphore(%run_scoped3A : memref<!tpu.dma_semaphore, #tpu.memory_space<semaphore_mem>>) src(%dma_wait3A_315 : memref<128x128xf32, #tpu.memory_space<vmem>>) dst(%dma_wait3A_312 : memref<128x128xf32, #tpu.memory_space<hbm>>)
        tpu.yield
      }) : () -> ()
    } else {
    }
    %add3A_206 = arith.constant 384 : i32
    %add3A_207 = arith.addi %mul3A_2, %add3A_206 : i32
    %dma_start3A_208 = arith.constant 0 : i32
    %dma_start3A_209 = arith.constant 0 : i32
    %dma_start3A_210 = tpu.memref_slice %arg10[%dma_start3A_208, %dma_start3A_209] : memref<128x128xf32, #tpu.memory_space<vmem>> -> memref<128x128xf32, #tpu.memory_space<vmem>>
    %dma_start3A_211 = arith.constant 0 : i32
    %dma_start3A_212 = tpu.memref_slice %arg11[%add3A_207, %dma_start3A_211] : memref<10240x128xf32, #tpu.memory_space<vmem_shared>> -> memref<128x128xf32, #tpu.memory_space<vmem_shared>>
    %dma_start3A_213 = arith.constant 0 : i32
    %dma_start3A_214 = arith.constant 0 : i32
    %dma_start3A_215 = tpu.memref_slice %arg10[%dma_start3A_213, %dma_start3A_214] : memref<128x128xf32, #tpu.memory_space<vmem>> -> memref<128x128xf32, #tpu.memory_space<vmem>>
    %dma_start3A_216 = arith.constant 0 : i32
    %dma_start3A_217 = tpu.memref_slice %arg11[%add3A_207, %dma_start3A_216] : memref<10240x128xf32, #tpu.memory_space<vmem_shared>> -> memref<128x128xf32, #tpu.memory_space<vmem_shared>>
    tpu.enqueue_dma source(%dma_start3A_217 : memref<128x128xf32, #tpu.memory_space<vmem_shared>>) target(%dma_start3A_215 : memref<128x128xf32, #tpu.memory_space<vmem>>) target_semaphore(%arg13 : memref<!tpu.dma_semaphore, #tpu.memory_space<semaphore_mem>>)
    %add3A_218 = arith.constant 256 : i32
    %add3A_219 = arith.addi %mul3A_2, %add3A_218 : i32
    %dma_wait3A_220 = arith.constant 0 : i32
    %dma_wait3A_221 = arith.constant 0 : i32
    %dma_wait3A_222 = tpu.memref_slice %arg9[%dma_wait3A_220, %dma_wait3A_221] : memref<128x128xf32, #tpu.memory_space<vmem>> -> memref<128x128xf32, #tpu.memory_space<vmem>>
    %dma_wait3A_223 = arith.constant 0 : i32
    %dma_wait3A_224 = tpu.memref_slice %arg11[%add3A_173, %dma_wait3A_223] : memref<10240x128xf32, #tpu.memory_space<vmem_shared>> -> memref<128x128xf32, #tpu.memory_space<vmem_shared>>
    %dma_wait3A_225 = arith.constant 0 : i32
    %dma_wait3A_226 = arith.constant 0 : i32
    %dma_wait3A_227 = tpu.memref_slice %arg9[%dma_wait3A_225, %dma_wait3A_226] : memref<128x128xf32, #tpu.memory_space<vmem>> -> memref<128x128xf32, #tpu.memory_space<vmem>>
    %dma_wait3A_228 = arith.constant 0 : i32
    %dma_wait3A_229 = tpu.memref_slice %arg11[%add3A_173, %dma_wait3A_228] : memref<10240x128xf32, #tpu.memory_space<vmem_shared>> -> memref<128x128xf32, #tpu.memory_space<vmem_shared>>
    tpu.wait_dma2 semaphore(%arg12 : memref<!tpu.dma_semaphore, #tpu.memory_space<semaphore_mem>>) src(%dma_wait3A_229 : memref<128x128xf32, #tpu.memory_space<vmem_shared>>) dst(%dma_wait3A_227 : memref<128x128xf32, #tpu.memory_space<vmem>>)
    %eq3A_230 = arith.constant 0 : i32
    %eq3A_231 = arith.cmpi eq, %arg0, %eq3A_230 : i32
    %convert_element_type3A_232 = arith.extui %eq3A_231 : i1 to i32
    %cond3A_233 = arith.constant 0 : i32
    %cond3A_234 = arith.cmpi ne, %convert_element_type3A_232, %cond3A_233 : i32
    scf.if %cond3A_234 {
      "tpu.region"() ({
        %run_scoped3A = tpu.sem_alloc : memref<!tpu.dma_semaphore, #tpu.memory_space<semaphore_mem>>
        %dma_start3A_296 = arith.constant 0 : i32
        %dma_start3A_297 = arith.constant 0 : i32
        %dma_start3A_298 = tpu.memref_slice %arg9[%dma_start3A_296, %dma_start3A_297] : memref<128x128xf32, #tpu.memory_space<vmem>> -> memref<128x128xf32, #tpu.memory_space<vmem>>
        %dma_start3A_299 = arith.constant 0 : i32
        %dma_start3A_300 = tpu.memref_slice %arg5[%add3A_219, %dma_start3A_299] : memref<10240x128xf32, #tpu.memory_space<hbm>> -> memref<128x128xf32, #tpu.memory_space<hbm>>
        %dma_start3A_301 = arith.constant 0 : i32
        %dma_start3A_302 = tpu.memref_slice %arg5[%add3A_219, %dma_start3A_301] : memref<10240x128xf32, #tpu.memory_space<hbm>> -> memref<128x128xf32, #tpu.memory_space<hbm>>
        %dma_start3A_303 = arith.constant 0 : i32
        %dma_start3A_304 = arith.constant 0 : i32
        %dma_start3A_305 = tpu.memref_slice %arg9[%dma_start3A_303, %dma_start3A_304] : memref<128x128xf32, #tpu.memory_space<vmem>> -> memref<128x128xf32, #tpu.memory_space<vmem>>
        tpu.enqueue_dma source(%dma_start3A_305 : memref<128x128xf32, #tpu.memory_space<vmem>>) target(%dma_start3A_302 : memref<128x128xf32, #tpu.memory_space<hbm>>) target_semaphore(%run_scoped3A : memref<!tpu.dma_semaphore, #tpu.memory_space<semaphore_mem>>)
        %dma_wait3A_306 = arith.constant 0 : i32
        %dma_wait3A_307 = arith.constant 0 : i32
        %dma_wait3A_308 = tpu.memref_slice %arg9[%dma_wait3A_306, %dma_wait3A_307] : memref<128x128xf32, #tpu.memory_space<vmem>> -> memref<128x128xf32, #tpu.memory_space<vmem>>
        %dma_wait3A_309 = arith.constant 0 : i32
        %dma_wait3A_310 = tpu.memref_slice %arg5[%add3A_219, %dma_wait3A_309] : memref<10240x128xf32, #tpu.memory_space<hbm>> -> memref<128x128xf32, #tpu.memory_space<hbm>>
        %dma_wait3A_311 = arith.constant 0 : i32
        %dma_wait3A_312 = tpu.memref_slice %arg5[%add3A_219, %dma_wait3A_311] : memref<10240x128xf32, #tpu.memory_space<hbm>> -> memref<128x128xf32, #tpu.memory_space<hbm>>
        %dma_wait3A_313 = arith.constant 0 : i32
        %dma_wait3A_314 = arith.constant 0 : i32
        %dma_wait3A_315 = tpu.memref_slice %arg9[%dma_wait3A_313, %dma_wait3A_314] : memref<128x128xf32, #tpu.memory_space<vmem>> -> memref<128x128xf32, #tpu.memory_space<vmem>>
        tpu.wait_dma2 semaphore(%run_scoped3A : memref<!tpu.dma_semaphore, #tpu.memory_space<semaphore_mem>>) src(%dma_wait3A_315 : memref<128x128xf32, #tpu.memory_space<vmem>>) dst(%dma_wait3A_312 : memref<128x128xf32, #tpu.memory_space<hbm>>)
        tpu.yield
      }) : () -> ()
    } else {
    }
    %eq3A_235 = arith.constant 1 : i32
    %eq3A_236 = arith.cmpi eq, %arg0, %eq3A_235 : i32
    %convert_element_type3A_237 = arith.extui %eq3A_236 : i1 to i32
    %cond3A_238 = arith.constant 0 : i32
    %cond3A_239 = arith.cmpi ne, %convert_element_type3A_237, %cond3A_238 : i32
    scf.if %cond3A_239 {
      "tpu.region"() ({
        %run_scoped3A = tpu.sem_alloc : memref<!tpu.dma_semaphore, #tpu.memory_space<semaphore_mem>>
        %dma_start3A_296 = arith.constant 0 : i32
        %dma_start3A_297 = arith.constant 0 : i32
        %dma_start3A_298 = tpu.memref_slice %arg9[%dma_start3A_296, %dma_start3A_297] : memref<128x128xf32, #tpu.memory_space<vmem>> -> memref<128x128xf32, #tpu.memory_space<vmem>>
        %dma_start3A_299 = arith.constant 0 : i32
        %dma_start3A_300 = tpu.memref_slice %arg6[%add3A_219, %dma_start3A_299] : memref<10240x128xf32, #tpu.memory_space<hbm>> -> memref<128x128xf32, #tpu.memory_space<hbm>>
        %dma_start3A_301 = arith.constant 0 : i32
        %dma_start3A_302 = tpu.memref_slice %arg6[%add3A_219, %dma_start3A_301] : memref<10240x128xf32, #tpu.memory_space<hbm>> -> memref<128x128xf32, #tpu.memory_space<hbm>>
        %dma_start3A_303 = arith.constant 0 : i32
        %dma_start3A_304 = arith.constant 0 : i32
        %dma_start3A_305 = tpu.memref_slice %arg9[%dma_start3A_303, %dma_start3A_304] : memref<128x128xf32, #tpu.memory_space<vmem>> -> memref<128x128xf32, #tpu.memory_space<vmem>>
        tpu.enqueue_dma source(%dma_start3A_305 : memref<128x128xf32, #tpu.memory_space<vmem>>) target(%dma_start3A_302 : memref<128x128xf32, #tpu.memory_space<hbm>>) target_semaphore(%run_scoped3A : memref<!tpu.dma_semaphore, #tpu.memory_space<semaphore_mem>>)
        %dma_wait3A_306 = arith.constant 0 : i32
        %dma_wait3A_307 = arith.constant 0 : i32
        %dma_wait3A_308 = tpu.memref_slice %arg9[%dma_wait3A_306, %dma_wait3A_307] : memref<128x128xf32, #tpu.memory_space<vmem>> -> memref<128x128xf32, #tpu.memory_space<vmem>>
        %dma_wait3A_309 = arith.constant 0 : i32
        %dma_wait3A_310 = tpu.memref_slice %arg6[%add3A_219, %dma_wait3A_309] : memref<10240x128xf32, #tpu.memory_space<hbm>> -> memref<128x128xf32, #tpu.memory_space<hbm>>
        %dma_wait3A_311 = arith.constant 0 : i32
        %dma_wait3A_312 = tpu.memref_slice %arg6[%add3A_219, %dma_wait3A_311] : memref<10240x128xf32, #tpu.memory_space<hbm>> -> memref<128x128xf32, #tpu.memory_space<hbm>>
        %dma_wait3A_313 = arith.constant 0 : i32
        %dma_wait3A_314 = arith.constant 0 : i32
        %dma_wait3A_315 = tpu.memref_slice %arg9[%dma_wait3A_313, %dma_wait3A_314] : memref<128x128xf32, #tpu.memory_space<vmem>> -> memref<128x128xf32, #tpu.memory_space<vmem>>
        tpu.wait_dma2 semaphore(%run_scoped3A : memref<!tpu.dma_semaphore, #tpu.memory_space<semaphore_mem>>) src(%dma_wait3A_315 : memref<128x128xf32, #tpu.memory_space<vmem>>) dst(%dma_wait3A_312 : memref<128x128xf32, #tpu.memory_space<hbm>>)
        tpu.yield
      }) : () -> ()
    } else {
    }
    %add3A_240 = arith.constant 512 : i32
    %add3A_241 = arith.addi %mul3A_2, %add3A_240 : i32
    %dma_start3A_242 = arith.constant 0 : i32
    %dma_start3A_243 = arith.constant 0 : i32
    %dma_start3A_244 = tpu.memref_slice %arg9[%dma_start3A_242, %dma_start3A_243] : memref<128x128xf32, #tpu.memory_space<vmem>> -> memref<128x128xf32, #tpu.memory_space<vmem>>
    %dma_start3A_245 = arith.constant 0 : i32
    %dma_start3A_246 = tpu.memref_slice %arg11[%add3A_241, %dma_start3A_245] : memref<10240x128xf32, #tpu.memory_space<vmem_shared>> -> memref<128x128xf32, #tpu.memory_space<vmem_shared>>
    %dma_start3A_247 = arith.constant 0 : i32
    %dma_start3A_248 = arith.constant 0 : i32
    %dma_start3A_249 = tpu.memref_slice %arg9[%dma_start3A_247, %dma_start3A_248] : memref<128x128xf32, #tpu.memory_space<vmem>> -> memref<128x128xf32, #tpu.memory_space<vmem>>
    %dma_start3A_250 = arith.constant 0 : i32
    %dma_start3A_251 = tpu.memref_slice %arg11[%add3A_241, %dma_start3A_250] : memref<10240x128xf32, #tpu.memory_space<vmem_shared>> -> memref<128x128xf32, #tpu.memory_space<vmem_shared>>
    tpu.enqueue_dma source(%dma_start3A_251 : memref<128x128xf32, #tpu.memory_space<vmem_shared>>) target(%dma_start3A_249 : memref<128x128xf32, #tpu.memory_space<vmem>>) target_semaphore(%arg12 : memref<!tpu.dma_semaphore, #tpu.memory_space<semaphore_mem>>)
    %add3A_252 = arith.constant 384 : i32
    %add3A_253 = arith.addi %mul3A_2, %add3A_252 : i32
    %dma_wait3A_254 = arith.constant 0 : i32
    %dma_wait3A_255 = arith.constant 0 : i32
    %dma_wait3A_256 = tpu.memref_slice %arg10[%dma_wait3A_254, %dma_wait3A_255] : memref<128x128xf32, #tpu.memory_space<vmem>> -> memref<128x128xf32, #tpu.memory_space<vmem>>
    %dma_wait3A_257 = arith.constant 0 : i32
    %dma_wait3A_258 = tpu.memref_slice %arg11[%add3A_207, %dma_wait3A_257] : memref<10240x128xf32, #tpu.memory_space<vmem_shared>> -> memref<128x128xf32, #tpu.memory_space<vmem_shared>>
    %dma_wait3A_259 = arith.constant 0 : i32
    %dma_wait3A_260 = arith.constant 0 : i32
    %dma_wait3A_261 = tpu.memref_slice %arg10[%dma_wait3A_259, %dma_wait3A_260] : memref<128x128xf32, #tpu.memory_space<vmem>> -> memref<128x128xf32, #tpu.memory_space<vmem>>
    %dma_wait3A_262 = arith.constant 0 : i32
    %dma_wait3A_263 = tpu.memref_slice %arg11[%add3A_207, %dma_wait3A_262] : memref<10240x128xf32, #tpu.memory_space<vmem_shared>> -> memref<128x128xf32, #tpu.memory_space<vmem_shared>>
    tpu.wait_dma2 semaphore(%arg13 : memref<!tpu.dma_semaphore, #tpu.memory_space<semaphore_mem>>) src(%dma_wait3A_263 : memref<128x128xf32, #tpu.memory_space<vmem_shared>>) dst(%dma_wait3A_261 : memref<128x128xf32, #tpu.memory_space<vmem>>)
    %eq3A_264 = arith.constant 0 : i32
    %eq3A_265 = arith.cmpi eq, %arg0, %eq3A_264 : i32
    %convert_element_type3A_266 = arith.extui %eq3A_265 : i1 to i32
    %cond3A_267 = arith.constant 0 : i32
    %cond3A_268 = arith.cmpi ne, %convert_element_type3A_266, %cond3A_267 : i32
    scf.if %cond3A_268 {
      "tpu.region"() ({
        %run_scoped3A = tpu.sem_alloc : memref<!tpu.dma_semaphore, #tpu.memory_space<semaphore_mem>>
        %dma_start3A_296 = arith.constant 0 : i32
        %dma_start3A_297 = arith.constant 0 : i32
        %dma_start3A_298 = tpu.memref_slice %arg10[%dma_start3A_296, %dma_start3A_297] : memref<128x128xf32, #tpu.memory_space<vmem>> -> memref<128x128xf32, #tpu.memory_space<vmem>>
        %dma_start3A_299 = arith.constant 0 : i32
        %dma_start3A_300 = tpu.memref_slice %arg5[%add3A_253, %dma_start3A_299] : memref<10240x128xf32, #tpu.memory_space<hbm>> -> memref<128x128xf32, #tpu.memory_space<hbm>>
        %dma_start3A_301 = arith.constant 0 : i32
        %dma_start3A_302 = tpu.memref_slice %arg5[%add3A_253, %dma_start3A_301] : memref<10240x128xf32, #tpu.memory_space<hbm>> -> memref<128x128xf32, #tpu.memory_space<hbm>>
        %dma_start3A_303 = arith.constant 0 : i32
        %dma_start3A_304 = arith.constant 0 : i32
        %dma_start3A_305 = tpu.memref_slice %arg10[%dma_start3A_303, %dma_start3A_304] : memref<128x128xf32, #tpu.memory_space<vmem>> -> memref<128x128xf32, #tpu.memory_space<vmem>>
        tpu.enqueue_dma source(%dma_start3A_305 : memref<128x128xf32, #tpu.memory_space<vmem>>) target(%dma_start3A_302 : memref<128x128xf32, #tpu.memory_space<hbm>>) target_semaphore(%run_scoped3A : memref<!tpu.dma_semaphore, #tpu.memory_space<semaphore_mem>>)
        %dma_wait3A_306 = arith.constant 0 : i32
        %dma_wait3A_307 = arith.constant 0 : i32
        %dma_wait3A_308 = tpu.memref_slice %arg10[%dma_wait3A_306, %dma_wait3A_307] : memref<128x128xf32, #tpu.memory_space<vmem>> -> memref<128x128xf32, #tpu.memory_space<vmem>>
        %dma_wait3A_309 = arith.constant 0 : i32
        %dma_wait3A_310 = tpu.memref_slice %arg5[%add3A_253, %dma_wait3A_309] : memref<10240x128xf32, #tpu.memory_space<hbm>> -> memref<128x128xf32, #tpu.memory_space<hbm>>
        %dma_wait3A_311 = arith.constant 0 : i32
        %dma_wait3A_312 = tpu.memref_slice %arg5[%add3A_253, %dma_wait3A_311] : memref<10240x128xf32, #tpu.memory_space<hbm>> -> memref<128x128xf32, #tpu.memory_space<hbm>>
        %dma_wait3A_313 = arith.constant 0 : i32
        %dma_wait3A_314 = arith.constant 0 : i32
        %dma_wait3A_315 = tpu.memref_slice %arg10[%dma_wait3A_313, %dma_wait3A_314] : memref<128x128xf32, #tpu.memory_space<vmem>> -> memref<128x128xf32, #tpu.memory_space<vmem>>
        tpu.wait_dma2 semaphore(%run_scoped3A : memref<!tpu.dma_semaphore, #tpu.memory_space<semaphore_mem>>) src(%dma_wait3A_315 : memref<128x128xf32, #tpu.memory_space<vmem>>) dst(%dma_wait3A_312 : memref<128x128xf32, #tpu.memory_space<hbm>>)
        tpu.yield
      }) : () -> ()
    } else {
    }
    %eq3A_269 = arith.constant 1 : i32
    %eq3A_270 = arith.cmpi eq, %arg0, %eq3A_269 : i32
    %convert_element_type3A_271 = arith.extui %eq3A_270 : i1 to i32
    %cond3A_272 = arith.constant 0 : i32
    %cond3A_273 = arith.cmpi ne, %convert_element_type3A_271, %cond3A_272 : i32
    scf.if %cond3A_273 {
      "tpu.region"() ({
        %run_scoped3A = tpu.sem_alloc : memref<!tpu.dma_semaphore, #tpu.memory_space<semaphore_mem>>
        %dma_start3A_296 = arith.constant 0 : i32
        %dma_start3A_297 = arith.constant 0 : i32
        %dma_start3A_298 = tpu.memref_slice %arg10[%dma_start3A_296, %dma_start3A_297] : memref<128x128xf32, #tpu.memory_space<vmem>> -> memref<128x128xf32, #tpu.memory_space<vmem>>
        %dma_start3A_299 = arith.constant 0 : i32
        %dma_start3A_300 = tpu.memref_slice %arg6[%add3A_253, %dma_start3A_299] : memref<10240x128xf32, #tpu.memory_space<hbm>> -> memref<128x128xf32, #tpu.memory_space<hbm>>
        %dma_start3A_301 = arith.constant 0 : i32
        %dma_start3A_302 = tpu.memref_slice %arg6[%add3A_253, %dma_start3A_301] : memref<10240x128xf32, #tpu.memory_space<hbm>> -> memref<128x128xf32, #tpu.memory_space<hbm>>
        %dma_start3A_303 = arith.constant 0 : i32
        %dma_start3A_304 = arith.constant 0 : i32
        %dma_start3A_305 = tpu.memref_slice %arg10[%dma_start3A_303, %dma_start3A_304] : memref<128x128xf32, #tpu.memory_space<vmem>> -> memref<128x128xf32, #tpu.memory_space<vmem>>
        tpu.enqueue_dma source(%dma_start3A_305 : memref<128x128xf32, #tpu.memory_space<vmem>>) target(%dma_start3A_302 : memref<128x128xf32, #tpu.memory_space<hbm>>) target_semaphore(%run_scoped3A : memref<!tpu.dma_semaphore, #tpu.memory_space<semaphore_mem>>)
        %dma_wait3A_306 = arith.constant 0 : i32
        %dma_wait3A_307 = arith.constant 0 : i32
        %dma_wait3A_308 = tpu.memref_slice %arg10[%dma_wait3A_306, %dma_wait3A_307] : memref<128x128xf32, #tpu.memory_space<vmem>> -> memref<128x128xf32, #tpu.memory_space<vmem>>
        %dma_wait3A_309 = arith.constant 0 : i32
        %dma_wait3A_310 = tpu.memref_slice %arg6[%add3A_253, %dma_wait3A_309] : memref<10240x128xf32, #tpu.memory_space<hbm>> -> memref<128x128xf32, #tpu.memory_space<hbm>>
        %dma_wait3A_311 = arith.constant 0 : i32
        %dma_wait3A_312 = tpu.memref_slice %arg6[%add3A_253, %dma_wait3A_311] : memref<10240x128xf32, #tpu.memory_space<hbm>> -> memref<128x128xf32, #tpu.memory_space<hbm>>
        %dma_wait3A_313 = arith.constant 0 : i32
        %dma_wait3A_314 = arith.constant 0 : i32
        %dma_wait3A_315 = tpu.memref_slice %arg10[%dma_wait3A_313, %dma_wait3A_314] : memref<128x128xf32, #tpu.memory_space<vmem>> -> memref<128x128xf32, #tpu.memory_space<vmem>>
        tpu.wait_dma2 semaphore(%run_scoped3A : memref<!tpu.dma_semaphore, #tpu.memory_space<semaphore_mem>>) src(%dma_wait3A_315 : memref<128x128xf32, #tpu.memory_space<vmem>>) dst(%dma_wait3A_312 : memref<128x128xf32, #tpu.memory_space<hbm>>)
        tpu.yield
      }) : () -> ()
    } else {
    }
    %add3A_274 = arith.constant 512 : i32
    %add3A_275 = arith.addi %mul3A_2, %add3A_274 : i32
    %dma_wait3A_276 = arith.constant 0 : i32
    %dma_wait3A_277 = arith.constant 0 : i32
    %dma_wait3A_278 = tpu.memref_slice %arg9[%dma_wait3A_276, %dma_wait3A_277] : memref<128x128xf32, #tpu.memory_space<vmem>> -> memref<128x128xf32, #tpu.memory_space<vmem>>
    %dma_wait3A_279 = arith.constant 0 : i32
    %dma_wait3A_280 = tpu.memref_slice %arg11[%add3A_241, %dma_wait3A_279] : memref<10240x128xf32, #tpu.memory_space<vmem_shared>> -> memref<128x128xf32, #tpu.memory_space<vmem_shared>>
    %dma_wait3A_281 = arith.constant 0 : i32
    %dma_wait3A_282 = arith.constant 0 : i32
    %dma_wait3A_283 = tpu.memref_slice %arg9[%dma_wait3A_281, %dma_wait3A_282] : memref<128x128xf32, #tpu.memory_space<vmem>> -> memref<128x128xf32, #tpu.memory_space<vmem>>
    %dma_wait3A_284 = arith.constant 0 : i32
    %dma_wait3A_285 = tpu.memref_slice %arg11[%add3A_241, %dma_wait3A_284] : memref<10240x128xf32, #tpu.memory_space<vmem_shared>> -> memref<128x128xf32, #tpu.memory_space<vmem_shared>>
    tpu.wait_dma2 semaphore(%arg12 : memref<!tpu.dma_semaphore, #tpu.memory_space<semaphore_mem>>) src(%dma_wait3A_285 : memref<128x128xf32, #tpu.memory_space<vmem_shared>>) dst(%dma_wait3A_283 : memref<128x128xf32, #tpu.memory_space<vmem>>)
    %eq3A_286 = arith.constant 0 : i32
    %eq3A_287 = arith.cmpi eq, %arg0, %eq3A_286 : i32
    %convert_element_type3A_288 = arith.extui %eq3A_287 : i1 to i32
    %cond3A_289 = arith.constant 0 : i32
    %cond3A_290 = arith.cmpi ne, %convert_element_type3A_288, %cond3A_289 : i32
    scf.if %cond3A_290 {
      "tpu.region"() ({
        %run_scoped3A = tpu.sem_alloc : memref<!tpu.dma_semaphore, #tpu.memory_space<semaphore_mem>>
        %dma_start3A_296 = arith.constant 0 : i32
        %dma_start3A_297 = arith.constant 0 : i32
        %dma_start3A_298 = tpu.memref_slice %arg9[%dma_start3A_296, %dma_start3A_297] : memref<128x128xf32, #tpu.memory_space<vmem>> -> memref<128x128xf32, #tpu.memory_space<vmem>>
        %dma_start3A_299 = arith.constant 0 : i32
        %dma_start3A_300 = tpu.memref_slice %arg5[%add3A_275, %dma_start3A_299] : memref<10240x128xf32, #tpu.memory_space<hbm>> -> memref<128x128xf32, #tpu.memory_space<hbm>>
        %dma_start3A_301 = arith.constant 0 : i32
        %dma_start3A_302 = tpu.memref_slice %arg5[%add3A_275, %dma_start3A_301] : memref<10240x128xf32, #tpu.memory_space<hbm>> -> memref<128x128xf32, #tpu.memory_space<hbm>>
        %dma_start3A_303 = arith.constant 0 : i32
        %dma_start3A_304 = arith.constant 0 : i32
        %dma_start3A_305 = tpu.memref_slice %arg9[%dma_start3A_303, %dma_start3A_304] : memref<128x128xf32, #tpu.memory_space<vmem>> -> memref<128x128xf32, #tpu.memory_space<vmem>>
        tpu.enqueue_dma source(%dma_start3A_305 : memref<128x128xf32, #tpu.memory_space<vmem>>) target(%dma_start3A_302 : memref<128x128xf32, #tpu.memory_space<hbm>>) target_semaphore(%run_scoped3A : memref<!tpu.dma_semaphore, #tpu.memory_space<semaphore_mem>>)
        %dma_wait3A_306 = arith.constant 0 : i32
        %dma_wait3A_307 = arith.constant 0 : i32
        %dma_wait3A_308 = tpu.memref_slice %arg9[%dma_wait3A_306, %dma_wait3A_307] : memref<128x128xf32, #tpu.memory_space<vmem>> -> memref<128x128xf32, #tpu.memory_space<vmem>>
        %dma_wait3A_309 = arith.constant 0 : i32
        %dma_wait3A_310 = tpu.memref_slice %arg5[%add3A_275, %dma_wait3A_309] : memref<10240x128xf32, #tpu.memory_space<hbm>> -> memref<128x128xf32, #tpu.memory_space<hbm>>
        %dma_wait3A_311 = arith.constant 0 : i32
        %dma_wait3A_312 = tpu.memref_slice %arg5[%add3A_275, %dma_wait3A_311] : memref<10240x128xf32, #tpu.memory_space<hbm>> -> memref<128x128xf32, #tpu.memory_space<hbm>>
        %dma_wait3A_313 = arith.constant 0 : i32
        %dma_wait3A_314 = arith.constant 0 : i32
        %dma_wait3A_315 = tpu.memref_slice %arg9[%dma_wait3A_313, %dma_wait3A_314] : memref<128x128xf32, #tpu.memory_space<vmem>> -> memref<128x128xf32, #tpu.memory_space<vmem>>
        tpu.wait_dma2 semaphore(%run_scoped3A : memref<!tpu.dma_semaphore, #tpu.memory_space<semaphore_mem>>) src(%dma_wait3A_315 : memref<128x128xf32, #tpu.memory_space<vmem>>) dst(%dma_wait3A_312 : memref<128x128xf32, #tpu.memory_space<hbm>>)
        tpu.yield
      }) : () -> ()
    } else {
    }
    %eq3A_291 = arith.constant 1 : i32
    %eq3A_292 = arith.cmpi eq, %arg0, %eq3A_291 : i32
    %convert_element_type3A_293 = arith.extui %eq3A_292 : i1 to i32
    %cond3A_294 = arith.constant 0 : i32
    %cond3A_295 = arith.cmpi ne, %convert_element_type3A_293, %cond3A_294 : i32
    scf.if %cond3A_295 {
      "tpu.region"() ({
        %run_scoped3A = tpu.sem_alloc : memref<!tpu.dma_semaphore, #tpu.memory_space<semaphore_mem>>
        %dma_start3A_296 = arith.constant 0 : i32
        %dma_start3A_297 = arith.constant 0 : i32
        %dma_start3A_298 = tpu.memref_slice %arg9[%dma_start3A_296, %dma_start3A_297] : memref<128x128xf32, #tpu.memory_space<vmem>> -> memref<128x128xf32, #tpu.memory_space<vmem>>
        %dma_start3A_299 = arith.constant 0 : i32
        %dma_start3A_300 = tpu.memref_slice %arg6[%add3A_275, %dma_start3A_299] : memref<10240x128xf32, #tpu.memory_space<hbm>> -> memref<128x128xf32, #tpu.memory_space<hbm>>
        %dma_start3A_301 = arith.constant 0 : i32
        %dma_start3A_302 = tpu.memref_slice %arg6[%add3A_275, %dma_start3A_301] : memref<10240x128xf32, #tpu.memory_space<hbm>> -> memref<128x128xf32, #tpu.memory_space<hbm>>
        %dma_start3A_303 = arith.constant 0 : i32
        %dma_start3A_304 = arith.constant 0 : i32
        %dma_start3A_305 = tpu.memref_slice %arg9[%dma_start3A_303, %dma_start3A_304] : memref<128x128xf32, #tpu.memory_space<vmem>> -> memref<128x128xf32, #tpu.memory_space<vmem>>
        tpu.enqueue_dma source(%dma_start3A_305 : memref<128x128xf32, #tpu.memory_space<vmem>>) target(%dma_start3A_302 : memref<128x128xf32, #tpu.memory_space<hbm>>) target_semaphore(%run_scoped3A : memref<!tpu.dma_semaphore, #tpu.memory_space<semaphore_mem>>)
        %dma_wait3A_306 = arith.constant 0 : i32
        %dma_wait3A_307 = arith.constant 0 : i32
        %dma_wait3A_308 = tpu.memref_slice %arg9[%dma_wait3A_306, %dma_wait3A_307] : memref<128x128xf32, #tpu.memory_space<vmem>> -> memref<128x128xf32, #tpu.memory_space<vmem>>
        %dma_wait3A_309 = arith.constant 0 : i32
        %dma_wait3A_310 = tpu.memref_slice %arg6[%add3A_275, %dma_wait3A_309] : memref<10240x128xf32, #tpu.memory_space<hbm>> -> memref<128x128xf32, #tpu.memory_space<hbm>>
        %dma_wait3A_311 = arith.constant 0 : i32
        %dma_wait3A_312 = tpu.memref_slice %arg6[%add3A_275, %dma_wait3A_311] : memref<10240x128xf32, #tpu.memory_space<hbm>> -> memref<128x128xf32, #tpu.memory_space<hbm>>
        %dma_wait3A_313 = arith.constant 0 : i32
        %dma_wait3A_314 = arith.constant 0 : i32
        %dma_wait3A_315 = tpu.memref_slice %arg9[%dma_wait3A_313, %dma_wait3A_314] : memref<128x128xf32, #tpu.memory_space<vmem>> -> memref<128x128xf32, #tpu.memory_space<vmem>>
        tpu.wait_dma2 semaphore(%run_scoped3A : memref<!tpu.dma_semaphore, #tpu.memory_space<semaphore_mem>>) src(%dma_wait3A_315 : memref<128x128xf32, #tpu.memory_space<vmem>>) dst(%dma_wait3A_312 : memref<128x128xf32, #tpu.memory_space<hbm>>)
        tpu.yield
      }) : () -> ()
    } else {
    }
    return
  }
}

module attributes {stable_mosaic.version = 14 : i64} {
  func.func @_p1_body(%arg0: i32, %arg1: memref<400x128xf32, #tpu.memory_space<vmem>>, %arg2: memref<128x128xf32, #tpu.memory_space<vmem>>, %arg3: memref<1x128xf32, #tpu.memory_space<vmem>>, %arg4: memref<1x128xf32, #tpu.memory_space<vmem>>, %arg5: memref<1x128xf32, #tpu.memory_space<vmem>>, %arg6: memref<400x128xf32, #tpu.memory_space<vmem>>) attributes {dimension_semantics = [#tpu.dimension_semantics<arbitrary>], iteration_bounds = array<i64: 25>, scalar_prefetch = 0 : i64, scratch_operands = 0 : i64, tpu.core_type = #tpu.core_type<tc>, window_params = [{transform_indices = @transform_0, window_bounds = array<i64: 400, 128>}, {pipeline_mode = #tpu.pipeline_mode<synchronous>, transform_indices = @transform_1, window_bounds = array<i64: 128, 128>}, {pipeline_mode = #tpu.pipeline_mode<synchronous>, transform_indices = @transform_2, window_bounds = array<i64: 1, 128>}, {pipeline_mode = #tpu.pipeline_mode<synchronous>, transform_indices = @transform_3, window_bounds = array<i64: 1, 128>}, {pipeline_mode = #tpu.pipeline_mode<synchronous>, transform_indices = @transform_4, window_bounds = array<i64: 1, 128>}, {transform_indices = @transform_5, window_bounds = array<i64: 400, 128>}]} {
    %get3A = arith.constant 0 : index
    %get3A_0 = arith.constant 0 : index
    %get3A_1 = vector.load %arg1[%get3A, %get3A_0] : memref<400x128xf32, #tpu.memory_space<vmem>>, vector<400x128xf32>
    %get3A_2 = arith.constant 0 : index
    %get3A_3 = arith.constant 0 : index
    %get3A_4 = vector.load %arg2[%get3A_2, %get3A_3] : memref<128x128xf32, #tpu.memory_space<vmem>>, vector<128x128xf32>
    %dot_general3A = arith.constant dense<0.000000e+00> : vector<400x128xf32>
    %dot_general3A_5 = tpu.matmul %get3A_1, %get3A_4, %dot_general3A {dimension_numbers = #tpu.dot_dimension_numbers<[1], [1], [0], [0], [0, 0, 1, 0], [], []>, precision = #tpu.contract_precision<fp32>, transpose_lhs_hint = false} : vector<400x128xf32>, vector<128x128xf32>, vector<400x128xf32> -> vector<400x128xf32>
    %get3A_6 = arith.constant 0 : index
    %get3A_7 = arith.constant 0 : index
    %get3A_8 = vector.load %arg3[%get3A_6, %get3A_7] : memref<1x128xf32, #tpu.memory_space<vmem>>, vector<1x128xf32>
    %add3A = vector.broadcast %get3A_8 : vector<1x128xf32> to vector<400x128xf32>
    %add3A_9 = arith.addf %dot_general3A_5, %add3A : vector<400x128xf32>
    %reduce_sum3A = arith.constant dense<0.000000e+00> : vector<400xf32>
    %reduce_sum3A_10 = vector.multi_reduction <add>, %add3A_9, %reduce_sum3A [1] : vector<400x128xf32> to vector<400xf32>
    %broadcast_in_dim3A = vector.shape_cast %reduce_sum3A_10 : vector<400xf32> to vector<400x1xf32>
    %div3A = arith.constant 1.280000e+02 : f32
    %div3A_11 = vector.broadcast %div3A : f32 to vector<400x1xf32>
    %div3A_12 = arith.divf %broadcast_in_dim3A, %div3A_11 : vector<400x1xf32>
    %sub3A = vector.broadcast %div3A_12 : vector<400x1xf32> to vector<400x128xf32>
    %sub3A_13 = arith.subf %add3A_9, %sub3A : vector<400x128xf32>
    %sub3A_14 = vector.broadcast %div3A_12 : vector<400x1xf32> to vector<400x128xf32>
    %sub3A_15 = arith.subf %add3A_9, %sub3A_14 : vector<400x128xf32>
    %mul3A = arith.mulf %sub3A_13, %sub3A_15 : vector<400x128xf32>
    %reduce_sum3A_16 = arith.constant dense<0.000000e+00> : vector<400xf32>
    %reduce_sum3A_17 = vector.multi_reduction <add>, %mul3A, %reduce_sum3A_16 [1] : vector<400x128xf32> to vector<400xf32>
    %broadcast_in_dim3A_18 = vector.shape_cast %reduce_sum3A_17 : vector<400xf32> to vector<400x1xf32>
    %div3A_19 = arith.constant 1.280000e+02 : f32
    %div3A_20 = vector.broadcast %div3A_19 : f32 to vector<400x1xf32>
    %div3A_21 = arith.divf %broadcast_in_dim3A_18, %div3A_20 : vector<400x1xf32>
    %sub3A_22 = vector.broadcast %div3A_12 : vector<400x1xf32> to vector<400x128xf32>
    %sub3A_23 = arith.subf %add3A_9, %sub3A_22 : vector<400x128xf32>
    %add3A_24 = arith.constant 9.99999974E-6 : f32
    %add3A_25 = vector.broadcast %add3A_24 : f32 to vector<400x1xf32>
    %add3A_26 = arith.addf %div3A_21, %add3A_25 : vector<400x1xf32>
    %rsqrt3A = math.rsqrt %add3A_26 : vector<400x1xf32>
    %mul3A_27 = vector.broadcast %rsqrt3A : vector<400x1xf32> to vector<400x128xf32>
    %mul3A_28 = arith.mulf %sub3A_23, %mul3A_27 : vector<400x128xf32>
    %get3A_29 = arith.constant 0 : index
    %get3A_30 = arith.constant 0 : index
    %get3A_31 = vector.load %arg4[%get3A_29, %get3A_30] : memref<1x128xf32, #tpu.memory_space<vmem>>, vector<1x128xf32>
    %mul3A_32 = vector.broadcast %get3A_31 : vector<1x128xf32> to vector<400x128xf32>
    %mul3A_33 = arith.mulf %mul3A_28, %mul3A_32 : vector<400x128xf32>
    %get3A_34 = arith.constant 0 : index
    %get3A_35 = arith.constant 0 : index
    %get3A_36 = vector.load %arg5[%get3A_34, %get3A_35] : memref<1x128xf32, #tpu.memory_space<vmem>>, vector<1x128xf32>
    %add3A_37 = vector.broadcast %get3A_36 : vector<1x128xf32> to vector<400x128xf32>
    %add3A_38 = arith.addf %mul3A_33, %add3A_37 : vector<400x128xf32>
    %swap3A = arith.constant 0 : index
    %swap3A_39 = arith.constant 0 : index
    %swap3A_40 = vector.load %arg6[%swap3A, %swap3A_39] : memref<400x128xf32, #tpu.memory_space<vmem>>, vector<400x128xf32>
    tpu.vector_store %arg6[%swap3A, %swap3A_39], %add3A_38 {strides = array<i32>} : memref<400x128xf32, #tpu.memory_space<vmem>>, vector<400x128xf32>,
    return
  }
  func.func @transform_0(%arg0: i32) -> (i32, i32) {
    %c0_i32 = arith.constant 0 : i32
    %c0_i32_0 = arith.constant 0 : i32
    return %arg0, %c0_i32 : i32, i32
  }
  func.func @transform_1(%arg0: i32) -> (i32, i32) {
    %c0_i32 = arith.constant 0 : i32
    %c0_i32_0 = arith.constant 0 : i32
    %c0_i32_1 = arith.constant 0 : i32
    return %c0_i32, %c0_i32_0 : i32, i32
  }
  func.func @transform_2(%arg0: i32) -> (i32, i32) {
    %c0_i32 = arith.constant 0 : i32
    %c0_i32_0 = arith.constant 0 : i32
    %c0_i32_1 = arith.constant 0 : i32
    return %c0_i32, %c0_i32_0 : i32, i32
  }
  func.func @transform_3(%arg0: i32) -> (i32, i32) {
    %c0_i32 = arith.constant 0 : i32
    %c0_i32_0 = arith.constant 0 : i32
    %c0_i32_1 = arith.constant 0 : i32
    return %c0_i32, %c0_i32_0 : i32, i32
  }
  func.func @transform_4(%arg0: i32) -> (i32, i32) {
    %c0_i32 = arith.constant 0 : i32
    %c0_i32_0 = arith.constant 0 : i32
    %c0_i32_1 = arith.constant 0 : i32
    return %c0_i32, %c0_i32_0 : i32, i32
  }
  func.func @transform_5(%arg0: i32) -> (i32, i32) {
    %c0_i32 = arith.constant 0 : i32
    %c0_i32_0 = arith.constant 0 : i32
    return %arg0, %c0_i32 : i32, i32
  }
}

module attributes {stable_mosaic.version = 14 : i64} {
  func.func @_p3_body(%arg0: i32, %arg1: memref<400x128xf32, #tpu.memory_space<vmem>>, %arg2: memref<400x128xf32, #tpu.memory_space<vmem>>, %arg3: memref<400x128xf32, #tpu.memory_space<vmem>>, %arg4: memref<400x128xf32, #tpu.memory_space<vmem>>, %arg5: memref<128x128xf32, #tpu.memory_space<vmem>>, %arg6: memref<1x128xf32, #tpu.memory_space<vmem>>, %arg7: memref<1x1xf32, #tpu.memory_space<smem>>, %arg8: memref<400x128xf32, #tpu.memory_space<vmem>>) attributes {dimension_semantics = [#tpu.dimension_semantics<arbitrary>], iteration_bounds = array<i64: 25>, scalar_prefetch = 0 : i64, scratch_operands = 0 : i64, tpu.core_type = #tpu.core_type<tc>, window_params = [{transform_indices = @transform_0, window_bounds = array<i64: 400, 128>}, {transform_indices = @transform_1, window_bounds = array<i64: 400, 128>}, {transform_indices = @transform_2, window_bounds = array<i64: 400, 128>}, {transform_indices = @transform_3, window_bounds = array<i64: 400, 128>}, {pipeline_mode = #tpu.pipeline_mode<synchronous>, transform_indices = @transform_4, window_bounds = array<i64: 128, 128>}, {pipeline_mode = #tpu.pipeline_mode<synchronous>, transform_indices = @transform_5, window_bounds = array<i64: 1, 128>}, {transform_indices = @transform_6, window_bounds = array<i64: 1, 1>}, {transform_indices = @transform_7, window_bounds = array<i64: 400, 128>}]} {
    %get3A = arith.constant 0 : index
    %get3A_0 = arith.constant 0 : index
    %get3A_1 = vector.load %arg1[%get3A, %get3A_0] : memref<400x128xf32, #tpu.memory_space<vmem>>, vector<400x128xf32>
    %get3A_2 = arith.constant 0 : index
    %get3A_3 = arith.constant 0 : index
    %get3A_4 = vector.load %arg2[%get3A_2, %get3A_3] : memref<400x128xf32, #tpu.memory_space<vmem>>, vector<400x128xf32>
    %add3A = arith.addf %get3A_1, %get3A_4 : vector<400x128xf32>
    %get3A_5 = arith.constant 0 : index
    %get3A_6 = arith.constant 0 : index
    %get3A_7 = vector.load %arg3[%get3A_5, %get3A_6] : memref<400x128xf32, #tpu.memory_space<vmem>>, vector<400x128xf32>
    %add3A_8 = arith.addf %add3A, %get3A_7 : vector<400x128xf32>
    %get3A_9 = arith.constant 0 : index
    %get3A_10 = arith.constant 0 : index
    %get3A_11 = memref.load %arg7[%get3A_9, %get3A_10] : memref<1x1xf32, #tpu.memory_space<smem>>
    %get3A_12 = arith.constant 0 : index
    %get3A_13 = arith.constant 0 : index
    %get3A_14 = vector.load %arg4[%get3A_12, %get3A_13] : memref<400x128xf32, #tpu.memory_space<vmem>>, vector<400x128xf32>
    %mul3A = vector.broadcast %get3A_11 : f32 to vector<400x128xf32>
    %mul3A_15 = arith.mulf %mul3A, %get3A_14 : vector<400x128xf32>
    %add3A_16 = arith.addf %add3A_8, %mul3A_15 : vector<400x128xf32>
    %max3A = arith.constant 0.000000e+00 : f32
    %max3A_17 = vector.broadcast %max3A : f32 to vector<400x128xf32>
    %max3A_18 = arith.maximumf %add3A_16, %max3A_17 : vector<400x128xf32>
    %get3A_19 = arith.constant 0 : index
    %get3A_20 = arith.constant 0 : index
    %get3A_21 = vector.load %arg5[%get3A_19, %get3A_20] : memref<128x128xf32, #tpu.memory_space<vmem>>, vector<128x128xf32>
    %dot_general3A = arith.constant dense<0.000000e+00> : vector<400x128xf32>
    %dot_general3A_22 = tpu.matmul %max3A_18, %get3A_21, %dot_general3A {dimension_numbers = #tpu.dot_dimension_numbers<[1], [1], [0], [0], [0, 0, 1, 0], [], []>, precision = #tpu.contract_precision<fp32>, transpose_lhs_hint = false} : vector<400x128xf32>, vector<128x128xf32>, vector<400x128xf32> -> vector<400x128xf32>
    %get3A_23 = arith.constant 0 : index
    %get3A_24 = arith.constant 0 : index
    %get3A_25 = vector.load %arg6[%get3A_23, %get3A_24] : memref<1x128xf32, #tpu.memory_space<vmem>>, vector<1x128xf32>
    %add3A_26 = vector.broadcast %get3A_25 : vector<1x128xf32> to vector<400x128xf32>
    %add3A_27 = arith.addf %dot_general3A_22, %add3A_26 : vector<400x128xf32>
    %add3A_28 = arith.addf %add3A_27, %max3A_18 : vector<400x128xf32>
    %swap3A = arith.constant 0 : index
    %swap3A_29 = arith.constant 0 : index
    %swap3A_30 = vector.load %arg8[%swap3A, %swap3A_29] : memref<400x128xf32, #tpu.memory_space<vmem>>, vector<400x128xf32>
    tpu.vector_store %arg8[%swap3A, %swap3A_29], %add3A_28 {strides = array<i32>} : memref<400x128xf32, #tpu.memory_space<vmem>>, vector<400x128xf32>,
    return
  }
  func.func @transform_0(%arg0: i32) -> (i32, i32) {
    %c0_i32 = arith.constant 0 : i32
    %c0_i32_0 = arith.constant 0 : i32
    return %arg0, %c0_i32 : i32, i32
  }
  func.func @transform_1(%arg0: i32) -> (i32, i32) {
    %c0_i32 = arith.constant 0 : i32
    %c0_i32_0 = arith.constant 0 : i32
    return %arg0, %c0_i32 : i32, i32
  }
  func.func @transform_2(%arg0: i32) -> (i32, i32) {
    %c0_i32 = arith.constant 0 : i32
    %c0_i32_0 = arith.constant 0 : i32
    return %arg0, %c0_i32 : i32, i32
  }
  func.func @transform_3(%arg0: i32) -> (i32, i32) {
    %c0_i32 = arith.constant 0 : i32
    %c0_i32_0 = arith.constant 0 : i32
    return %arg0, %c0_i32 : i32, i32
  }
  func.func @transform_4(%arg0: i32) -> (i32, i32) {
    %c0_i32 = arith.constant 0 : i32
    %c0_i32_0 = arith.constant 0 : i32
    %c0_i32_1 = arith.constant 0 : i32
    return %c0_i32, %c0_i32_0 : i32, i32
  }
  func.func @transform_5(%arg0: i32) -> (i32, i32) {
    %c0_i32 = arith.constant 0 : i32
    %c0_i32_0 = arith.constant 0 : i32
    %c0_i32_1 = arith.constant 0 : i32
    return %c0_i32, %c0_i32_0 : i32, i32
  }
  func.func @transform_6(%arg0: i32) -> (i32, i32) {
    %c0_i32 = arith.constant 0 : i32
    %c0_i32_0 = arith.constant 0 : i32
    %c0_i32_1 = arith.constant 0 : i32
    return %c0_i32, %c0_i32_0 : i32, i32
  }
  func.func @transform_7(%arg0: i32) -> (i32, i32) {
    %c0_i32 = arith.constant 0 : i32
    %c0_i32_0 = arith.constant 0 : i32
    return %arg0, %c0_i32 : i32, i32
  }
}

</mosaic_0001>

<sc_bundles>
// kernel: kernel.5.cloned.1.call-start
scs
__scs_entry_jumppad:
0x0: {  	(pc) =	sbr.rel $0x88, $3  }
0x1: {  	(tag) =	ssettag $0x0;
	lr =	simm.s32 $0x1  }
0x2: {  	[smem:$0x3F94] =	sst lr;
	_ =	strace $0xD0000000  }
0x3: {  	_ = 	snop  }
0x4: {  	_ = 	snop  }
0x5: {  	_ = 	snop  }
0x6: {  	_ = 	snop  }
0x7: {  	_ = 	snop  }
__scs_overlays_trampoline_lowered:
0x8: {  	[smem:$0x3FA3] =	sst s0  }
0x9: {  	[smem:$0x3FA4] =	sst s1  }
0xa: {  	[smem:$0x3FA5] =	sst s2  }
0xb: {  	[smem:$0x3FA6] =	sst s3  }
0xc: {  	[smem:$0x3FA7] =	sst s4  }
0xd: {  	[smem:$0x3FA8] =	sst s5  }
0xe: {  	[smem:$0x3FA9] =	sst s6  }
0xf: {  	[smem:$0x3FAA] =	sst s7  }
0x10: {  	[smem:$0x3FAB] =	sst s8  }
0x11: {  	[smem:$0x3FAC] =	sst s9;
	s0 =	simm.s32 @!p0 $0x0  }
0x12: {  	s1 =	sld [smem:$0x3F92];
	s0 =	simm.s32 @p0 $0x1  }
0x13: {  	[smem:$0x3FAD] =	sst s0;
	s0 =	simm.s32 @!p1 $0x0  }
0x14: {  	s2 =	sld [smem:$0x3F91];
	s0 =	simm.s32 @p1 $0x1  }
0x15: {  	[smem:$0x3FAE] =	sst s0;
	s0 =	simm.s32 @!p2 $0x0  }
0x16: {  	s3 =	sld [smem:$0x3FDB];
	s0 =	simm.s32 @p2 $0x1  }
0x17: {  	s4 =	simm.s32 $0x1BF5;
	[smem:$0x3FB0] =	sst s0  }
0x18: {  	s0 =	sld [smem:$0x3F93];
	_ =	swait.ge [sflag:s4], $0x0  }
0x19: {  	s7 =	sld [smem:$0x3F94]  }
0x1a: {  	s8 =	sadd.s32 $0xFFFFE003, lr  }
0x1b: {  	s9 =	sadd.s32 $0xFFFFFEF7, lr;
	s5 =	simm.s32 $0xFFFFFFFF;
	p2 =	slt.u32 s8, $0xFFFFF086  }
0x1c: {  	p1 =	slt.u32 s9, $0xF7A;
	s5 =	simm.s32 @!p2 $0x0  }
0x1d: {  	s5 =	simm.s32 @p1 $0x1;
	p0 =	seq.s32 s7, s2  }
0x1e: {  	s7 =	smul.u32 @!p0 $0xF7A, s2;
	p2 =	seq.s32 @!p0 s5, $0x0  }
0x1f: {  	s9 =	smul.u32 $0xF7A, s1;
	s8 =	simm.s32 @!p0 $0x1BF5;
	p2 =	por !p2, p0  }
0x20: {  	[sflag:s8] =	ssyncset.s32 @!p0 $0xFFFFF086;
	s6 =	sadd.s32 @!p0 s3, s7;
	s7 =	simm.s32 @!p0 $0x108  }
0x21: {  	s3 =	sadd.s32 s3, s9;
	s6 =	sadd.s32 @!p0 $0x88, s6;
	s7 =	simm.s32 @p2 $0x1082  }
0x22: {  	[simem:s7], [sflag:s8] =	dma.local @!p0 [hbm:s6], $0xF7A  }
0x23: {  	s9 =	sor.u32 $0xD0000000, s2;
	s6 =	simm.s32 $0x108;
	_ =	swait.ge @!p0 [sflag:s8], $0x0  }
0x24: {  	s3 =	sadd.s32 $0x88, s3;
	s6 =	simm.s32 @!p1 $0x1082;
	[sflag:s4] =	ssyncset.s32 $0xFFFFF086  }
0x25: {  	[simem:s6], [sflag:s4] =	dma.local [hbm:s3], $0xF7A  }
0x26: {  	[smem:$0x3F94] =	sst s1;
	(tag) =	ssettag s2;
	_ =	strace s9  }
0x27: {  	s1 =	sld [smem:$0x3FA4]  }
0x28: {  	s2 =	sld [smem:$0x3FA5]  }
0x29: {  	s4 =	sld [smem:$0x3FA7]  }
0x2a: {  	p0 =	seq.s32 s5, $0x0;
	s5 =	sld [smem:$0x3FA8]  }
0x2b: {  	s6 =	sld [smem:$0x3FA9]  }
0x2c: {  	s7 =	sld [smem:$0x3FAA]  }
0x2d: {  	s3 =	simm.s32 $0x108;
	s8 =	sld [smem:$0x3FAB]  }
0x2e: {  	s3 =	simm.s32 @!p0 $0x1082;
	s9 =	sld [smem:$0x3FAC]  }
0x2f: {  	lr =	sadd.s32 s0, s3;
	s0 =	sld [smem:$0x3FA3]  }
0x30: {  	s3 =	sld [smem:$0x3FA6]  }
0x31: {  	[smem:$0x3FAF] =	sst s10  }
0x32: {  	s10 =	sld [smem:$0x3FAD];
	_ =	sdelay $0x3  }
0x33: {  	p0 =	seq.s32 s10, $0x1;
	s10 =	sld [smem:$0x3FAF];
	_ =	sdelay $0x3  }
0x34: {  	[smem:$0x3FAF] =	sst s10  }
0x35: {  	s10 =	sld [smem:$0x3FAE];
	_ =	sdelay $0x3  }
0x36: {  	p1 =	seq.s32 s10, $0x1;
	s10 =	sld [smem:$0x3FAF];
	_ =	sdelay $0x3  }
0x37: {  	[smem:$0x3FAF] =	sst s10  }
0x38: {  	s10 =	sld [smem:$0x3FB0]  }
0x39: {  	_ = 	snop;
	(pc) =	sbr.ind lr, $3  }
0x3a: {  	_ = 	snop  }
0x3b: {  	_ = 	snop  }
0x3c: {  	p2 =	seq.s32 s10, $0x1;
	s10 =	sld [smem:$0x3FAF]  }
0x3d: {  	_ =	shalt  }
0x3e: {  	_ =	shalt  }
0x3f: {  	_ =	shalt  }
0x40: {  	_ =	shalt  }
0x41: {  	_ =	shalt  }
0x42: {  	_ =	shalt  }
0x43: {  	_ =	shalt  }
0x44: {  	_ =	shalt  }
0x45: {  	_ =	shalt  }
0x46: {  	_ =	shalt  }
0x47: {  	_ =	shalt  }
0x48: {  	_ =	shalt  }
0x49: {  	_ =	shalt  }
0x4a: {  	_ =	shalt  }
0x4b: {  	_ =	shalt  }
0x4c: {  	_ =	shalt  }
0x4d: {  	_ =	shalt  }
0x4e: {  	_ =	shalt  }
0x4f: {  	_ =	shalt  }
0x50: {  	_ =	shalt  }
0x51: {  	_ =	shalt  }
0x52: {  	_ =	shalt  }
0x53: {  	_ =	shalt  }
0x54: {  	_ =	shalt  }
0x55: {  	_ =	shalt  }
0x56: {  	_ =	shalt  }
0x57: {  	_ =	shalt  }
0x58: {  	_ =	shalt  }
0x59: {  	_ =	shalt  }
0x5a: {  	_ =	shalt  }
0x5b: {  	_ =	shalt  }
0x5c: {  	_ =	shalt  }
0x5d: {  	_ =	shalt  }
0x5e: {  	_ =	shalt  }
0x5f: {  	_ =	shalt  }
0x60: {  	_ =	shalt  }
0x61: {  	_ =	shalt  }
0x62: {  	_ =	shalt  }
0x63: {  	_ =	shalt  }
0x64: {  	_ =	shalt  }
0x65: {  	_ =	shalt  }
0x66: {  	_ =	shalt  }
0x67: {  	_ =	shalt  }
0x68: {  	_ =	shalt  }
0x69: {  	_ =	shalt  }
0x6a: {  	_ =	shalt  }
0x6b: {  	_ =	shalt  }
0x6c: {  	_ =	shalt  }
0x6d: {  	_ =	shalt  }
0x6e: {  	_ =	shalt  }
0x6f: {  	_ =	shalt  }
0x70: {  	_ =	shalt  }
0x71: {  	_ =	shalt  }
0x72: {  	_ =	shalt  }
0x73: {  	_ =	shalt  }
0x74: {  	_ =	shalt  }
0x75: {  	_ =	shalt  }
0x76: {  	_ =	shalt  }
0x77: {  	_ =	shalt  }
0x78: {  	_ =	shalt  }
0x79: {  	_ =	shalt  }
0x7a: {  	_ =	shalt  }
0x7b: {  	_ =	shalt  }
0x7c: {  	_ =	shalt  }
0x7d: {  	_ =	shalt  }
0x7e: {  	_ =	shalt  }
0x7f: {  	_ =	shalt  }
0x80: {  	_ =	shalt  }
0x81: {  	_ =	shalt  }
0x82: {  	_ =	shalt  }
0x83: {  	_ =	shalt  }
0x84: {  	_ =	shalt  }
0x85: {  	_ =	shalt  }
0x86: {  	_ =	shalt  }
0x87: {  	_ =	shalt  }
.Lfunc_end0:
.L_simem_size_0:
called_computation_lowered:
.L_overlay_start_0:
0x88: {  	s2 =	sld [smem:$0x3FD9]  }
0x89: {  	s3 =	sld [smem:$0x3FFE];
	_ =	sdelay $0x1  }
0x8a: {  	s1 =	srdreg.scid  }
0x8b: {  	s0 =	sand.u32 $0x1, s1  }
0x8c: {  	s17 =	sshll.u32 s0, $0xA;
	s2 =	sadd.s32 s3, s2  }
0x8d: {  	s2 =	sadd.s32 s2, s17  }
0x8e: {  	[smem:$0x3FBB] =	sst s2  }
0x8f: {  	_ = 	snop  }
0x90: {  	s2 =	sld [smem:$0x3FD0];
	(tm) =	ssettm $0x1  }
0x91: {  	s18 =	sld [smem:$0x3FFB];
	_ =	sdelay $0x3  }
0x92: {  	_ =	strace s18  }
0x93: {  	s3 =	sld [smem:$0x3FFC];
	_ =	sdelay $0x3  }
0x94: {  	_ =	strace s3  }
0x95: {  	s3 =	sld [smem:$0x3FFD];
	_ =	sdelay $0x3  }
0x96: {  	_ =	strace s3  }
0x97: {  	_ =	strace $0x8FFFFFFF  }
0x98: {  	s19 =	sld [smem:$0x3FDB];
	_ =	sdelay $0x1  }
0x99: {  	s4 =	simm.s32 $_scs_section_size  }
0x9a: {  	s5 =	simm.s32 $_size__tile_overlayer_lowered;
	s6 =	simm.s32 $_tile_overlayer_lowered  }
0x9b: {  	s22 =	simm.s32 $0x1BFF;
	s21 =	sshll.u32 s6, $0x1;
	s3 =	sadd.s32 s4, s19  }
0x9c: {  	s7 =	simm.s32 $0x0;
	s20 =	sshll.u32 s5, $0x1;
	s5 =	sadd.s32 s21, s3  }
0x9d: {  	[timem:s7], [sflag:s22] =	dma.local [hbm:s5], s20  }
0x9e: {  	_ =	swait.ge [sflag:s22], s20  }
0x9f: {  	s4 =	ssub.s32 $0x0, s20;
	[sflag:s22] =	ssyncset.done $0x0  }
0xa0: {  	[sflag:s22] =	ssyncadd.s32 s4;
	_ =	sdelay $0x1  }
0xa1: {  	s23 =	simm.s32 $0x1B8B  }
0xa2: {  	_ =	swait.ge [sflag:s23], $0x1  }
0xa3: {  	[sflag:s23] =	ssyncset.done $0x0  }
0xa4: {  	s25 =	simm.s32 $0x1B8E;
	s24 =	sld [smem:$0x3FFE];
	[sflag:s23] =	ssyncadd.s32 $0xFFFFFFFF  }
0xa5: {  	s26 =	simm.s32 $execute0_lowered;
	[smem:$0x3FD2] =	sst s25  }
0xa6: {  	s5 =	sshll.u32 s26, $0x1;
	_ =	strace $0x80000046;
	[dreg:$0x1] =	wrdreg $0xFFFFFFFF  }
0xa7: {  	s28 =	simm.s32 $_size_execute0_lowered;
	s3 =	sadd.s32 s3, s5;
	[dreg:$0x0] =	wrdreg $0x0  }
0xa8: {  	s5 =	sshll.u32 s28, $0x1;
	[dreg:$0x2] =	wrdreg s3  }
0xa9: {  	[dreg:$0x3] =	wrdreg s5  }
0xaa: {  	[dreg:$0x4] =	wrdreg $0xC0  }
0xab: {  	_ =	task [dreg:s7], $0x5FFFF  }
0xac: {  	[dreg:$0x1] =	wrdreg $0xFFFFFFFF  }
0xad: {  	[dreg:$0x0] =	wrdreg $0x60  }
0xae: {  	[dreg:$0x2] =	wrdreg s2  }
0xaf: {  	[dreg:$0x3] =	wrdreg s24  }
0xb0: {  	[dreg:$0x4] =	wrdreg $0xAC000  }
0xb1: {  	[dreg:$0x5] =	wrdreg $0x9  }
0xb2: {  	_ =	task.clear_ibuf [dreg:s7], $0x6FFFF;
	_ =	strace $0x90000046  }
0xb3: {  	s29 =	simm.s32 $0x9;
	_ =	strace $0x80000048  }
0xb4: {  	_ =	swait.ge [sflag:s29], $0x1  }
0xb5: {  	[sflag:s29] =	ssyncadd.s32 $0xFFFFFFFF  }
0xb6: {  	_ =	strace $0x90000048  }
0xb7: {  	_ =	sfence  }
0xb8: {  	s30 =	sld [smem:$0x0];
	_ =	sdelay $0x2  }
0xb9: {  	s31 =	sshll.u32 s1, $0xD;
	s1 =	sshrl.u32 s1, $0x2  }
0xba: {  	s3 =	sand.u32 $0x4000, s31;
	s1 =	sadd.s32 s1, s30  }
0xbb: {  	s0 =	sor.u32 s3, s0;
	s1 =	sshll.u32 s1, $0x11  }
0xbc: {  	s0 =	sor.u32 s1, s0  }
0xbd: {  	s0 =	sadd.s32 $0x8F2B, s0  }
0xbe: {  	[sflag:s0] =	ssyncadd.remote.s32 $0x1  }
0xbf: {  	_ =	sfence.sel $0xFFFF  }
0xc0: {  	[dreg:$0x0] =	wrdreg $0xFFFFFFFF;
	(pc) =	sbr.abs _section_cstart, $3  }
0xc1: {  	[dreg:$0x1] =	wrdreg $0xFFFFFFFF  }
0xc2: {  	_ =	task.clear_ibuf [dreg:s7], $0x2FFFF;
	_ =	strace $0x9FFFFFFF  }
0xc3: {  	(tm) =	ssettm $0x7FFFFFFF  }
tec
execute0_lowered:
.L_overlay_start_1:
0x0: {  	(tag) =	ssettag $0x1  }
0x1: {  	s1 =	rddreg [dreg:$0x0]  }
0x2: {  	s2 =	srdreg.scid;
	s14 =	rddreg [dreg:$0x1]  }
0x3: {  	s0 =	stileid.u32;
	s3 =	rddreg [dreg:$0x2];
	s22 =	simm.s32 $0x3  }
0x4: {  	s23 =	simm.s32 $0x1800;
	s24 =	simm.s32 $0x80;
	s7 =	smul.u32 $0x280, s0  }
0x5: {  	s2 =	sand.u32 $0x1, s2;
	s4 =	sshll.u32 s0, $0x1;
	s25 =	smul.u32 $0x50000, s0  }
0x6: {  	s28 =	simm.s32 $0x0;
	s20 =	smul.u32 $0x2800, s0;
	s5 =	sor.u32 s2, s4  }
0x7: {  	s4 =	simm.s32 $0x0;
	s26 =	ssub.s32 $0x2, s2;
	p0 =	seq.s32 s2, $0x0  }
0x8: {  	s2 =	simm.s32 $0x17600;
	s6 =	smul.u32 $0x2C00, s5;
	[smem:$0x7FF] =	sst s4  }
0x9: {  	s5 =	smul.u32 $0x2800, s5;
	s15 =	sadd.s32 $0x80, s7;
	s8 =	sshrl.u32 s26, $0x1  }
0xa: {  	s17 =	sadd.s32 $0x100, s7;
	s18 =	sadd.s32 $0x180, s7;
	s19 =	sadd.s32 $0x200, s7  }
0xb: {  	s2 =	simm.s32 @!p0 $0x3F600;
	_ =	strace $0x80000047;
	s9 =	sshll.u32 s15, $0x7  }
0xc: {  	s16 =	ssub.s32 s26, s8;
	s29 =	sshll.u32 s17, $0x7;
	s30 =	sshll.u32 s18, $0x7  }
0xd: {  	s31 =	sshll.u32 s19, $0x7;
	s21 =	sshll.u32 s15, $0x4;
	s17 =	sshll.u32 s17, $0x4  }
0xe: {  	s18 =	sshll.u32 s18, $0x4;
	s2 =	sadd.s32 s2, s14;
	s19 =	sshll.u32 s19, $0x4  }
0xf: {  	s26 =	simm.s32 $0x2;
	s6 =	sshrl.u32 s6, $0x3;
	s5 =	sshrl.u32 s5, $0x3  }
0x10: {  	s7 =	sadd.s32 s29, s3;
	s8 =	sadd.s32 s30, s3;
	s15 =	sadd.s32 s2, s20  }
0x11: {  	s17 =	sadd.s32 s2, s17;
	s18 =	sadd.s32 s2, s18;
	s19 =	sadd.s32 s2, s19  }
0x12: {  	s20 =	simm.s32 $0x2C00;
	s12 =	sadd.s32 s6, s14;
	s13 =	sadd.s32 s5, s14  }
0x13: {  	s6 =	sshrl.u32 s25, $0x2;
	s14 =	smax.u32 s16, $0x1;
	s16 =	sadd.s32 s2, s21  }
0x14: {  	s21 =	simm.s32 $0x1;
	s25 =	simm.s32 $0x6C00;
	s5 =	sadd.s32 s6, s3  }
0x15: {  	s6 =	sadd.s32 s9, s3;
	s9 =	sadd.s32 s31, s3;
	s10 =	sadd.s32 $0xC600, s12  }
0x16: {  	v0 =	vimm.f32 $0.0e+00;
	s11 =	sadd.s32 $0x2600, s13;
	s12 =	sadd.s32 $0xC880, s12;
	s13 =	sadd.s32 $0x2880, s13  }
.LBB2_1:
0x17: {  	s2 =	sand.u32 $0xFE00, s4  }
0x18: {  	s30 =	sand.u32 $0x70, s4;
	s2 =	sshrl.u32 s2, $0x2  }
0x19: {  	s29 =	simm.s32 $0x40;
	s2 =	sor.u32 s30, s2;
	s30 =	simm.s32 $0x0  }
.LBB2_2:
0x1a: {  	p0 =	sne.s32 s29, $0xFFC0  }
0x1b: {  	[tilespmem:s2+$0x2C00] =	vst v0;
	s30 =	sadd.s32 $0x10, s30;
	s2 =	smov.u32 s29;
	s29 =	sadd.s32 $0x40, s29  }
.Ltmp0:
0x1c: {  	(pc) =	sbr.rel @p0 .LBB2_2-.Ltmp0, $4  }
0x1d: {  	_ = 	snop  }
0x1e: {  	s2 =	sand.u32 $0xFE00, s2  }
0x1f: {  	s31 =	sand.u32 $0x70, s30;
	s2 =	sshrl.u32 s2, $0x2  }
0x20: {  	s2 =	sor.u32 s31, s2  }
0x21: {  	[tilespmem:s2+$0x2C00] =	vst v0  }
0x22: {  	[spmem:s5] =	stream.linear.scatter [tilespmem:s20], [sflag:$0x1], $0x4000, $0x38;
	[tilespmem:$0x1EC00] =	vst v63  }
0x23: {  	_ = 	snop  }
0x24: {  	[spmem:s6] =	stream.linear.scatter [tilespmem:s20], [sflag:$0x1], $0x4000, $0x38;
	[tilespmem:$0x1EC00] =	vst v63  }
0x25: {  	_ = 	snop  }
0x26: {  	[spmem:s7] =	stream.linear.scatter [tilespmem:s20], [sflag:$0x1], $0x4000, $0x38;
	[tilespmem:$0x1EC00] =	vst v63  }
0x27: {  	_ = 	snop  }
0x28: {  	[spmem:s8] =	stream.linear.scatter [tilespmem:s20], [sflag:$0x1], $0x4000, $0x38;
	[tilespmem:$0x1EC00] =	vst v63  }
0x29: {  	_ = 	snop  }
0x2a: {  	[spmem:s9] =	stream.linear.scatter [tilespmem:s20], [sflag:$0x1], $0x4000, $0x38;
	[tilespmem:$0x1EC00] =	vst v63  }
0x2b: {  	_ =	swait.ge [sflag:s21], $0x4000  }
0x2c: {  	[sflag:s21] =	ssyncset.done $0x0  }
0x2d: {  	[sflag:s21] =	ssyncadd.s32 $0xFFFFC000  }
0x2e: {  	_ =	swait.ge [sflag:s21], $0x4000  }
0x2f: {  	[sflag:s21] =	ssyncset.done $0x0  }
0x30: {  	[sflag:s21] =	ssyncadd.s32 $0xFFFFC000  }
0x31: {  	_ =	swait.ge [sflag:s21], $0x4000  }
0x32: {  	[sflag:s21] =	ssyncset.done $0x0  }
0x33: {  	[sflag:s21] =	ssyncadd.s32 $0xFFFFC000  }
0x34: {  	_ =	swait.ge [sflag:s21], $0x4000  }
0x35: {  	[sflag:s21] =	ssyncset.done $0x0  }
0x36: {  	[sflag:s21] =	ssyncadd.s32 $0xFFFFC000  }
0x37: {  	_ =	swait.ge [sflag:s21], $0x4000  }
0x38: {  	[sflag:s21] =	ssyncset.done $0x0  }
0x39: {  	[sflag:s21] =	ssyncadd.s32 $0xFFFFC000  }
0x3a: {  	s31 =	simm.s32 $0x0;
	[bflag:$0x0] =	sbarrier.arrive $0xFFFF  }
0x3b: {  	[tilespmem:s31], [sflag:$0x3] =	stream.linear.gather [hbm4b:s10+s31], $0x1800, $0x38;
	[tilespmem:$0x1EC00] =	vst v63  }
0x3c: {  	_ =	swait.ge [sflag:s22], $0x1800  }
0x3d: {  	[sflag:s22] =	ssyncset.done $0x0  }
0x3e: {  	[sflag:s22] =	ssyncadd.s32 $0xFFFFE800  }
0x3f: {  	[tilespmem:s23], [sflag:$0x3] =	stream.linear.gather [hbm4b:s11+s31], $0x1400, $0x38;
	[tilespmem:$0x1EC00] =	vst v63  }
0x40: {  	_ =	swait.ge [sflag:s22], $0x1400  }
0x41: {  	[sflag:s22] =	ssyncset.done $0x0  }
0x42: {  	s31 =	simm.s32 $0x0;
	[sflag:s22] =	ssyncadd.s32 $0xFFFFEC00  }
0x43: {  	[tilespmem:s20], [sflag:$0x1] =	stream.indirect.gather [hbm4b:s1+s24], $0x80, s31, s24, $0xb8;
	[tilespmem:$0x1EC00] =	vst v63  }
0x44: {  	s31 =	simm.s32 $0x80  }
0x45: {  	[tilespmem:s25], [sflag:$0x2] =	stream.indirect.gather [hbm4b:s1+s24], $0x80, s31, s24, $0xb8;
	[tilespmem:$0x1EC00] =	vst v63  }
0x46: {  	_ =	swait.ge [sflag:s21], $0x4000  }
0x47: {  	[sflag:s21] =	ssyncset.done $0x0  }
0x48: {  	s31 =	simm.s32 $0x1800;
	[sflag:s21] =	ssyncadd.s32 $0xFFFFC000  }
0x49: {  	[spmem:s3] =	stream.indirect.scatter.add.f32 [tilespmem:s20], [sflag:$0x3], $0x80, s31, s24, $0xb8;
	[tilespmem:$0x1EC00] =	vst v63  }
0x4a: {  	_ =	swait.ge [sflag:s22], $0x4000  }
0x4b: {  	[sflag:s22] =	ssyncset.done $0x0  }
0x4c: {  	s31 =	simm.s32 $0x100;
	[sflag:s22] =	ssyncadd.s32 $0xFFFFC000  }
0x4d: {  	[tilespmem:s20], [sflag:$0x1] =	stream.indirect.gather [hbm4b:s1+s24], $0x80, s31, s24, $0xb8;
	[tilespmem:$0x1EC00] =	vst v63  }
0x4e: {  	_ =	swait.ge [sflag:s26], $0x4000  }
0x4f: {  	[sflag:s26] =	ssyncset.done $0x0  }
0x50: {  	s31 =	simm.s32 $0x1880;
	[sflag:s26] =	ssyncadd.s32 $0xFFFFC000  }
0x51: {  	[spmem:s3] =	stream.indirect.scatter.add.f32 [tilespmem:s25], [sflag:$0x3], $0x80, s31, s24, $0xb8;
	[tilespmem:$0x1EC00] =	vst v63  }
0x52: {  	_ =	swait.ge [sflag:s22], $0x4000  }
0x53: {  	[sflag:s22] =	ssyncset.done $0x0  }
0x54: {  	s31 =	simm.s32 $0x180;
	[sflag:s22] =	ssyncadd.s32 $0xFFFFC000  }
0x55: {  	[tilespmem:s25], [sflag:$0x2] =	stream.indirect.gather [hbm4b:s1+s24], $0x80, s31, s24, $0xb8;
	[tilespmem:$0x1EC00] =	vst v63  }
0x56: {  	_ =	swait.ge [sflag:s21], $0x4000  }
0x57: {  	[sflag:s21] =	ssyncset.done $0x0  }
0x58: {  	s31 =	simm.s32 $0x1900;
	[sflag:s21] =	ssyncadd.s32 $0xFFFFC000  }
0x59: {  	[spmem:s3] =	stream.indirect.scatter.add.f32 [tilespmem:s20], [sflag:$0x3], $0x80, s31, s24, $0xb8;
	[tilespmem:$0x1EC00] =	vst v63  }
0x5a: {  	_ =	swait.ge [sflag:s22], $0x4000  }
0x5b: {  	[sflag:s22] =	ssyncset.done $0x0  }
0x5c: {  	s31 =	simm.s32 $0x200;
	[sflag:s22] =	ssyncadd.s32 $0xFFFFC000  }
0x5d: {  	[tilespmem:s20], [sflag:$0x1] =	stream.indirect.gather [hbm4b:s1+s24], $0x80, s31, s24, $0xb8;
	[tilespmem:$0x1EC00] =	vst v63  }
0x5e: {  	_ =	swait.ge [sflag:s26], $0x4000  }
0x5f: {  	[sflag:s26] =	ssyncset.done $0x0  }
0x60: {  	s31 =	simm.s32 $0x1980;
	[sflag:s26] =	ssyncadd.s32 $0xFFFFC000  }
0x61: {  	[spmem:s3] =	stream.indirect.scatter.add.f32 [tilespmem:s25], [sflag:$0x3], $0x80, s31, s24, $0xb8;
	[tilespmem:$0x1EC00] =	vst v63  }
0x62: {  	_ =	swait.ge [sflag:s22], $0x4000  }
0x63: {  	[sflag:s22] =	ssyncset.done $0x0  }
0x64: {  	s31 =	simm.s32 $0x280;
	[sflag:s22] =	ssyncadd.s32 $0xFFFFC000  }
0x65: {  	[tilespmem:s25], [sflag:$0x2] =	stream.indirect.gather [hbm4b:s1+s24], $0x80, s31, s24, $0xb8;
	[tilespmem:$0x1EC00] =	vst v63  }
0x66: {  	_ =	swait.ge [sflag:s21], $0x4000  }
0x67: {  	[sflag:s21] =	ssyncset.done $0x0  }
0x68: {  	s31 =	simm.s32 $0x1A00;
	[sflag:s21] =	ssyncadd.s32 $0xFFFFC000  }
0x69: {  	[spmem:s3] =	stream.indirect.scatter.add.f32 [tilespmem:s20], [sflag:$0x3], $0x80, s31, s24, $0xb8;
	[tilespmem:$0x1EC00] =	vst v63  }
0x6a: {  	_ =	swait.ge [sflag:s22], $0x4000  }
0x6b: {  	[sflag:s22] =	ssyncset.done $0x0  }
0x6c: {  	s31 =	simm.s32 $0x300;
	[sflag:s22] =	ssyncadd.s32 $0xFFFFC000  }
0x6d: {  	[tilespmem:s20], [sflag:$0x1] =	stream.indirect.gather [hbm4b:s1+s24], $0x80, s31, s24, $0xb8;
	[tilespmem:$0x1EC00] =	vst v63  }
0x6e: {  	_ =	swait.ge [sflag:s26], $0x4000  }
0x6f: {  	[sflag:s26] =	ssyncset.done $0x0  }
0x70: {  	s31 =	simm.s32 $0x1A80;
	[sflag:s26] =	ssyncadd.s32 $0xFFFFC000  }
0x71: {  	[spmem:s3] =	stream.indirect.scatter.add.f32 [tilespmem:s25], [sflag:$0x3], $0x80, s31, s24, $0xb8;
	[tilespmem:$0x1EC00] =	vst v63  }
0x72: {  	_ =	swait.ge [sflag:s22], $0x4000  }
0x73: {  	[sflag:s22] =	ssyncset.done $0x0  }
0x74: {  	s31 =	simm.s32 $0x380;
	[sflag:s22] =	ssyncadd.s32 $0xFFFFC000  }
0x75: {  	[tilespmem:s25], [sflag:$0x2] =	stream.indirect.gather [hbm4b:s1+s24], $0x80, s31, s24, $0xb8;
	[tilespmem:$0x1EC00] =	vst v63  }
0x76: {  	_ =	swait.ge [sflag:s21], $0x4000  }
0x77: {  	[sflag:s21] =	ssyncset.done $0x0  }
0x78: {  	s31 =	simm.s32 $0x1B00;
	[sflag:s21] =	ssyncadd.s32 $0xFFFFC000  }
0x79: {  	[spmem:s3] =	stream.indirect.scatter.add.f32 [tilespmem:s20], [sflag:$0x3], $0x80, s31, s24, $0xb8;
	[tilespmem:$0x1EC00] =	vst v63  }
0x7a: {  	_ =	swait.ge [sflag:s22], $0x4000  }
0x7b: {  	[sflag:s22] =	ssyncset.done $0x0  }
0x7c: {  	[sflag:s22] =	ssyncadd.s32 $0xFFFFC000  }
0x7d: {  	_ =	swait.ge [sflag:s26], $0x4000  }
0x7e: {  	[sflag:s26] =	ssyncset.done $0x0  }
0x7f: {  	s31 =	simm.s32 $0x1B80;
	[sflag:s26] =	ssyncadd.s32 $0xFFFFC000  }
0x80: {  	[spmem:s3] =	stream.indirect.scatter.add.f32 [tilespmem:s25], [sflag:$0x3], $0x80, s31, s24, $0xb8;
	[tilespmem:$0x1EC00] =	vst v63  }
0x81: {  	_ =	swait.ge [sflag:s22], $0x4000  }
0x82: {  	s29 =	simm.s32 $0x1000;
	s30 =	simm.s32 $0x2000;
	[sflag:s22] =	ssyncset.done $0x0  }
.LBB2_4:
0x83: {  	s31 =	sshra.s32 s29, $0x2  }
0x84: {  	[sflag:s22] =	ssyncadd.s32 $0xFFFFC000;
	s29 =	smov.u32 s30;
	s2 =	sadd.s32 $0x1000, s30  }
0x85: {  	[tilespmem:s20], [sflag:$0x1] =	stream.indirect.gather [hbm4b:s1+s24], $0x80, s31, s24, $0xb8;
	[tilespmem:$0x1EC00] =	vst v63  }
0x86: {  	p0 =	sne.s32 s30, $0x4000;
	s30 =	sadd.s32 $0x80, s31  }
0x87: {  	[tilespmem:s25], [sflag:$0x2] =	stream.indirect.gather [hbm4b:s1+s24], $0x80, s30, s24, $0xb8;
	[tilespmem:$0x1EC00] =	vst v63  }
0x88: {  	_ =	swait.ge [sflag:s21], $0x4000  }
0x89: {  	[sflag:s21] =	ssyncset.done $0x0  }
0x8a: {  	s30 =	sadd.s32 $0x1800, s31;
	[sflag:s21] =	ssyncadd.s32 $0xFFFFC000  }
0x8b: {  	[spmem:s3] =	stream.indirect.scatter.add.f32 [tilespmem:s20], [sflag:$0x3], $0x80, s30, s24, $0xb8;
	[tilespmem:$0x1EC00] =	vst v63  }
0x8c: {  	_ =	swait.ge [sflag:s22], $0x4000  }
0x8d: {  	[sflag:s22] =	ssyncset.done $0x0  }
0x8e: {  	s30 =	sadd.s32 $0x100, s31;
	[sflag:s22] =	ssyncadd.s32 $0xFFFFC000  }
0x8f: {  	[tilespmem:s20], [sflag:$0x1] =	stream.indirect.gather [hbm4b:s1+s24], $0x80, s30, s24, $0xb8;
	[tilespmem:$0x1EC00] =	vst v63  }
0x90: {  	_ =	swait.ge [sflag:s26], $0x4000  }
0x91: {  	[sflag:s26] =	ssyncset.done $0x0  }
0x92: {  	s30 =	sadd.s32 $0x1880, s31;
	[sflag:s26] =	ssyncadd.s32 $0xFFFFC000  }
0x93: {  	[spmem:s3] =	stream.indirect.scatter.add.f32 [tilespmem:s25], [sflag:$0x3], $0x80, s30, s24, $0xb8;
	[tilespmem:$0x1EC00] =	vst v63  }
0x94: {  	_ =	swait.ge [sflag:s22], $0x4000  }
0x95: {  	[sflag:s22] =	ssyncset.done $0x0  }
0x96: {  	s30 =	sadd.s32 $0x180, s31;
	[sflag:s22] =	ssyncadd.s32 $0xFFFFC000  }
0x97: {  	[tilespmem:s25], [sflag:$0x2] =	stream.indirect.gather [hbm4b:s1+s24], $0x80, s30, s24, $0xb8;
	[tilespmem:$0x1EC00] =	vst v63  }
0x98: {  	_ =	swait.ge [sflag:s21], $0x4000  }
0x99: {  	[sflag:s21] =	ssyncset.done $0x0  }
0x9a: {  	s30 =	sadd.s32 $0x1900, s31;
	[sflag:s21] =	ssyncadd.s32 $0xFFFFC000  }
0x9b: {  	[spmem:s3] =	stream.indirect.scatter.add.f32 [tilespmem:s20], [sflag:$0x3], $0x80, s30, s24, $0xb8;
	[tilespmem:$0x1EC00] =	vst v63  }
0x9c: {  	_ =	swait.ge [sflag:s22], $0x4000  }
0x9d: {  	[sflag:s22] =	ssyncset.done $0x0  }
0x9e: {  	s30 =	sadd.s32 $0x200, s31;
	[sflag:s22] =	ssyncadd.s32 $0xFFFFC000  }
0x9f: {  	[tilespmem:s20], [sflag:$0x1] =	stream.indirect.gather [hbm4b:s1+s24], $0x80, s30, s24, $0xb8;
	[tilespmem:$0x1EC00] =	vst v63  }
0xa0: {  	_ =	swait.ge [sflag:s26], $0x4000  }
0xa1: {  	[sflag:s26] =	ssyncset.done $0x0  }
0xa2: {  	s30 =	sadd.s32 $0x1980, s31;
	[sflag:s26] =	ssyncadd.s32 $0xFFFFC000  }
0xa3: {  	[spmem:s3] =	stream.indirect.scatter.add.f32 [tilespmem:s25], [sflag:$0x3], $0x80, s30, s24, $0xb8;
	[tilespmem:$0x1EC00] =	vst v63  }
0xa4: {  	_ =	swait.ge [sflag:s22], $0x4000  }
0xa5: {  	[sflag:s22] =	ssyncset.done $0x0  }
0xa6: {  	s30 =	sadd.s32 $0x280, s31;
	[sflag:s22] =	ssyncadd.s32 $0xFFFFC000  }
0xa7: {  	[tilespmem:s25], [sflag:$0x2] =	stream.indirect.gather [hbm4b:s1+s24], $0x80, s30, s24, $0xb8;
	[tilespmem:$0x1EC00] =	vst v63  }
0xa8: {  	_ =	swait.ge [sflag:s21], $0x4000  }
0xa9: {  	[sflag:s21] =	ssyncset.done $0x0  }
0xaa: {  	s30 =	sadd.s32 $0x1A00, s31;
	[sflag:s21] =	ssyncadd.s32 $0xFFFFC000  }
0xab: {  	[spmem:s3] =	stream.indirect.scatter.add.f32 [tilespmem:s20], [sflag:$0x3], $0x80, s30, s24, $0xb8;
	[tilespmem:$0x1EC00] =	vst v63  }
0xac: {  	_ =	swait.ge [sflag:s22], $0x4000  }
0xad: {  	[sflag:s22] =	ssyncset.done $0x0  }
0xae: {  	s30 =	sadd.s32 $0x300, s31;
	[sflag:s22] =	ssyncadd.s32 $0xFFFFC000  }
0xaf: {  	[tilespmem:s20], [sflag:$0x1] =	stream.indirect.gather [hbm4b:s1+s24], $0x80, s30, s24, $0xb8;
	[tilespmem:$0x1EC00] =	vst v63  }
0xb0: {  	_ =	swait.ge [sflag:s26], $0x4000  }
0xb1: {  	[sflag:s26] =	ssyncset.done $0x0  }
0xb2: {  	s30 =	sadd.s32 $0x1A80, s31;
	[sflag:s26] =	ssyncadd.s32 $0xFFFFC000  }
0xb3: {  	[spmem:s3] =	stream.indirect.scatter.add.f32 [tilespmem:s25], [sflag:$0x3], $0x80, s30, s24, $0xb8;
	[tilespmem:$0x1EC00] =	vst v63  }
0xb4: {  	_ =	swait.ge [sflag:s22], $0x4000  }
0xb5: {  	[sflag:s22] =	ssyncset.done $0x0  }
0xb6: {  	s30 =	sadd.s32 $0x380, s31;
	[sflag:s22] =	ssyncadd.s32 $0xFFFFC000  }
0xb7: {  	[tilespmem:s25], [sflag:$0x2] =	stream.indirect.gather [hbm4b:s1+s24], $0x80, s30, s24, $0xb8;
	[tilespmem:$0x1EC00] =	vst v63  }
0xb8: {  	_ =	swait.ge [sflag:s21], $0x4000  }
0xb9: {  	[sflag:s21] =	ssyncset.done $0x0  }
0xba: {  	s30 =	sadd.s32 $0x1B00, s31;
	[sflag:s21] =	ssyncadd.s32 $0xFFFFC000  }
0xbb: {  	[spmem:s3] =	stream.indirect.scatter.add.f32 [tilespmem:s20], [sflag:$0x3], $0x80, s30, s24, $0xb8;
	[tilespmem:$0x1EC00] =	vst v63  }
0xbc: {  	_ =	swait.ge [sflag:s22], $0x4000  }
0xbd: {  	[sflag:s22] =	ssyncset.done $0x0  }
0xbe: {  	[sflag:s22] =	ssyncadd.s32 $0xFFFFC000  }
0xbf: {  	_ =	swait.ge [sflag:s26], $0x4000  }
.Ltmp1:
0xc0: {  	[sflag:s26] =	ssyncset.done $0x0;
	(pc) =	sbr.rel @p0 .LBB2_4-.Ltmp1, $4  }
0xc1: {  	s30 =	sadd.s32 $0x1B80, s31;
	[sflag:s26] =	ssyncadd.s32 $0xFFFFC000  }
0xc2: {  	[spmem:s3] =	stream.indirect.scatter.add.f32 [tilespmem:s25], [sflag:$0x3], $0x80, s30, s24, $0xb8;
	[tilespmem:$0x1EC00] =	vst v63  }
0xc3: {  	_ =	swait.ge [sflag:s22], $0x4000  }
0xc4: {  	s30 =	smov.u32 s2;
	[sflag:s22] =	ssyncset.done $0x0  }
0xc5: {  	s29 =	sshra.s32 s29, $0x2;
	[sflag:s22] =	ssyncadd.s32 $0xFFFFC000  }
0xc6: {  	[tilespmem:s20], [sflag:$0x1] =	stream.indirect.gather [hbm4b:s1+s24], $0x80, s29, s24, $0xb8;
	[tilespmem:$0x1EC00] =	vst v63  }
0xc7: {  	s2 =	sadd.s32 $0x80, s29  }
0xc8: {  	[tilespmem:s25], [sflag:$0x2] =	stream.indirect.gather [hbm4b:s1+s24], $0x80, s2, s24, $0xb8;
	[tilespmem:$0x1EC00] =	vst v63  }
0xc9: {  	_ =	swait.ge [sflag:s21], $0x4000  }
0xca: {  	[sflag:s21] =	ssyncset.done $0x0  }
0xcb: {  	s31 =	sadd.s32 $0x1800, s29;
	[sflag:s21] =	ssyncadd.s32 $0xFFFFC000  }
0xcc: {  	[spmem:s3] =	stream.indirect.scatter.add.f32 [tilespmem:s20], [sflag:$0x3], $0x80, s31, s24, $0xb8;
	[tilespmem:$0x1EC00] =	vst v63  }
0xcd: {  	_ =	swait.ge [sflag:s22], $0x4000  }
0xce: {  	[sflag:s22] =	ssyncset.done $0x0  }
0xcf: {  	s30 =	sadd.s32 $0x100, s29;
	[sflag:s22] =	ssyncadd.s32 $0xFFFFC000  }
0xd0: {  	[tilespmem:s20], [sflag:$0x1] =	stream.indirect.gather [hbm4b:s1+s24], $0x80, s30, s24, $0xb8;
	[tilespmem:$0x1EC00] =	vst v63  }
0xd1: {  	_ =	swait.ge [sflag:s26], $0x4000  }
0xd2: {  	[sflag:s26] =	ssyncset.done $0x0  }
0xd3: {  	s31 =	sadd.s32 $0x1880, s29;
	[sflag:s26] =	ssyncadd.s32 $0xFFFFC000  }
0xd4: {  	[spmem:s3] =	stream.indirect.scatter.add.f32 [tilespmem:s25], [sflag:$0x3], $0x80, s31, s24, $0xb8;
	[tilespmem:$0x1EC00] =	vst v63  }
0xd5: {  	_ =	swait.ge [sflag:s22], $0x4000  }
0xd6: {  	[sflag:s22] =	ssyncset.done $0x0  }
0xd7: {  	s30 =	sadd.s32 $0x180, s29;
	[sflag:s22] =	ssyncadd.s32 $0xFFFFC000  }
0xd8: {  	[tilespmem:s25], [sflag:$0x2] =	stream.indirect.gather [hbm4b:s1+s24], $0x80, s30, s24, $0xb8;
	[tilespmem:$0x1EC00] =	vst v63  }
0xd9: {  	_ =	swait.ge [sflag:s21], $0x4000  }
0xda: {  	[sflag:s21] =	ssyncset.done $0x0  }
0xdb: {  	s31 =	sadd.s32 $0x1900, s29;
	[sflag:s21] =	ssyncadd.s32 $0xFFFFC000  }
0xdc: {  	[spmem:s3] =	stream.indirect.scatter.add.f32 [tilespmem:s20], [sflag:$0x3], $0x80, s31, s24, $0xb8;
	[tilespmem:$0x1EC00] =	vst v63  }
0xdd: {  	_ =	swait.ge [sflag:s22], $0x4000  }
0xde: {  	[sflag:s22] =	ssyncset.done $0x0  }
0xdf: {  	s30 =	sadd.s32 $0x200, s29;
	[sflag:s22] =	ssyncadd.s32 $0xFFFFC000  }
0xe0: {  	[tilespmem:s20], [sflag:$0x1] =	stream.indirect.gather [hbm4b:s1+s24], $0x80, s30, s24, $0xb8;
	[tilespmem:$0x1EC00] =	vst v63  }
0xe1: {  	_ =	swait.ge [sflag:s26], $0x4000  }
0xe2: {  	[sflag:s26] =	ssyncset.done $0x0  }
0xe3: {  	s31 =	sadd.s32 $0x1980, s29;
	[sflag:s26] =	ssyncadd.s32 $0xFFFFC000  }
0xe4: {  	[spmem:s3] =	stream.indirect.scatter.add.f32 [tilespmem:s25], [sflag:$0x3], $0x80, s31, s24, $0xb8;
	[tilespmem:$0x1EC00] =	vst v63  }
0xe5: {  	_ =	swait.ge [sflag:s22], $0x4000  }
0xe6: {  	[sflag:s22] =	ssyncset.done $0x0  }
0xe7: {  	s30 =	sadd.s32 $0x280, s29;
	[sflag:s22] =	ssyncadd.s32 $0xFFFFC000  }
0xe8: {  	[tilespmem:s25], [sflag:$0x2] =	stream.indirect.gather [hbm4b:s1+s24], $0x80, s30, s24, $0xb8;
	[tilespmem:$0x1EC00] =	vst v63  }
0xe9: {  	_ =	swait.ge [sflag:s21], $0x4000  }
0xea: {  	[sflag:s21] =	ssyncset.done $0x0  }
0xeb: {  	s31 =	sadd.s32 $0x1A00, s29;
	[sflag:s21] =	ssyncadd.s32 $0xFFFFC000  }
0xec: {  	[spmem:s3] =	stream.indirect.scatter.add.f32 [tilespmem:s20], [sflag:$0x3], $0x80, s31, s24, $0xb8;
	[tilespmem:$0x1EC00] =	vst v63  }
0xed: {  	_ =	swait.ge [sflag:s22], $0x4000  }
0xee: {  	[sflag:s22] =	ssyncset.done $0x0  }
0xef: {  	s30 =	sadd.s32 $0x300, s29;
	[sflag:s22] =	ssyncadd.s32 $0xFFFFC000  }
0xf0: {  	[tilespmem:s20], [sflag:$0x1] =	stream.indirect.gather [hbm4b:s1+s24], $0x80, s30, s24, $0xb8;
	[tilespmem:$0x1EC00] =	vst v63  }
0xf1: {  	_ =	swait.ge [sflag:s26], $0x4000  }
0xf2: {  	[sflag:s26] =	ssyncset.done $0x0  }
0xf3: {  	s31 =	sadd.s32 $0x1A80, s29;
	[sflag:s26] =	ssyncadd.s32 $0xFFFFC000  }
0xf4: {  	[spmem:s3] =	stream.indirect.scatter.add.f32 [tilespmem:s25], [sflag:$0x3], $0x80, s31, s24, $0xb8;
	[tilespmem:$0x1EC00] =	vst v63  }
0xf5: {  	_ =	swait.ge [sflag:s22], $0x4000  }
0xf6: {  	[sflag:s22] =	ssyncset.done $0x0  }
0xf7: {  	s30 =	sadd.s32 $0x380, s29;
	[sflag:s22] =	ssyncadd.s32 $0xFFFFC000  }
0xf8: {  	[tilespmem:s25], [sflag:$0x2] =	stream.indirect.gather [hbm4b:s1+s24], $0x80, s30, s24, $0xb8;
	[tilespmem:$0x1EC00] =	vst v63  }
0xf9: {  	_ =	swait.ge [sflag:s21], $0x4000  }
0xfa: {  	[sflag:s21] =	ssyncset.done $0x0  }
0xfb: {  	s31 =	sadd.s32 $0x1B00, s29;
	[sflag:s21] =	ssyncadd.s32 $0xFFFFC000  }
0xfc: {  	[spmem:s3] =	stream.indirect.scatter.add.f32 [tilespmem:s20], [sflag:$0x3], $0x80, s31, s24, $0xb8;
	[tilespmem:$0x1EC00] =	vst v63  }
0xfd: {  	_ =	swait.ge [sflag:s22], $0x4000  }
0xfe: {  	[sflag:s22] =	ssyncset.done $0x0  }
0xff: {  	[sflag:s22] =	ssyncadd.s32 $0xFFFFC000  }
0x100: {  	_ =	swait.ge [sflag:s26], $0x4000  }
0x101: {  	[sflag:s26] =	ssyncset.done $0x0  }
0x102: {  	s30 =	sadd.s32 $0x1B80, s29;
	[sflag:s26] =	ssyncadd.s32 $0xFFFFC000  }
0x103: {  	[spmem:s3] =	stream.indirect.scatter.add.f32 [tilespmem:s25], [sflag:$0x3], $0x80, s30, s24, $0xb8;
	[tilespmem:$0x1EC00] =	vst v63  }
0x104: {  	_ =	swait.ge [sflag:s22], $0x4000  }
0x105: {  	[sflag:s22] =	ssyncset.done $0x0  }
0x106: {  	s31 =	simm.s32 $0x0;
	[sflag:s22] =	ssyncadd.s32 $0xFFFFC000  }
0x107: {  	[tilespmem:s31], [sflag:$0x3] =	stream.linear.gather [hbm4b:s12+s31], $0x1800, $0x38;
	[tilespmem:$0x1EC00] =	vst v63  }
0x108: {  	_ =	swait.ge [sflag:s22], $0x1800  }
0x109: {  	[sflag:s22] =	ssyncset.done $0x0  }
0x10a: {  	[sflag:s22] =	ssyncadd.s32 $0xFFFFE800  }
0x10b: {  	[tilespmem:s23], [sflag:$0x3] =	stream.linear.gather [hbm4b:s13+s31], $0x1400, $0x38;
	[tilespmem:$0x1EC00] =	vst v63  }
0x10c: {  	_ =	swait.ge [sflag:s22], $0x1400  }
0x10d: {  	[sflag:s22] =	ssyncset.done $0x0  }
0x10e: {  	s30 =	simm.s32 $0x0;
	[sflag:s22] =	ssyncadd.s32 $0xFFFFEC00  }
0x10f: {  	[tilespmem:s20], [sflag:$0x1] =	stream.indirect.gather [hbm4b:s1+s24], $0x80, s30, s24, $0xb8;
	[tilespmem:$0x1EC00] =	vst v63  }
0x110: {  	s31 =	simm.s32 $0x80  }
0x111: {  	[tilespmem:s25], [sflag:$0x2] =	stream.indirect.gather [hbm4b:s1+s24], $0x80, s31, s24, $0xb8;
	[tilespmem:$0x1EC00] =	vst v63  }
0x112: {  	_ =	swait.ge [sflag:s21], $0x4000  }
0x113: {  	[sflag:s21] =	ssyncset.done $0x0  }
0x114: {  	s30 =	simm.s32 $0x1800;
	[sflag:s21] =	ssyncadd.s32 $0xFFFFC000  }
0x115: {  	[spmem:s3] =	stream.indirect.scatter.add.f32 [tilespmem:s20], [sflag:$0x3], $0x80, s30, s24, $0xb8;
	[tilespmem:$0x1EC00] =	vst v63  }
0x116: {  	_ =	swait.ge [sflag:s22], $0x4000  }
0x117: {  	[sflag:s22] =	ssyncset.done $0x0  }
0x118: {  	s31 =	simm.s32 $0x100;
	[sflag:s22] =	ssyncadd.s32 $0xFFFFC000  }
0x119: {  	[tilespmem:s20], [sflag:$0x1] =	stream.indirect.gather [hbm4b:s1+s24], $0x80, s31, s24, $0xb8;
	[tilespmem:$0x1EC00] =	vst v63  }
0x11a: {  	_ =	swait.ge [sflag:s26], $0x4000  }
0x11b: {  	[sflag:s26] =	ssyncset.done $0x0  }
0x11c: {  	s30 =	simm.s32 $0x1880;
	[sflag:s26] =	ssyncadd.s32 $0xFFFFC000  }
0x11d: {  	[spmem:s3] =	stream.indirect.scatter.add.f32 [tilespmem:s25], [sflag:$0x3], $0x80, s30, s24, $0xb8;
	[tilespmem:$0x1EC00] =	vst v63  }
0x11e: {  	_ =	swait.ge [sflag:s22], $0x4000  }
0x11f: {  	[sflag:s22] =	ssyncset.done $0x0  }
0x120: {  	s31 =	simm.s32 $0x180;
	[sflag:s22] =	ssyncadd.s32 $0xFFFFC000  }
0x121: {  	[tilespmem:s25], [sflag:$0x2] =	stream.indirect.gather [hbm4b:s1+s24], $0x80, s31, s24, $0xb8;
	[tilespmem:$0x1EC00] =	vst v63  }
0x122: {  	_ =	swait.ge [sflag:s21], $0x4000  }
0x123: {  	[sflag:s21] =	ssyncset.done $0x0  }
0x124: {  	s30 =	simm.s32 $0x1900;
	[sflag:s21] =	ssyncadd.s32 $0xFFFFC000  }
0x125: {  	[spmem:s3] =	stream.indirect.scatter.add.f32 [tilespmem:s20], [sflag:$0x3], $0x80, s30, s24, $0xb8;
	[tilespmem:$0x1EC00] =	vst v63  }
0x126: {  	_ =	swait.ge [sflag:s22], $0x4000  }
0x127: {  	[sflag:s22] =	ssyncset.done $0x0  }
0x128: {  	s31 =	simm.s32 $0x200;
	[sflag:s22] =	ssyncadd.s32 $0xFFFFC000  }
0x129: {  	[tilespmem:s20], [sflag:$0x1] =	stream.indirect.gather [hbm4b:s1+s24], $0x80, s31, s24, $0xb8;
	[tilespmem:$0x1EC00] =	vst v63  }
0x12a: {  	_ =	swait.ge [sflag:s26], $0x4000  }
0x12b: {  	[sflag:s26] =	ssyncset.done $0x0  }
0x12c: {  	s30 =	simm.s32 $0x1980;
	[sflag:s26] =	ssyncadd.s32 $0xFFFFC000  }
0x12d: {  	[spmem:s3] =	stream.indirect.scatter.add.f32 [tilespmem:s25], [sflag:$0x3], $0x80, s30, s24, $0xb8;
	[tilespmem:$0x1EC00] =	vst v63  }
0x12e: {  	_ =	swait.ge [sflag:s22], $0x4000  }
0x12f: {  	[sflag:s22] =	ssyncset.done $0x0  }
0x130: {  	s31 =	simm.s32 $0x280;
	[sflag:s22] =	ssyncadd.s32 $0xFFFFC000  }
0x131: {  	[tilespmem:s25], [sflag:$0x2] =	stream.indirect.gather [hbm4b:s1+s24], $0x80, s31, s24, $0xb8;
	[tilespmem:$0x1EC00] =	vst v63  }
0x132: {  	_ =	swait.ge [sflag:s21], $0x4000  }
0x133: {  	[sflag:s21] =	ssyncset.done $0x0  }
0x134: {  	s30 =	simm.s32 $0x1A00;
	[sflag:s21] =	ssyncadd.s32 $0xFFFFC000  }
0x135: {  	[spmem:s3] =	stream.indirect.scatter.add.f32 [tilespmem:s20], [sflag:$0x3], $0x80, s30, s24, $0xb8;
	[tilespmem:$0x1EC00] =	vst v63  }
0x136: {  	_ =	swait.ge [sflag:s22], $0x4000  }
0x137: {  	[sflag:s22] =	ssyncset.done $0x0  }
0x138: {  	s31 =	simm.s32 $0x300;
	[sflag:s22] =	ssyncadd.s32 $0xFFFFC000  }
0x139: {  	[tilespmem:s20], [sflag:$0x1] =	stream.indirect.gather [hbm4b:s1+s24], $0x80, s31, s24, $0xb8;
	[tilespmem:$0x1EC00] =	vst v63  }
0x13a: {  	_ =	swait.ge [sflag:s26], $0x4000  }
0x13b: {  	[sflag:s26] =	ssyncset.done $0x0  }
0x13c: {  	s30 =	simm.s32 $0x1A80;
	[sflag:s26] =	ssyncadd.s32 $0xFFFFC000  }
0x13d: {  	[spmem:s3] =	stream.indirect.scatter.add.f32 [tilespmem:s25], [sflag:$0x3], $0x80, s30, s24, $0xb8;
	[tilespmem:$0x1EC00] =	vst v63  }
0x13e: {  	_ =	swait.ge [sflag:s22], $0x4000  }
0x13f: {  	[sflag:s22] =	ssyncset.done $0x0  }
0x140: {  	s31 =	simm.s32 $0x380;
	[sflag:s22] =	ssyncadd.s32 $0xFFFFC000  }
0x141: {  	[tilespmem:s25], [sflag:$0x2] =	stream.indirect.gather [hbm4b:s1+s24], $0x80, s31, s24, $0xb8;
	[tilespmem:$0x1EC00] =	vst v63  }
0x142: {  	_ =	swait.ge [sflag:s21], $0x4000  }
0x143: {  	[sflag:s21] =	ssyncset.done $0x0  }
0x144: {  	s30 =	simm.s32 $0x1B00;
	[sflag:s21] =	ssyncadd.s32 $0xFFFFC000  }
0x145: {  	[spmem:s3] =	stream.indirect.scatter.add.f32 [tilespmem:s20], [sflag:$0x3], $0x80, s30, s24, $0xb8;
	[tilespmem:$0x1EC00] =	vst v63  }
0x146: {  	_ =	swait.ge [sflag:s22], $0x4000  }
0x147: {  	[sflag:s22] =	ssyncset.done $0x0  }
0x148: {  	[sflag:s22] =	ssyncadd.s32 $0xFFFFC000  }
0x149: {  	_ =	swait.ge [sflag:s26], $0x4000  }
0x14a: {  	[sflag:s26] =	ssyncset.done $0x0  }
0x14b: {  	s31 =	simm.s32 $0x1B80;
	[sflag:s26] =	ssyncadd.s32 $0xFFFFC000  }
0x14c: {  	[spmem:s3] =	stream.indirect.scatter.add.f32 [tilespmem:s25], [sflag:$0x3], $0x80, s31, s24, $0xb8;
	[tilespmem:$0x1EC00] =	vst v63  }
0x14d: {  	_ =	swait.ge [sflag:s22], $0x4000  }
0x14e: {  	s2 =	simm.s32 $0x2000;
	s29 =	simm.s32 $0x1000;
	[sflag:s22] =	ssyncset.done $0x0  }
.LBB2_6:
0x14f: {  	s31 =	sshra.s32 s29, $0x2  }
0x150: {  	[sflag:s22] =	ssyncadd.s32 $0xFFFFC000;
	s29 =	smov.u32 s2;
	s30 =	sadd.s32 $0x1000, s2  }
0x151: {  	[tilespmem:s20], [sflag:$0x1] =	stream.indirect.gather [hbm4b:s1+s24], $0x80, s31, s24, $0xb8;
	[tilespmem:$0x1EC00] =	vst v63  }
0x152: {  	p0 =	sne.s32 s2, $0x4000;
	s2 =	sadd.s32 $0x80, s31  }
0x153: {  	[tilespmem:s25], [sflag:$0x2] =	stream.indirect.gather [hbm4b:s1+s24], $0x80, s2, s24, $0xb8;
	[tilespmem:$0x1EC00] =	vst v63  }
0x154: {  	_ =	swait.ge [sflag:s21], $0x4000  }
0x155: {  	[sflag:s21] =	ssyncset.done $0x0  }
0x156: {  	s2 =	sadd.s32 $0x1800, s31;
	[sflag:s21] =	ssyncadd.s32 $0xFFFFC000  }
0x157: {  	[spmem:s3] =	stream.indirect.scatter.add.f32 [tilespmem:s20], [sflag:$0x3], $0x80, s2, s24, $0xb8;
	[tilespmem:$0x1EC00] =	vst v63  }
0x158: {  	_ =	swait.ge [sflag:s22], $0x4000  }
0x159: {  	[sflag:s22] =	ssyncset.done $0x0  }
0x15a: {  	s2 =	sadd.s32 $0x100, s31;
	[sflag:s22] =	ssyncadd.s32 $0xFFFFC000  }
0x15b: {  	[tilespmem:s20], [sflag:$0x1] =	stream.indirect.gather [hbm4b:s1+s24], $0x80, s2, s24, $0xb8;
	[tilespmem:$0x1EC00] =	vst v63  }
0x15c: {  	_ =	swait.ge [sflag:s26], $0x4000  }
0x15d: {  	[sflag:s26] =	ssyncset.done $0x0  }
0x15e: {  	s2 =	sadd.s32 $0x1880, s31;
	[sflag:s26] =	ssyncadd.s32 $0xFFFFC000  }
0x15f: {  	[spmem:s3] =	stream.indirect.scatter.add.f32 [tilespmem:s25], [sflag:$0x3], $0x80, s2, s24, $0xb8;
	[tilespmem:$0x1EC00] =	vst v63  }
0x160: {  	_ =	swait.ge [sflag:s22], $0x4000  }
0x161: {  	[sflag:s22] =	ssyncset.done $0x0  }
0x162: {  	s2 =	sadd.s32 $0x180, s31;
	[sflag:s22] =	ssyncadd.s32 $0xFFFFC000  }
0x163: {  	[tilespmem:s25], [sflag:$0x2] =	stream.indirect.gather [hbm4b:s1+s24], $0x80, s2, s24, $0xb8;
	[tilespmem:$0x1EC00] =	vst v63  }
0x164: {  	_ =	swait.ge [sflag:s21], $0x4000  }
0x165: {  	[sflag:s21] =	ssyncset.done $0x0  }
0x166: {  	s2 =	sadd.s32 $0x1900, s31;
	[sflag:s21] =	ssyncadd.s32 $0xFFFFC000  }
0x167: {  	[spmem:s3] =	stream.indirect.scatter.add.f32 [tilespmem:s20], [sflag:$0x3], $0x80, s2, s24, $0xb8;
	[tilespmem:$0x1EC00] =	vst v63  }
0x168: {  	_ =	swait.ge [sflag:s22], $0x4000  }
0x169: {  	[sflag:s22] =	ssyncset.done $0x0  }
0x16a: {  	s2 =	sadd.s32 $0x200, s31;
	[sflag:s22] =	ssyncadd.s32 $0xFFFFC000  }
0x16b: {  	[tilespmem:s20], [sflag:$0x1] =	stream.indirect.gather [hbm4b:s1+s24], $0x80, s2, s24, $0xb8;
	[tilespmem:$0x1EC00] =	vst v63  }
0x16c: {  	_ =	swait.ge [sflag:s26], $0x4000  }
0x16d: {  	[sflag:s26] =	ssyncset.done $0x0  }
0x16e: {  	s2 =	sadd.s32 $0x1980, s31;
	[sflag:s26] =	ssyncadd.s32 $0xFFFFC000  }
0x16f: {  	[spmem:s3] =	stream.indirect.scatter.add.f32 [tilespmem:s25], [sflag:$0x3], $0x80, s2, s24, $0xb8;
	[tilespmem:$0x1EC00] =	vst v63  }
0x170: {  	_ =	swait.ge [sflag:s22], $0x4000  }
0x171: {  	[sflag:s22] =	ssyncset.done $0x0  }
0x172: {  	s2 =	sadd.s32 $0x280, s31;
	[sflag:s22] =	ssyncadd.s32 $0xFFFFC000  }
0x173: {  	[tilespmem:s25], [sflag:$0x2] =	stream.indirect.gather [hbm4b:s1+s24], $0x80, s2, s24, $0xb8;
	[tilespmem:$0x1EC00] =	vst v63  }
0x174: {  	_ =	swait.ge [sflag:s21], $0x4000  }
0x175: {  	[sflag:s21] =	ssyncset.done $0x0  }
0x176: {  	s2 =	sadd.s32 $0x1A00, s31;
	[sflag:s21] =	ssyncadd.s32 $0xFFFFC000  }
0x177: {  	[spmem:s3] =	stream.indirect.scatter.add.f32 [tilespmem:s20], [sflag:$0x3], $0x80, s2, s24, $0xb8;
	[tilespmem:$0x1EC00] =	vst v63  }
0x178: {  	_ =	swait.ge [sflag:s22], $0x4000  }
0x179: {  	[sflag:s22] =	ssyncset.done $0x0  }
0x17a: {  	s2 =	sadd.s32 $0x300, s31;
	[sflag:s22] =	ssyncadd.s32 $0xFFFFC000  }
0x17b: {  	[tilespmem:s20], [sflag:$0x1] =	stream.indirect.gather [hbm4b:s1+s24], $0x80, s2, s24, $0xb8;
	[tilespmem:$0x1EC00] =	vst v63  }
0x17c: {  	_ =	swait.ge [sflag:s26], $0x4000  }
0x17d: {  	[sflag:s26] =	ssyncset.done $0x0  }
0x17e: {  	s2 =	sadd.s32 $0x1A80, s31;
	[sflag:s26] =	ssyncadd.s32 $0xFFFFC000  }
0x17f: {  	[spmem:s3] =	stream.indirect.scatter.add.f32 [tilespmem:s25], [sflag:$0x3], $0x80, s2, s24, $0xb8;
	[tilespmem:$0x1EC00] =	vst v63  }
0x180: {  	_ =	swait.ge [sflag:s22], $0x4000  }
0x181: {  	[sflag:s22] =	ssyncset.done $0x0  }
0x182: {  	s2 =	sadd.s32 $0x380, s31;
	[sflag:s22] =	ssyncadd.s32 $0xFFFFC000  }
0x183: {  	[tilespmem:s25], [sflag:$0x2] =	stream.indirect.gather [hbm4b:s1+s24], $0x80, s2, s24, $0xb8;
	[tilespmem:$0x1EC00] =	vst v63  }
0x184: {  	_ =	swait.ge [sflag:s21], $0x4000  }
0x185: {  	[sflag:s21] =	ssyncset.done $0x0  }
0x186: {  	s2 =	sadd.s32 $0x1B00, s31;
	[sflag:s21] =	ssyncadd.s32 $0xFFFFC000  }
0x187: {  	[spmem:s3] =	stream.indirect.scatter.add.f32 [tilespmem:s20], [sflag:$0x3], $0x80, s2, s24, $0xb8;
	[tilespmem:$0x1EC00] =	vst v63  }
0x188: {  	_ =	swait.ge [sflag:s22], $0x4000  }
0x189: {  	[sflag:s22] =	ssyncset.done $0x0  }
0x18a: {  	[sflag:s22] =	ssyncadd.s32 $0xFFFFC000  }
0x18b: {  	_ =	swait.ge [sflag:s26], $0x4000  }
.Ltmp2:
0x18c: {  	[sflag:s26] =	ssyncset.done $0x0;
	(pc) =	sbr.rel @p0 .LBB2_6-.Ltmp2, $4  }
0x18d: {  	s2 =	sadd.s32 $0x1B80, s31;
	[sflag:s26] =	ssyncadd.s32 $0xFFFFC000  }
0x18e: {  	[spmem:s3] =	stream.indirect.scatter.add.f32 [tilespmem:s25], [sflag:$0x3], $0x80, s2, s24, $0xb8;
	[tilespmem:$0x1EC00] =	vst v63  }
0x18f: {  	_ =	swait.ge [sflag:s22], $0x4000  }
0x190: {  	s2 =	smov.u32 s30;
	[sflag:s22] =	ssyncset.done $0x0  }
0x191: {  	s29 =	sshra.s32 s29, $0x2;
	[sflag:s22] =	ssyncadd.s32 $0xFFFFC000  }
0x192: {  	[tilespmem:s20], [sflag:$0x1] =	stream.indirect.gather [hbm4b:s1+s24], $0x80, s29, s24, $0xb8;
	[tilespmem:$0x1EC00] =	vst v63  }
0x193: {  	s2 =	sadd.s32 $0x80, s29  }
0x194: {  	[tilespmem:s25], [sflag:$0x2] =	stream.indirect.gather [hbm4b:s1+s24], $0x80, s2, s24, $0xb8;
	[tilespmem:$0x1EC00] =	vst v63  }
0x195: {  	_ =	swait.ge [sflag:s21], $0x4000  }
0x196: {  	[sflag:s21] =	ssyncset.done $0x0  }
0x197: {  	s30 =	sadd.s32 $0x1800, s29;
	[sflag:s21] =	ssyncadd.s32 $0xFFFFC000  }
0x198: {  	[spmem:s3] =	stream.indirect.scatter.add.f32 [tilespmem:s20], [sflag:$0x3], $0x80, s30, s24, $0xb8;
	[tilespmem:$0x1EC00] =	vst v63  }
0x199: {  	_ =	swait.ge [sflag:s22], $0x4000  }
0x19a: {  	[sflag:s22] =	ssyncset.done $0x0  }
0x19b: {  	s31 =	sadd.s32 $0x100, s29;
	[sflag:s22] =	ssyncadd.s32 $0xFFFFC000  }
0x19c: {  	[tilespmem:s20], [sflag:$0x1] =	stream.indirect.gather [hbm4b:s1+s24], $0x80, s31, s24, $0xb8;
	[tilespmem:$0x1EC00] =	vst v63  }
0x19d: {  	_ =	swait.ge [sflag:s26], $0x4000  }
0x19e: {  	[sflag:s26] =	ssyncset.done $0x0  }
0x19f: {  	s30 =	sadd.s32 $0x1880, s29;
	[sflag:s26] =	ssyncadd.s32 $0xFFFFC000  }
0x1a0: {  	[spmem:s3] =	stream.indirect.scatter.add.f32 [tilespmem:s25], [sflag:$0x3], $0x80, s30, s24, $0xb8;
	[tilespmem:$0x1EC00] =	vst v63  }
0x1a1: {  	_ =	swait.ge [sflag:s22], $0x4000  }
0x1a2: {  	[sflag:s22] =	ssyncset.done $0x0  }
0x1a3: {  	s31 =	sadd.s32 $0x180, s29;
	[sflag:s22] =	ssyncadd.s32 $0xFFFFC000  }
0x1a4: {  	[tilespmem:s25], [sflag:$0x2] =	stream.indirect.gather [hbm4b:s1+s24], $0x80, s31, s24, $0xb8;
	[tilespmem:$0x1EC00] =	vst v63  }
0x1a5: {  	_ =	swait.ge [sflag:s21], $0x4000  }
0x1a6: {  	[sflag:s21] =	ssyncset.done $0x0  }
0x1a7: {  	s30 =	sadd.s32 $0x1900, s29;
	[sflag:s21] =	ssyncadd.s32 $0xFFFFC000  }
0x1a8: {  	[spmem:s3] =	stream.indirect.scatter.add.f32 [tilespmem:s20], [sflag:$0x3], $0x80, s30, s24, $0xb8;
	[tilespmem:$0x1EC00] =	vst v63  }
0x1a9: {  	_ =	swait.ge [sflag:s22], $0x4000  }
0x1aa: {  	[sflag:s22] =	ssyncset.done $0x0  }
0x1ab: {  	s31 =	sadd.s32 $0x200, s29;
	[sflag:s22] =	ssyncadd.s32 $0xFFFFC000  }
0x1ac: {  	[tilespmem:s20], [sflag:$0x1] =	stream.indirect.gather [hbm4b:s1+s24], $0x80, s31, s24, $0xb8;
	[tilespmem:$0x1EC00] =	vst v63  }
0x1ad: {  	_ =	swait.ge [sflag:s26], $0x4000  }
0x1ae: {  	[sflag:s26] =	ssyncset.done $0x0  }
0x1af: {  	s30 =	sadd.s32 $0x1980, s29;
	[sflag:s26] =	ssyncadd.s32 $0xFFFFC000  }
0x1b0: {  	[spmem:s3] =	stream.indirect.scatter.add.f32 [tilespmem:s25], [sflag:$0x3], $0x80, s30, s24, $0xb8;
	[tilespmem:$0x1EC00] =	vst v63  }
0x1b1: {  	_ =	swait.ge [sflag:s22], $0x4000  }
0x1b2: {  	[sflag:s22] =	ssyncset.done $0x0  }
0x1b3: {  	s31 =	sadd.s32 $0x280, s29;
	[sflag:s22] =	ssyncadd.s32 $0xFFFFC000  }
0x1b4: {  	[tilespmem:s25], [sflag:$0x2] =	stream.indirect.gather [hbm4b:s1+s24], $0x80, s31, s24, $0xb8;
	[tilespmem:$0x1EC00] =	vst v63  }
0x1b5: {  	_ =	swait.ge [sflag:s21], $0x4000  }
0x1b6: {  	[sflag:s21] =	ssyncset.done $0x0  }
0x1b7: {  	s30 =	sadd.s32 $0x1A00, s29;
	[sflag:s21] =	ssyncadd.s32 $0xFFFFC000  }
0x1b8: {  	[spmem:s3] =	stream.indirect.scatter.add.f32 [tilespmem:s20], [sflag:$0x3], $0x80, s30, s24, $0xb8;
	[tilespmem:$0x1EC00] =	vst v63  }
0x1b9: {  	_ =	swait.ge [sflag:s22], $0x4000  }
0x1ba: {  	[sflag:s22] =	ssyncset.done $0x0  }
0x1bb: {  	s31 =	sadd.s32 $0x300, s29;
	[sflag:s22] =	ssyncadd.s32 $0xFFFFC000  }
0x1bc: {  	[tilespmem:s20], [sflag:$0x1] =	stream.indirect.gather [hbm4b:s1+s24], $0x80, s31, s24, $0xb8;
	[tilespmem:$0x1EC00] =	vst v63  }
0x1bd: {  	_ =	swait.ge [sflag:s26], $0x4000  }
0x1be: {  	[sflag:s26] =	ssyncset.done $0x0  }
0x1bf: {  	s30 =	sadd.s32 $0x1A80, s29;
	[sflag:s26] =	ssyncadd.s32 $0xFFFFC000  }
0x1c0: {  	[spmem:s3] =	stream.indirect.scatter.add.f32 [tilespmem:s25], [sflag:$0x3], $0x80, s30, s24, $0xb8;
	[tilespmem:$0x1EC00] =	vst v63  }
0x1c1: {  	_ =	swait.ge [sflag:s22], $0x4000  }
0x1c2: {  	[sflag:s22] =	ssyncset.done $0x0  }
0x1c3: {  	s31 =	sadd.s32 $0x380, s29;
	[sflag:s22] =	ssyncadd.s32 $0xFFFFC000  }
0x1c4: {  	[tilespmem:s25], [sflag:$0x2] =	stream.indirect.gather [hbm4b:s1+s24], $0x80, s31, s24, $0xb8;
	[tilespmem:$0x1EC00] =	vst v63  }
0x1c5: {  	_ =	swait.ge [sflag:s21], $0x4000  }
0x1c6: {  	[sflag:s21] =	ssyncset.done $0x0  }
0x1c7: {  	s30 =	sadd.s32 $0x1B00, s29;
	[sflag:s21] =	ssyncadd.s32 $0xFFFFC000  }
0x1c8: {  	[spmem:s3] =	stream.indirect.scatter.add.f32 [tilespmem:s20], [sflag:$0x3], $0x80, s30, s24, $0xb8;
	[tilespmem:$0x1EC00] =	vst v63  }
0x1c9: {  	_ =	swait.ge [sflag:s22], $0x4000  }
0x1ca: {  	[sflag:s22] =	ssyncset.done $0x0  }
0x1cb: {  	[sflag:s22] =	ssyncadd.s32 $0xFFFFC000  }
0x1cc: {  	_ =	swait.ge [sflag:s26], $0x4000  }
0x1cd: {  	[sflag:s26] =	ssyncset.done $0x0  }
0x1ce: {  	s31 =	sadd.s32 $0x1B80, s29;
	[sflag:s26] =	ssyncadd.s32 $0xFFFFC000  }
0x1cf: {  	[spmem:s3] =	stream.indirect.scatter.add.f32 [tilespmem:s25], [sflag:$0x3], $0x80, s31, s24, $0xb8;
	[tilespmem:$0x1EC00] =	vst v63  }
0x1d0: {  	_ =	swait.ge [sflag:s22], $0x4000  }
0x1d1: {  	[sflag:s22] =	ssyncset.done $0x0  }
0x1d2: {  	[sflag:s22] =	ssyncadd.s32 $0xFFFFC000  }
0x1d3: {  	[bflag:$0x0] =	sbarrier.arrive $0xFFFF  }
0x1d4: {  	[tilespmem:s20], [sflag:$0x1] =	stream.linear.gather [spmem:s5], $0x4000, $0x38;
	[tilespmem:$0x1EC00] =	vst v63  }
0x1d5: {  	_ = 	snop  }
0x1d6: {  	[tilespmem:s25], [sflag:$0x2] =	stream.linear.gather [spmem:s6], $0x4000, $0x38;
	[tilespmem:$0x1EC00] =	vst v63  }
0x1d7: {  	_ =	swait.ge [sflag:s21], $0x4000  }
0x1d8: {  	[sflag:s21] =	ssyncset.done $0x0  }
0x1d9: {  	[sflag:s21] =	ssyncadd.s32 $0xFFFFC000  }
0x1da: {  	[hbm4b:s15+s4] =	stream.linear.scatter [tilespmem:s20], [sflag:$0x3], $0x4000, $0x38;
	[tilespmem:$0x1EC00] =	vst v63  }
0x1db: {  	_ =	swait.ge [sflag:s22], $0x4000  }
0x1dc: {  	[sflag:s22] =	ssyncset.done $0x0  }
0x1dd: {  	[sflag:s22] =	ssyncadd.s32 $0xFFFFC000  }
0x1de: {  	[tilespmem:s20], [sflag:$0x1] =	stream.linear.gather [spmem:s7], $0x4000, $0x38;
	[tilespmem:$0x1EC00] =	vst v63  }
0x1df: {  	_ =	swait.ge [sflag:s26], $0x4000  }
0x1e0: {  	[sflag:s26] =	ssyncset.done $0x0  }
0x1e1: {  	[sflag:s26] =	ssyncadd.s32 $0xFFFFC000  }
0x1e2: {  	[hbm4b:s16+s4] =	stream.linear.scatter [tilespmem:s25], [sflag:$0x3], $0x4000, $0x38;
	[tilespmem:$0x1EC00] =	vst v63  }
0x1e3: {  	_ =	swait.ge [sflag:s22], $0x4000  }
0x1e4: {  	[sflag:s22] =	ssyncset.done $0x0  }
0x1e5: {  	[sflag:s22] =	ssyncadd.s32 $0xFFFFC000  }
0x1e6: {  	[tilespmem:s25], [sflag:$0x2] =	stream.linear.gather [spmem:s8], $0x4000, $0x38;
	[tilespmem:$0x1EC00] =	vst v63  }
0x1e7: {  	_ =	swait.ge [sflag:s21], $0x4000  }
0x1e8: {  	[sflag:s21] =	ssyncset.done $0x0  }
0x1e9: {  	[sflag:s21] =	ssyncadd.s32 $0xFFFFC000  }
0x1ea: {  	[hbm4b:s17+s4] =	stream.linear.scatter [tilespmem:s20], [sflag:$0x3], $0x4000, $0x38;
	[tilespmem:$0x1EC00] =	vst v63  }
0x1eb: {  	_ =	swait.ge [sflag:s22], $0x4000  }
0x1ec: {  	[sflag:s22] =	ssyncset.done $0x0  }
0x1ed: {  	[sflag:s22] =	ssyncadd.s32 $0xFFFFC000  }
0x1ee: {  	[tilespmem:s20], [sflag:$0x1] =	stream.linear.gather [spmem:s9], $0x4000, $0x38;
	[tilespmem:$0x1EC00] =	vst v63  }
0x1ef: {  	_ =	swait.ge [sflag:s26], $0x4000  }
0x1f0: {  	[sflag:s26] =	ssyncset.done $0x0  }
0x1f1: {  	[sflag:s26] =	ssyncadd.s32 $0xFFFFC000  }
0x1f2: {  	[hbm4b:s18+s4] =	stream.linear.scatter [tilespmem:s25], [sflag:$0x3], $0x4000, $0x38;
	[tilespmem:$0x1EC00] =	vst v63  }
0x1f3: {  	_ =	swait.ge [sflag:s22], $0x4000  }
0x1f4: {  	[sflag:s22] =	ssyncset.done $0x0  }
0x1f5: {  	[sflag:s22] =	ssyncadd.s32 $0xFFFFC000  }
0x1f6: {  	s28 =	sadd.s32 $0x1, s28;
	_ =	swait.ge [sflag:s21], $0x4000  }
0x1f7: {  	p0 =	sne.s32 s28, s14;
	[sflag:s21] =	ssyncset.done $0x0  }
.Ltmp3:
0x1f8: {  	[sflag:s21] =	ssyncadd.s32 $0xFFFFC000;
	(pc) =	sbr.rel @p0 .LBB2_1-.Ltmp3, $4  }
0x1f9: {  	[hbm4b:s19+s4] =	stream.linear.scatter [tilespmem:s20], [sflag:$0x3], $0x4000, $0x38;
	[tilespmem:$0x1EC00] =	vst v63  }
0x1fa: {  	_ =	swait.ge [sflag:s22], $0x4000  }
0x1fb: {  	[sflag:s22] =	ssyncset.done $0x0  }
0x1fc: {  	[sflag:s22] =	ssyncadd.s32 $0xFFFFC000  }
0x1fd: {  	_ =	sfence.sel $0x180000  }
0x1fe: {  	[bflag:$0x0] =	sbarrier.arrive $0xFFFF  }
0x1ff: {  	_ =	strace $0x90000047  }
0x200: {  	[bflag:$0x2] =	sbarrier.arrive $0xFFFF  }
0x201: {  	p0 =	sne.s32 s0, $0x0;
	s0 =	rddreg [dreg:$0x3]  }
0x202: {  	s0 =	sadd.s32 @!p0 $0x100000, s0  }
0x203: {  	[sflag:s0] =	ssyncadd.tile.s32 @!p0 $0x1;
	_ =	shalt  }
.Lfunc_end2:
_tile_overlayer_lowered:
.L_overlay_start_2:
0x204: {  	(tag) =	ssettag $0x2  }
0x205: {  	s0 =	rddreg [dreg:$0x0];
	s2 =	stileid.u32  }
0x206: {  	s1 =	rddreg [dreg:$0x1];
	p0 =	sne.s32 s2, $0x0  }
0x207: {  	s3 =	rddreg [dreg:$0x2];
	[bflag:$0x3] =	sbarrier.arrive $0xFFFF;
	s2 =	simm.s32 @!p0 $0x1C03  }
0x208: {  	[timem:s3], [sflag:s2] =	dma.local @!p0 [hbm:s0], s1  }
0x209: {  	s0 =	simm.s32 @!p0 $0x3  }
0x20a: {  	_ =	swait.ge @!p0 [sflag:s0], s1  }
0x20b: {  	s1 =	ssub.s32 @!p0 $0x0, s1;
	[sflag:s0] =	ssyncset.done @!p0 $0x0  }
0x20c: {  	[sflag:s0] =	ssyncadd.s32 @!p0 s1  }
0x20d: {  	[bflag:$0x3] =	sbarrier.arrive $0xFFFF  }
0x20e: {  	_ =	shalt  }

</sc_bundles>
